<compile_context>
chip_gen: v7x
topology: tpu7x:2x2x1
jax: 0.10.2.dev20260603
libtpu: 0.0.44.dev20260713+nightly
codegen_flags: <defaults>
</compile_context>

<pallas_src>
import functools

import jax
import jax.numpy as jnp
from jax import lax
from jax.experimental import pallas as pl
from jax.experimental.pallas import tpu as pltpu
from jax.experimental.pallas import tpu_sc as plsc

_ATTR_INDEX = 8

_NC = 2
_NS = 16
_L = 16
_NW = _NC * _NS
_CH = 256
_NBUF = 3


def _make_sc_kernel(B, D, C):
    n = B // _NW
    nch = n // _CH

    mesh = plsc.VectorSubcoreMesh(core_axis_name="c", subcore_axis_name="s")

    @functools.partial(
        pl.kernel,
        mesh=mesh,
        out_type=jax.ShapeDtypeStruct((B,), jnp.float32),
        compiler_params=pltpu.CompilerParams(needs_layout_passes=False),
        scratch_types=[
            pltpu.VMEM((n,), jnp.int32),
            pltpu.VMEM((_NBUF * _CH, C), jnp.float32),
            pltpu.VMEM((n,), jnp.float32),
            pltpu.SemaphoreType.DMA,
            pltpu.SemaphoreType.DMA,
        ],
    )
    def k(zcol_hbm, a_hbm, out_hbm, zcol, abuf, obuf, zsem, asem):
        wid = lax.axis_index("s") * _NC + lax.axis_index("c")
        base = wid * n

        iota = lax.iota(jnp.int32, _L)

        def a_copy(ch):
            return pltpu.make_async_copy(
                a_hbm.at[pl.ds(base + ch * _CH, _CH)],
                abuf.at[pl.ds((ch % _NBUF) * _CH, _CH)],
                asem,
            )

        for ch in range(min(_NBUF - 1, nch)):
            a_copy(ch).start()

        zc = pltpu.make_async_copy(zcol_hbm.at[pl.ds(base, n)], zcol, zsem)
        zc.start()
        zc.wait()

        for ch in range(nch):
            a_copy(ch).wait()
            if ch + _NBUF - 1 < nch:
                a_copy(ch + _NBUF - 1).start()
            par = (ch % _NBUF) * _CH

            def extract(j, carry, ch=ch, par=par):
                rows = par + j * _L + iota
                idxv = zcol[pl.ds(ch * _CH + j * _L, _L)]
                av = plsc.load_gather(abuf, [rows, idxv])
                obuf[pl.ds(ch * _CH + j * _L, _L)] = av * jnp.float32(0.999)
                return carry

            lax.fori_loop(0, _CH // _L, extract, 0)

        pltpu.sync_copy(obuf, out_hbm.at[pl.ds(base, n)])

    return k


@jax.jit
def kernel(z, a):
    b, c = a.shape
    zcol = z[:, _ATTR_INDEX].astype(jnp.int32)
    return _make_sc_kernel(b, z.shape[1], c)(zcol, a)

# --- scband reference (transcript-rebuilt; emitter-appended) ---
"""Pipeline reference for scband-fcnnvaluation-module-33646773797502 (READ-ONLY COPY).

The authoritative reference and input builder live on the scoring server;
editing this copy changes nothing except your own understanding.
"""

import jax, jax.numpy as jnp
import numpy as np

ATTR_INDEX = 8  # config.group_tensor_index['color_counter'] hardcoded


def setup_inputs(seed: int = 0) -> dict:
    key = jax.random.key(seed)
    k1, k2, k3 = jax.random.split(key, 3)
    B, D, C = 262144, 32, 64
    z = jax.random.normal(k1, (B, D), dtype=jnp.float32)
    # the attr_index column holds integer class indices stored as floats
    idx = jax.random.randint(k2, (B,), 0, C)
    z = z.at[:, ATTR_INDEX].set(idx.astype(jnp.float32))
    a = jax.random.uniform(k3, (B, C), dtype=jnp.float32)
    return {"z": z, "a": a}


def reference(z, a):
    # torch: z_color_counter = zeros(a.shape); loop i: z_color_counter[i, idx[i]] = 0.999
    tensor_index = z[:, ATTR_INDEX].astype(jnp.int32)
    B, C = a.shape
    z_color_counter = jnp.zeros((B, C), dtype=jnp.float32)
    z_color_counter = z_color_counter.at[jnp.arange(B), tensor_index].set(0.999)
    return (a * z_color_counter).sum(axis=1)

if __name__ == "__main__":
    import jax
    _d = setup_inputs()
    print(jax.jit(kernel)(*tuple(_d.values())))

</pallas_src>

<mosaic_0001>
#map = affine_map<(d0, d1) -> (0)>
#map1 = affine_map<(d0, d1) -> (0, 0)>
module attributes {stable_mosaic.version = 14 : i64} {
  func.func @k(%arg0: i32, %arg1: i32, %arg2: memref<262144xi32, #tpu.memory_space<hbm>>, %arg3: memref<262144x64xf32, #tpu.memory_space<hbm>>, %arg4: memref<262144xf32, #tpu.memory_space<hbm>>, %arg5: memref<8192xi32, #tpu.memory_space<vmem>>, %arg6: memref<768x64xf32, #tpu.memory_space<vmem>>, %arg7: memref<8192xf32, #tpu.memory_space<vmem>>, %arg8: memref<!tpu.dma_semaphore, #tpu.memory_space<semaphore_mem>>, %arg9: memref<!tpu.dma_semaphore, #tpu.memory_space<semaphore_mem>>) attributes {dimension_semantics = [#tpu.dimension_semantics<core_parallel>, #tpu.dimension_semantics<subcore_parallel>], iteration_bounds = array<i64: 2, 16>, scalar_prefetch = 0 : i64, scratch_operands = 5 : i64, tpu.core_type = #tpu.core_type<sc_vector_subcore>, window_params = [{transform_indices = #map}, {transform_indices = #map1}, {transform_indices = #map}]} {
    %mul3A = arith.constant 2 : i32
    %mul3A_0 = arith.muli %arg1, %mul3A : i32
    %add3A = arith.addi %mul3A_0, %arg0 : i32
    %mul3A_1 = arith.constant 8192 : i32
    %mul3A_2 = arith.muli %add3A, %mul3A_1 : i32
    %iota3A = tpu.iota {dimensions = array<i32: 0>} : vector<16xi32>
    %add3A_3 = arith.constant 0 : i32
    %add3A_4 = arith.addi %mul3A_2, %add3A_3 : i32
    %dma_start3A = arith.constant 0 : i32
    %dma_start3A_5 = arith.constant 0 : i32
    %dma_start3A_6 = tpu.memref_slice %arg6[%dma_start3A, %dma_start3A_5] : memref<768x64xf32, #tpu.memory_space<vmem>> -> memref<256x64xf32, #tpu.memory_space<vmem>>
    %dma_start3A_7 = arith.constant 0 : i32
    %dma_start3A_8 = tpu.memref_slice %arg3[%add3A_4, %dma_start3A_7] : memref<262144x64xf32, #tpu.memory_space<hbm>> -> memref<256x64xf32, #tpu.memory_space<hbm>>
    %dma_start3A_9 = arith.constant 0 : i32
    %dma_start3A_10 = arith.constant 0 : i32
    %dma_start3A_11 = tpu.memref_slice %arg6[%dma_start3A_9, %dma_start3A_10] : memref<768x64xf32, #tpu.memory_space<vmem>> -> memref<256x64xf32, #tpu.memory_space<vmem>>
    %dma_start3A_12 = arith.constant 0 : i32
    %dma_start3A_13 = tpu.memref_slice %arg3[%add3A_4, %dma_start3A_12] : memref<262144x64xf32, #tpu.memory_space<hbm>> -> memref<256x64xf32, #tpu.memory_space<hbm>>
    tpu.enqueue_dma source(%dma_start3A_13 : memref<256x64xf32, #tpu.memory_space<hbm>>) target(%dma_start3A_11 : memref<256x64xf32, #tpu.memory_space<vmem>>) target_semaphore(%arg9 : memref<!tpu.dma_semaphore, #tpu.memory_space<semaphore_mem>>)
    %add3A_14 = arith.constant 256 : i32
    %add3A_15 = arith.addi %mul3A_2, %add3A_14 : i32
    %dma_start3A_16 = arith.constant 256 : i32
    %dma_start3A_17 = arith.constant 0 : i32
    %dma_start3A_18 = tpu.memref_slice %arg6[%dma_start3A_16, %dma_start3A_17] : memref<768x64xf32, #tpu.memory_space<vmem>> -> memref<256x64xf32, #tpu.memory_space<vmem>>
    %dma_start3A_19 = arith.constant 0 : i32
    %dma_start3A_20 = tpu.memref_slice %arg3[%add3A_15, %dma_start3A_19] : memref<262144x64xf32, #tpu.memory_space<hbm>> -> memref<256x64xf32, #tpu.memory_space<hbm>>
    %dma_start3A_21 = arith.constant 256 : i32
    %dma_start3A_22 = arith.constant 0 : i32
    %dma_start3A_23 = tpu.memref_slice %arg6[%dma_start3A_21, %dma_start3A_22] : memref<768x64xf32, #tpu.memory_space<vmem>> -> memref<256x64xf32, #tpu.memory_space<vmem>>
    %dma_start3A_24 = arith.constant 0 : i32
    %dma_start3A_25 = tpu.memref_slice %arg3[%add3A_15, %dma_start3A_24] : memref<262144x64xf32, #tpu.memory_space<hbm>> -> memref<256x64xf32, #tpu.memory_space<hbm>>
    tpu.enqueue_dma source(%dma_start3A_25 : memref<256x64xf32, #tpu.memory_space<hbm>>) target(%dma_start3A_23 : memref<256x64xf32, #tpu.memory_space<vmem>>) target_semaphore(%arg9 : memref<!tpu.dma_semaphore, #tpu.memory_space<semaphore_mem>>)
    %dma_start3A_26 = tpu.memref_slice %arg2[%mul3A_2] : memref<262144xi32, #tpu.memory_space<hbm>> -> memref<8192xi32, #tpu.memory_space<hbm>>
    %dma_start3A_27 = tpu.memref_slice %arg2[%mul3A_2] : memref<262144xi32, #tpu.memory_space<hbm>> -> memref<8192xi32, #tpu.memory_space<hbm>>
    tpu.enqueue_dma source(%dma_start3A_27 : memref<8192xi32, #tpu.memory_space<hbm>>) target(%arg5 : memref<8192xi32, #tpu.memory_space<vmem>>) target_semaphore(%arg8 : memref<!tpu.dma_semaphore, #tpu.memory_space<semaphore_mem>>)
    %dma_wait3A = tpu.memref_slice %arg2[%mul3A_2] : memref<262144xi32, #tpu.memory_space<hbm>> -> memref<8192xi32, #tpu.memory_space<hbm>>
    %dma_wait3A_28 = tpu.memref_slice %arg2[%mul3A_2] : memref<262144xi32, #tpu.memory_space<hbm>> -> memref<8192xi32, #tpu.memory_space<hbm>>
    tpu.wait_dma2 semaphore(%arg8 : memref<!tpu.dma_semaphore, #tpu.memory_space<semaphore_mem>>) src(%dma_wait3A_28 : memref<8192xi32, #tpu.memory_space<hbm>>) dst(%arg5 : memref<8192xi32, #tpu.memory_space<vmem>>)
    %add3A_29 = arith.constant 0 : i32
    %add3A_30 = arith.addi %mul3A_2, %add3A_29 : i32
    %dma_wait3A_31 = arith.constant 0 : i32
    %dma_wait3A_32 = arith.constant 0 : i32
    %dma_wait3A_33 = tpu.memref_slice %arg6[%dma_wait3A_31, %dma_wait3A_32] : memref<768x64xf32, #tpu.memory_space<vmem>> -> memref<256x64xf32, #tpu.memory_space<vmem>>
    %dma_wait3A_34 = arith.constant 0 : i32
    %dma_wait3A_35 = tpu.memref_slice %arg3[%add3A_30, %dma_wait3A_34] : memref<262144x64xf32, #tpu.memory_space<hbm>> -> memref<256x64xf32, #tpu.memory_space<hbm>>
    %dma_wait3A_36 = arith.constant 0 : i32
    %dma_wait3A_37 = arith.constant 0 : i32
    %dma_wait3A_38 = tpu.memref_slice %arg6[%dma_wait3A_36, %dma_wait3A_37] : memref<768x64xf32, #tpu.memory_space<vmem>> -> memref<256x64xf32, #tpu.memory_space<vmem>>
    %dma_wait3A_39 = arith.constant 0 : i32
    %dma_wait3A_40 = tpu.memref_slice %arg3[%add3A_30, %dma_wait3A_39] : memref<262144x64xf32, #tpu.memory_space<hbm>> -> memref<256x64xf32, #tpu.memory_space<hbm>>
    tpu.wait_dma2 semaphore(%arg9 : memref<!tpu.dma_semaphore, #tpu.memory_space<semaphore_mem>>) src(%dma_wait3A_40 : memref<256x64xf32, #tpu.memory_space<hbm>>) dst(%dma_wait3A_38 : memref<256x64xf32, #tpu.memory_space<vmem>>)
    %add3A_41 = arith.constant 512 : i32
    %add3A_42 = arith.addi %mul3A_2, %add3A_41 : i32
    %dma_start3A_43 = arith.constant 512 : i32
    %dma_start3A_44 = arith.constant 0 : i32
    %dma_start3A_45 = tpu.memref_slice %arg6[%dma_start3A_43, %dma_start3A_44] : memref<768x64xf32, #tpu.memory_space<vmem>> -> memref<256x64xf32, #tpu.memory_space<vmem>>
    %dma_start3A_46 = arith.constant 0 : i32
    %dma_start3A_47 = tpu.memref_slice %arg3[%add3A_42, %dma_start3A_46] : memref<262144x64xf32, #tpu.memory_space<hbm>> -> memref<256x64xf32, #tpu.memory_space<hbm>>
    %dma_start3A_48 = arith.constant 512 : i32
    %dma_start3A_49 = arith.constant 0 : i32
    %dma_start3A_50 = tpu.memref_slice %arg6[%dma_start3A_48, %dma_start3A_49] : memref<768x64xf32, #tpu.memory_space<vmem>> -> memref<256x64xf32, #tpu.memory_space<vmem>>
    %dma_start3A_51 = arith.constant 0 : i32
    %dma_start3A_52 = tpu.memref_slice %arg3[%add3A_42, %dma_start3A_51] : memref<262144x64xf32, #tpu.memory_space<hbm>> -> memref<256x64xf32, #tpu.memory_space<hbm>>
    tpu.enqueue_dma source(%dma_start3A_52 : memref<256x64xf32, #tpu.memory_space<hbm>>) target(%dma_start3A_50 : memref<256x64xf32, #tpu.memory_space<vmem>>) target_semaphore(%arg9 : memref<!tpu.dma_semaphore, #tpu.memory_space<semaphore_mem>>)
    %scan3A = arith.constant 0 : i32
    %scan3A_53 = arith.constant 0 : i32
    %scan3A_54 = arith.constant 16 : i32
    %scan3A_55 = arith.addi %scan3A_53, %scan3A_54 : i32
    %scan3A_56 = arith.constant 1 : i32
    scf.for %scan3A_964 = %scan3A_53 to %scan3A_55 step %scan3A_56  : i32 {
      %mul3A_965 = arith.constant 16 : i32
      %mul3A_966 = arith.muli %scan3A_964, %mul3A_965 : i32
      %add3A_967 = arith.constant 0 : i32
      %add3A_968 = arith.addi %add3A_967, %mul3A_966 : i32
      %add3A_969 = vector.broadcast %add3A_968 : i32 to vector<16xi32>
      %add3A_970 = arith.addi %add3A_969, %iota3A : vector<16xi32>
      %mul3A_971 = arith.constant 16 : i32
      %mul3A_972 = arith.muli %scan3A_964, %mul3A_971 : i32
      %add3A_973 = arith.constant 0 : i32
      %add3A_974 = arith.addi %add3A_973, %mul3A_972 : i32
      %get3A = arith.index_cast %add3A_974 : i32 to index
      %get3A_975 = tpu.vector_load %arg5[%get3A] {strides = array<i32>} : memref<8192xi32, #tpu.memory_space<vmem>>, vector<16xi32>,
      %gather3A = tpu.vector_load_idx %arg6[%add3A_970, %get3A_975] : memref<768x64xf32, #tpu.memory_space<vmem>>[vector<16xi32>, vector<16xi32>], vector<16xf32>,
      %mul3A_976 = arith.constant 9.990000e-01 : f32
      %mul3A_977 = vector.broadcast %mul3A_976 : f32 to vector<16xf32>
      %mul3A_978 = arith.mulf %gather3A, %mul3A_977 : vector<16xf32>
      %mul3A_979 = arith.constant 16 : i32
      %mul3A_980 = arith.muli %scan3A_964, %mul3A_979 : i32
      %add3A_981 = arith.constant 0 : i32
      %add3A_982 = arith.addi %add3A_981, %mul3A_980 : i32
      %swap3A = arith.index_cast %add3A_982 : i32 to index
      %swap3A_983 = tpu.vector_load %arg7[%swap3A] {strides = array<i32>} : memref<8192xf32, #tpu.memory_space<vmem>>, vector<16xf32>,
      tpu.vector_store %arg7[%swap3A], %mul3A_978 {strides = array<i32>} : memref<8192xf32, #tpu.memory_space<vmem>>, vector<16xf32>,
    }
    %scan3A_57 = arith.constant 16 : i32
    %add3A_58 = arith.constant 256 : i32
    %add3A_59 = arith.addi %mul3A_2, %add3A_58 : i32
    %dma_wait3A_60 = arith.constant 256 : i32
    %dma_wait3A_61 = arith.constant 0 : i32
    %dma_wait3A_62 = tpu.memref_slice %arg6[%dma_wait3A_60, %dma_wait3A_61] : memref<768x64xf32, #tpu.memory_space<vmem>> -> memref<256x64xf32, #tpu.memory_space<vmem>>
    %dma_wait3A_63 = arith.constant 0 : i32
    %dma_wait3A_64 = tpu.memref_slice %arg3[%add3A_59, %dma_wait3A_63] : memref<262144x64xf32, #tpu.memory_space<hbm>> -> memref<256x64xf32, #tpu.memory_space<hbm>>
    %dma_wait3A_65 = arith.constant 256 : i32
    %dma_wait3A_66 = arith.constant 0 : i32
    %dma_wait3A_67 = tpu.memref_slice %arg6[%dma_wait3A_65, %dma_wait3A_66] : memref<768x64xf32, #tpu.memory_space<vmem>> -> memref<256x64xf32, #tpu.memory_space<vmem>>
    %dma_wait3A_68 = arith.constant 0 : i32
    %dma_wait3A_69 = tpu.memref_slice %arg3[%add3A_59, %dma_wait3A_68] : memref<262144x64xf32, #tpu.memory_space<hbm>> -> memref<256x64xf32, #tpu.memory_space<hbm>>
    tpu.wait_dma2 semaphore(%arg9 : memref<!tpu.dma_semaphore, #tpu.memory_space<semaphore_mem>>) src(%dma_wait3A_69 : memref<256x64xf32, #tpu.memory_space<hbm>>) dst(%dma_wait3A_67 : memref<256x64xf32, #tpu.memory_space<vmem>>)
    %add3A_70 = arith.constant 768 : i32
    %add3A_71 = arith.addi %mul3A_2, %add3A_70 : i32
    %dma_start3A_72 = arith.constant 0 : i32
    %dma_start3A_73 = arith.constant 0 : i32
    %dma_start3A_74 = tpu.memref_slice %arg6[%dma_start3A_72, %dma_start3A_73] : memref<768x64xf32, #tpu.memory_space<vmem>> -> memref<256x64xf32, #tpu.memory_space<vmem>>
    %dma_start3A_75 = arith.constant 0 : i32
    %dma_start3A_76 = tpu.memref_slice %arg3[%add3A_71, %dma_start3A_75] : memref<262144x64xf32, #tpu.memory_space<hbm>> -> memref<256x64xf32, #tpu.memory_space<hbm>>
    %dma_start3A_77 = arith.constant 0 : i32
    %dma_start3A_78 = arith.constant 0 : i32
    %dma_start3A_79 = tpu.memref_slice %arg6[%dma_start3A_77, %dma_start3A_78] : memref<768x64xf32, #tpu.memory_space<vmem>> -> memref<256x64xf32, #tpu.memory_space<vmem>>
    %dma_start3A_80 = arith.constant 0 : i32
    %dma_start3A_81 = tpu.memref_slice %arg3[%add3A_71, %dma_start3A_80] : memref<262144x64xf32, #tpu.memory_space<hbm>> -> memref<256x64xf32, #tpu.memory_space<hbm>>
    tpu.enqueue_dma source(%dma_start3A_81 : memref<256x64xf32, #tpu.memory_space<hbm>>) target(%dma_start3A_79 : memref<256x64xf32, #tpu.memory_space<vmem>>) target_semaphore(%arg9 : memref<!tpu.dma_semaphore, #tpu.memory_space<semaphore_mem>>)
    %scan3A_82 = arith.constant 0 : i32
    %scan3A_83 = arith.constant 0 : i32
    %scan3A_84 = arith.constant 16 : i32
    %scan3A_85 = arith.addi %scan3A_83, %scan3A_84 : i32
    %scan3A_86 = arith.constant 1 : i32
    scf.for %scan3A_964 = %scan3A_83 to %scan3A_85 step %scan3A_86  : i32 {
      %mul3A_965 = arith.constant 16 : i32
      %mul3A_966 = arith.muli %scan3A_964, %mul3A_965 : i32
      %add3A_967 = arith.constant 256 : i32
      %add3A_968 = arith.addi %add3A_967, %mul3A_966 : i32
      %add3A_969 = vector.broadcast %add3A_968 : i32 to vector<16xi32>
      %add3A_970 = arith.addi %add3A_969, %iota3A : vector<16xi32>
      %mul3A_971 = arith.constant 16 : i32
      %mul3A_972 = arith.muli %scan3A_964, %mul3A_971 : i32
      %add3A_973 = arith.constant 256 : i32
      %add3A_974 = arith.addi %add3A_973, %mul3A_972 : i32
      %get3A = arith.index_cast %add3A_974 : i32 to index
      %get3A_975 = tpu.vector_load %arg5[%get3A] {strides = array<i32>} : memref<8192xi32, #tpu.memory_space<vmem>>, vector<16xi32>,
      %gather3A = tpu.vector_load_idx %arg6[%add3A_970, %get3A_975] : memref<768x64xf32, #tpu.memory_space<vmem>>[vector<16xi32>, vector<16xi32>], vector<16xf32>,
      %mul3A_976 = arith.constant 9.990000e-01 : f32
      %mul3A_977 = vector.broadcast %mul3A_976 : f32 to vector<16xf32>
      %mul3A_978 = arith.mulf %gather3A, %mul3A_977 : vector<16xf32>
      %mul3A_979 = arith.constant 16 : i32
      %mul3A_980 = arith.muli %scan3A_964, %mul3A_979 : i32
      %add3A_981 = arith.constant 256 : i32
      %add3A_982 = arith.addi %add3A_981, %mul3A_980 : i32
      %swap3A = arith.index_cast %add3A_982 : i32 to index
      %swap3A_983 = tpu.vector_load %arg7[%swap3A] {strides = array<i32>} : memref<8192xf32, #tpu.memory_space<vmem>>, vector<16xf32>,
      tpu.vector_store %arg7[%swap3A], %mul3A_978 {strides = array<i32>} : memref<8192xf32, #tpu.memory_space<vmem>>, vector<16xf32>,
    }
    %scan3A_87 = arith.constant 16 : i32
    %add3A_88 = arith.constant 512 : i32
    %add3A_89 = arith.addi %mul3A_2, %add3A_88 : i32
    %dma_wait3A_90 = arith.constant 512 : i32
    %dma_wait3A_91 = arith.constant 0 : i32
    %dma_wait3A_92 = tpu.memref_slice %arg6[%dma_wait3A_90, %dma_wait3A_91] : memref<768x64xf32, #tpu.memory_space<vmem>> -> memref<256x64xf32, #tpu.memory_space<vmem>>
    %dma_wait3A_93 = arith.constant 0 : i32
    %dma_wait3A_94 = tpu.memref_slice %arg3[%add3A_89, %dma_wait3A_93] : memref<262144x64xf32, #tpu.memory_space<hbm>> -> memref<256x64xf32, #tpu.memory_space<hbm>>
    %dma_wait3A_95 = arith.constant 512 : i32
    %dma_wait3A_96 = arith.constant 0 : i32
    %dma_wait3A_97 = tpu.memref_slice %arg6[%dma_wait3A_95, %dma_wait3A_96] : memref<768x64xf32, #tpu.memory_space<vmem>> -> memref<256x64xf32, #tpu.memory_space<vmem>>
    %dma_wait3A_98 = arith.constant 0 : i32
    %dma_wait3A_99 = tpu.memref_slice %arg3[%add3A_89, %dma_wait3A_98] : memref<262144x64xf32, #tpu.memory_space<hbm>> -> memref<256x64xf32, #tpu.memory_space<hbm>>
    tpu.wait_dma2 semaphore(%arg9 : memref<!tpu.dma_semaphore, #tpu.memory_space<semaphore_mem>>) src(%dma_wait3A_99 : memref<256x64xf32, #tpu.memory_space<hbm>>) dst(%dma_wait3A_97 : memref<256x64xf32, #tpu.memory_space<vmem>>)
    %add3A_100 = arith.constant 1024 : i32
    %add3A_101 = arith.addi %mul3A_2, %add3A_100 : i32
    %dma_start3A_102 = arith.constant 256 : i32
    %dma_start3A_103 = arith.constant 0 : i32
    %dma_start3A_104 = tpu.memref_slice %arg6[%dma_start3A_102, %dma_start3A_103] : memref<768x64xf32, #tpu.memory_space<vmem>> -> memref<256x64xf32, #tpu.memory_space<vmem>>
    %dma_start3A_105 = arith.constant 0 : i32
    %dma_start3A_106 = tpu.memref_slice %arg3[%add3A_101, %dma_start3A_105] : memref<262144x64xf32, #tpu.memory_space<hbm>> -> memref<256x64xf32, #tpu.memory_space<hbm>>
    %dma_start3A_107 = arith.constant 256 : i32
    %dma_start3A_108 = arith.constant 0 : i32
    %dma_start3A_109 = tpu.memref_slice %arg6[%dma_start3A_107, %dma_start3A_108] : memref<768x64xf32, #tpu.memory_space<vmem>> -> memref<256x64xf32, #tpu.memory_space<vmem>>
    %dma_start3A_110 = arith.constant 0 : i32
    %dma_start3A_111 = tpu.memref_slice %arg3[%add3A_101, %dma_start3A_110] : memref<262144x64xf32, #tpu.memory_space<hbm>> -> memref<256x64xf32, #tpu.memory_space<hbm>>
    tpu.enqueue_dma source(%dma_start3A_111 : memref<256x64xf32, #tpu.memory_space<hbm>>) target(%dma_start3A_109 : memref<256x64xf32, #tpu.memory_space<vmem>>) target_semaphore(%arg9 : memref<!tpu.dma_semaphore, #tpu.memory_space<semaphore_mem>>)
    %scan3A_112 = arith.constant 0 : i32
    %scan3A_113 = arith.constant 0 : i32
    %scan3A_114 = arith.constant 16 : i32
    %scan3A_115 = arith.addi %scan3A_113, %scan3A_114 : i32
    %scan3A_116 = arith.constant 1 : i32
    scf.for %scan3A_964 = %scan3A_113 to %scan3A_115 step %scan3A_116  : i32 {
      %mul3A_965 = arith.constant 16 : i32
      %mul3A_966 = arith.muli %scan3A_964, %mul3A_965 : i32
      %add3A_967 = arith.constant 512 : i32
      %add3A_968 = arith.addi %add3A_967, %mul3A_966 : i32
      %add3A_969 = vector.broadcast %add3A_968 : i32 to vector<16xi32>
      %add3A_970 = arith.addi %add3A_969, %iota3A : vector<16xi32>
      %mul3A_971 = arith.constant 16 : i32
      %mul3A_972 = arith.muli %scan3A_964, %mul3A_971 : i32
      %add3A_973 = arith.constant 512 : i32
      %add3A_974 = arith.addi %add3A_973, %mul3A_972 : i32
      %get3A = arith.index_cast %add3A_974 : i32 to index
      %get3A_975 = tpu.vector_load %arg5[%get3A] {strides = array<i32>} : memref<8192xi32, #tpu.memory_space<vmem>>, vector<16xi32>,
      %gather3A = tpu.vector_load_idx %arg6[%add3A_970, %get3A_975] : memref<768x64xf32, #tpu.memory_space<vmem>>[vector<16xi32>, vector<16xi32>], vector<16xf32>,
      %mul3A_976 = arith.constant 9.990000e-01 : f32
      %mul3A_977 = vector.broadcast %mul3A_976 : f32 to vector<16xf32>
      %mul3A_978 = arith.mulf %gather3A, %mul3A_977 : vector<16xf32>
      %mul3A_979 = arith.constant 16 : i32
      %mul3A_980 = arith.muli %scan3A_964, %mul3A_979 : i32
      %add3A_981 = arith.constant 512 : i32
      %add3A_982 = arith.addi %add3A_981, %mul3A_980 : i32
      %swap3A = arith.index_cast %add3A_982 : i32 to index
      %swap3A_983 = tpu.vector_load %arg7[%swap3A] {strides = array<i32>} : memref<8192xf32, #tpu.memory_space<vmem>>, vector<16xf32>,
      tpu.vector_store %arg7[%swap3A], %mul3A_978 {strides = array<i32>} : memref<8192xf32, #tpu.memory_space<vmem>>, vector<16xf32>,
    }
    %scan3A_117 = arith.constant 16 : i32
    %add3A_118 = arith.constant 768 : i32
    %add3A_119 = arith.addi %mul3A_2, %add3A_118 : i32
    %dma_wait3A_120 = arith.constant 0 : i32
    %dma_wait3A_121 = arith.constant 0 : i32
    %dma_wait3A_122 = tpu.memref_slice %arg6[%dma_wait3A_120, %dma_wait3A_121] : memref<768x64xf32, #tpu.memory_space<vmem>> -> memref<256x64xf32, #tpu.memory_space<vmem>>
    %dma_wait3A_123 = arith.constant 0 : i32
    %dma_wait3A_124 = tpu.memref_slice %arg3[%add3A_119, %dma_wait3A_123] : memref<262144x64xf32, #tpu.memory_space<hbm>> -> memref<256x64xf32, #tpu.memory_space<hbm>>
    %dma_wait3A_125 = arith.constant 0 : i32
    %dma_wait3A_126 = arith.constant 0 : i32
    %dma_wait3A_127 = tpu.memref_slice %arg6[%dma_wait3A_125, %dma_wait3A_126] : memref<768x64xf32, #tpu.memory_space<vmem>> -> memref<256x64xf32, #tpu.memory_space<vmem>>
    %dma_wait3A_128 = arith.constant 0 : i32
    %dma_wait3A_129 = tpu.memref_slice %arg3[%add3A_119, %dma_wait3A_128] : memref<262144x64xf32, #tpu.memory_space<hbm>> -> memref<256x64xf32, #tpu.memory_space<hbm>>
    tpu.wait_dma2 semaphore(%arg9 : memref<!tpu.dma_semaphore, #tpu.memory_space<semaphore_mem>>) src(%dma_wait3A_129 : memref<256x64xf32, #tpu.memory_space<hbm>>) dst(%dma_wait3A_127 : memref<256x64xf32, #tpu.memory_space<vmem>>)
    %add3A_130 = arith.constant 1280 : i32
    %add3A_131 = arith.addi %mul3A_2, %add3A_130 : i32
    %dma_start3A_132 = arith.constant 512 : i32
    %dma_start3A_133 = arith.constant 0 : i32
    %dma_start3A_134 = tpu.memref_slice %arg6[%dma_start3A_132, %dma_start3A_133] : memref<768x64xf32, #tpu.memory_space<vmem>> -> memref<256x64xf32, #tpu.memory_space<vmem>>
    %dma_start3A_135 = arith.constant 0 : i32
    %dma_start3A_136 = tpu.memref_slice %arg3[%add3A_131, %dma_start3A_135] : memref<262144x64xf32, #tpu.memory_space<hbm>> -> memref<256x64xf32, #tpu.memory_space<hbm>>
    %dma_start3A_137 = arith.constant 512 : i32
    %dma_start3A_138 = arith.constant 0 : i32
    %dma_start3A_139 = tpu.memref_slice %arg6[%dma_start3A_137, %dma_start3A_138] : memref<768x64xf32, #tpu.memory_space<vmem>> -> memref<256x64xf32, #tpu.memory_space<vmem>>
    %dma_start3A_140 = arith.constant 0 : i32
    %dma_start3A_141 = tpu.memref_slice %arg3[%add3A_131, %dma_start3A_140] : memref<262144x64xf32, #tpu.memory_space<hbm>> -> memref<256x64xf32, #tpu.memory_space<hbm>>
    tpu.enqueue_dma source(%dma_start3A_141 : memref<256x64xf32, #tpu.memory_space<hbm>>) target(%dma_start3A_139 : memref<256x64xf32, #tpu.memory_space<vmem>>) target_semaphore(%arg9 : memref<!tpu.dma_semaphore, #tpu.memory_space<semaphore_mem>>)
    %scan3A_142 = arith.constant 0 : i32
    %scan3A_143 = arith.constant 0 : i32
    %scan3A_144 = arith.constant 16 : i32
    %scan3A_145 = arith.addi %scan3A_143, %scan3A_144 : i32
    %scan3A_146 = arith.constant 1 : i32
    scf.for %scan3A_964 = %scan3A_143 to %scan3A_145 step %scan3A_146  : i32 {
      %mul3A_965 = arith.constant 16 : i32
      %mul3A_966 = arith.muli %scan3A_964, %mul3A_965 : i32
      %add3A_967 = arith.constant 0 : i32
      %add3A_968 = arith.addi %add3A_967, %mul3A_966 : i32
      %add3A_969 = vector.broadcast %add3A_968 : i32 to vector<16xi32>
      %add3A_970 = arith.addi %add3A_969, %iota3A : vector<16xi32>
      %mul3A_971 = arith.constant 16 : i32
      %mul3A_972 = arith.muli %scan3A_964, %mul3A_971 : i32
      %add3A_973 = arith.constant 768 : i32
      %add3A_974 = arith.addi %add3A_973, %mul3A_972 : i32
      %get3A = arith.index_cast %add3A_974 : i32 to index
      %get3A_975 = tpu.vector_load %arg5[%get3A] {strides = array<i32>} : memref<8192xi32, #tpu.memory_space<vmem>>, vector<16xi32>,
      %gather3A = tpu.vector_load_idx %arg6[%add3A_970, %get3A_975] : memref<768x64xf32, #tpu.memory_space<vmem>>[vector<16xi32>, vector<16xi32>], vector<16xf32>,
      %mul3A_976 = arith.constant 9.990000e-01 : f32
      %mul3A_977 = vector.broadcast %mul3A_976 : f32 to vector<16xf32>
      %mul3A_978 = arith.mulf %gather3A, %mul3A_977 : vector<16xf32>
      %mul3A_979 = arith.constant 16 : i32
      %mul3A_980 = arith.muli %scan3A_964, %mul3A_979 : i32
      %add3A_981 = arith.constant 768 : i32
      %add3A_982 = arith.addi %add3A_981, %mul3A_980 : i32
      %swap3A = arith.index_cast %add3A_982 : i32 to index
      %swap3A_983 = tpu.vector_load %arg7[%swap3A] {strides = array<i32>} : memref<8192xf32, #tpu.memory_space<vmem>>, vector<16xf32>,
      tpu.vector_store %arg7[%swap3A], %mul3A_978 {strides = array<i32>} : memref<8192xf32, #tpu.memory_space<vmem>>, vector<16xf32>,
    }
    %scan3A_147 = arith.constant 16 : i32
    %add3A_148 = arith.constant 1024 : i32
    %add3A_149 = arith.addi %mul3A_2, %add3A_148 : i32
    %dma_wait3A_150 = arith.constant 256 : i32
    %dma_wait3A_151 = arith.constant 0 : i32
    %dma_wait3A_152 = tpu.memref_slice %arg6[%dma_wait3A_150, %dma_wait3A_151] : memref<768x64xf32, #tpu.memory_space<vmem>> -> memref<256x64xf32, #tpu.memory_space<vmem>>
    %dma_wait3A_153 = arith.constant 0 : i32
    %dma_wait3A_154 = tpu.memref_slice %arg3[%add3A_149, %dma_wait3A_153] : memref<262144x64xf32, #tpu.memory_space<hbm>> -> memref<256x64xf32, #tpu.memory_space<hbm>>
    %dma_wait3A_155 = arith.constant 256 : i32
    %dma_wait3A_156 = arith.constant 0 : i32
    %dma_wait3A_157 = tpu.memref_slice %arg6[%dma_wait3A_155, %dma_wait3A_156] : memref<768x64xf32, #tpu.memory_space<vmem>> -> memref<256x64xf32, #tpu.memory_space<vmem>>
    %dma_wait3A_158 = arith.constant 0 : i32
    %dma_wait3A_159 = tpu.memref_slice %arg3[%add3A_149, %dma_wait3A_158] : memref<262144x64xf32, #tpu.memory_space<hbm>> -> memref<256x64xf32, #tpu.memory_space<hbm>>
    tpu.wait_dma2 semaphore(%arg9 : memref<!tpu.dma_semaphore, #tpu.memory_space<semaphore_mem>>) src(%dma_wait3A_159 : memref<256x64xf32, #tpu.memory_space<hbm>>) dst(%dma_wait3A_157 : memref<256x64xf32, #tpu.memory_space<vmem>>)
    %add3A_160 = arith.constant 1536 : i32
    %add3A_161 = arith.addi %mul3A_2, %add3A_160 : i32
    %dma_start3A_162 = arith.constant 0 : i32
    %dma_start3A_163 = arith.constant 0 : i32
    %dma_start3A_164 = tpu.memref_slice %arg6[%dma_start3A_162, %dma_start3A_163] : memref<768x64xf32, #tpu.memory_space<vmem>> -> memref<256x64xf32, #tpu.memory_space<vmem>>
    %dma_start3A_165 = arith.constant 0 : i32
    %dma_start3A_166 = tpu.memref_slice %arg3[%add3A_161, %dma_start3A_165] : memref<262144x64xf32, #tpu.memory_space<hbm>> -> memref<256x64xf32, #tpu.memory_space<hbm>>
    %dma_start3A_167 = arith.constant 0 : i32
    %dma_start3A_168 = arith.constant 0 : i32
    %dma_start3A_169 = tpu.memref_slice %arg6[%dma_start3A_167, %dma_start3A_168] : memref<768x64xf32, #tpu.memory_space<vmem>> -> memref<256x64xf32, #tpu.memory_space<vmem>>
    %dma_start3A_170 = arith.constant 0 : i32
    %dma_start3A_171 = tpu.memref_slice %arg3[%add3A_161, %dma_start3A_170] : memref<262144x64xf32, #tpu.memory_space<hbm>> -> memref<256x64xf32, #tpu.memory_space<hbm>>
    tpu.enqueue_dma source(%dma_start3A_171 : memref<256x64xf32, #tpu.memory_space<hbm>>) target(%dma_start3A_169 : memref<256x64xf32, #tpu.memory_space<vmem>>) target_semaphore(%arg9 : memref<!tpu.dma_semaphore, #tpu.memory_space<semaphore_mem>>)
    %scan3A_172 = arith.constant 0 : i32
    %scan3A_173 = arith.constant 0 : i32
    %scan3A_174 = arith.constant 16 : i32
    %scan3A_175 = arith.addi %scan3A_173, %scan3A_174 : i32
    %scan3A_176 = arith.constant 1 : i32
    scf.for %scan3A_964 = %scan3A_173 to %scan3A_175 step %scan3A_176  : i32 {
      %mul3A_965 = arith.constant 16 : i32
      %mul3A_966 = arith.muli %scan3A_964, %mul3A_965 : i32
      %add3A_967 = arith.constant 256 : i32
      %add3A_968 = arith.addi %add3A_967, %mul3A_966 : i32
      %add3A_969 = vector.broadcast %add3A_968 : i32 to vector<16xi32>
      %add3A_970 = arith.addi %add3A_969, %iota3A : vector<16xi32>
      %mul3A_971 = arith.constant 16 : i32
      %mul3A_972 = arith.muli %scan3A_964, %mul3A_971 : i32
      %add3A_973 = arith.constant 1024 : i32
      %add3A_974 = arith.addi %add3A_973, %mul3A_972 : i32
      %get3A = arith.index_cast %add3A_974 : i32 to index
      %get3A_975 = tpu.vector_load %arg5[%get3A] {strides = array<i32>} : memref<8192xi32, #tpu.memory_space<vmem>>, vector<16xi32>,
      %gather3A = tpu.vector_load_idx %arg6[%add3A_970, %get3A_975] : memref<768x64xf32, #tpu.memory_space<vmem>>[vector<16xi32>, vector<16xi32>], vector<16xf32>,
      %mul3A_976 = arith.constant 9.990000e-01 : f32
      %mul3A_977 = vector.broadcast %mul3A_976 : f32 to vector<16xf32>
      %mul3A_978 = arith.mulf %gather3A, %mul3A_977 : vector<16xf32>
      %mul3A_979 = arith.constant 16 : i32
      %mul3A_980 = arith.muli %scan3A_964, %mul3A_979 : i32
      %add3A_981 = arith.constant 1024 : i32
      %add3A_982 = arith.addi %add3A_981, %mul3A_980 : i32
      %swap3A = arith.index_cast %add3A_982 : i32 to index
      %swap3A_983 = tpu.vector_load %arg7[%swap3A] {strides = array<i32>} : memref<8192xf32, #tpu.memory_space<vmem>>, vector<16xf32>,
      tpu.vector_store %arg7[%swap3A], %mul3A_978 {strides = array<i32>} : memref<8192xf32, #tpu.memory_space<vmem>>, vector<16xf32>,
    }
    %scan3A_177 = arith.constant 16 : i32
    %add3A_178 = arith.constant 1280 : i32
    %add3A_179 = arith.addi %mul3A_2, %add3A_178 : i32
    %dma_wait3A_180 = arith.constant 512 : i32
    %dma_wait3A_181 = arith.constant 0 : i32
    %dma_wait3A_182 = tpu.memref_slice %arg6[%dma_wait3A_180, %dma_wait3A_181] : memref<768x64xf32, #tpu.memory_space<vmem>> -> memref<256x64xf32, #tpu.memory_space<vmem>>
    %dma_wait3A_183 = arith.constant 0 : i32
    %dma_wait3A_184 = tpu.memref_slice %arg3[%add3A_179, %dma_wait3A_183] : memref<262144x64xf32, #tpu.memory_space<hbm>> -> memref<256x64xf32, #tpu.memory_space<hbm>>
    %dma_wait3A_185 = arith.constant 512 : i32
    %dma_wait3A_186 = arith.constant 0 : i32
    %dma_wait3A_187 = tpu.memref_slice %arg6[%dma_wait3A_185, %dma_wait3A_186] : memref<768x64xf32, #tpu.memory_space<vmem>> -> memref<256x64xf32, #tpu.memory_space<vmem>>
    %dma_wait3A_188 = arith.constant 0 : i32
    %dma_wait3A_189 = tpu.memref_slice %arg3[%add3A_179, %dma_wait3A_188] : memref<262144x64xf32, #tpu.memory_space<hbm>> -> memref<256x64xf32, #tpu.memory_space<hbm>>
    tpu.wait_dma2 semaphore(%arg9 : memref<!tpu.dma_semaphore, #tpu.memory_space<semaphore_mem>>) src(%dma_wait3A_189 : memref<256x64xf32, #tpu.memory_space<hbm>>) dst(%dma_wait3A_187 : memref<256x64xf32, #tpu.memory_space<vmem>>)
    %add3A_190 = arith.constant 1792 : i32
    %add3A_191 = arith.addi %mul3A_2, %add3A_190 : i32
    %dma_start3A_192 = arith.constant 256 : i32
    %dma_start3A_193 = arith.constant 0 : i32
    %dma_start3A_194 = tpu.memref_slice %arg6[%dma_start3A_192, %dma_start3A_193] : memref<768x64xf32, #tpu.memory_space<vmem>> -> memref<256x64xf32, #tpu.memory_space<vmem>>
    %dma_start3A_195 = arith.constant 0 : i32
    %dma_start3A_196 = tpu.memref_slice %arg3[%add3A_191, %dma_start3A_195] : memref<262144x64xf32, #tpu.memory_space<hbm>> -> memref<256x64xf32, #tpu.memory_space<hbm>>
    %dma_start3A_197 = arith.constant 256 : i32
    %dma_start3A_198 = arith.constant 0 : i32
    %dma_start3A_199 = tpu.memref_slice %arg6[%dma_start3A_197, %dma_start3A_198] : memref<768x64xf32, #tpu.memory_space<vmem>> -> memref<256x64xf32, #tpu.memory_space<vmem>>
    %dma_start3A_200 = arith.constant 0 : i32
    %dma_start3A_201 = tpu.memref_slice %arg3[%add3A_191, %dma_start3A_200] : memref<262144x64xf32, #tpu.memory_space<hbm>> -> memref<256x64xf32, #tpu.memory_space<hbm>>
    tpu.enqueue_dma source(%dma_start3A_201 : memref<256x64xf32, #tpu.memory_space<hbm>>) target(%dma_start3A_199 : memref<256x64xf32, #tpu.memory_space<vmem>>) target_semaphore(%arg9 : memref<!tpu.dma_semaphore, #tpu.memory_space<semaphore_mem>>)
    %scan3A_202 = arith.constant 0 : i32
    %scan3A_203 = arith.constant 0 : i32
    %scan3A_204 = arith.constant 16 : i32
    %scan3A_205 = arith.addi %scan3A_203, %scan3A_204 : i32
    %scan3A_206 = arith.constant 1 : i32
    scf.for %scan3A_964 = %scan3A_203 to %scan3A_205 step %scan3A_206  : i32 {
      %mul3A_965 = arith.constant 16 : i32
      %mul3A_966 = arith.muli %scan3A_964, %mul3A_965 : i32
      %add3A_967 = arith.constant 512 : i32
      %add3A_968 = arith.addi %add3A_967, %mul3A_966 : i32
      %add3A_969 = vector.broadcast %add3A_968 : i32 to vector<16xi32>
      %add3A_970 = arith.addi %add3A_969, %iota3A : vector<16xi32>
      %mul3A_971 = arith.constant 16 : i32
      %mul3A_972 = arith.muli %scan3A_964, %mul3A_971 : i32
      %add3A_973 = arith.constant 1280 : i32
      %add3A_974 = arith.addi %add3A_973, %mul3A_972 : i32
      %get3A = arith.index_cast %add3A_974 : i32 to index
      %get3A_975 = tpu.vector_load %arg5[%get3A] {strides = array<i32>} : memref<8192xi32, #tpu.memory_space<vmem>>, vector<16xi32>,
      %gather3A = tpu.vector_load_idx %arg6[%add3A_970, %get3A_975] : memref<768x64xf32, #tpu.memory_space<vmem>>[vector<16xi32>, vector<16xi32>], vector<16xf32>,
      %mul3A_976 = arith.constant 9.990000e-01 : f32
      %mul3A_977 = vector.broadcast %mul3A_976 : f32 to vector<16xf32>
      %mul3A_978 = arith.mulf %gather3A, %mul3A_977 : vector<16xf32>
      %mul3A_979 = arith.constant 16 : i32
      %mul3A_980 = arith.muli %scan3A_964, %mul3A_979 : i32
      %add3A_981 = arith.constant 1280 : i32
      %add3A_982 = arith.addi %add3A_981, %mul3A_980 : i32
      %swap3A = arith.index_cast %add3A_982 : i32 to index
      %swap3A_983 = tpu.vector_load %arg7[%swap3A] {strides = array<i32>} : memref<8192xf32, #tpu.memory_space<vmem>>, vector<16xf32>,
      tpu.vector_store %arg7[%swap3A], %mul3A_978 {strides = array<i32>} : memref<8192xf32, #tpu.memory_space<vmem>>, vector<16xf32>,
    }
    %scan3A_207 = arith.constant 16 : i32
    %add3A_208 = arith.constant 1536 : i32
    %add3A_209 = arith.addi %mul3A_2, %add3A_208 : i32
    %dma_wait3A_210 = arith.constant 0 : i32
    %dma_wait3A_211 = arith.constant 0 : i32
    %dma_wait3A_212 = tpu.memref_slice %arg6[%dma_wait3A_210, %dma_wait3A_211] : memref<768x64xf32, #tpu.memory_space<vmem>> -> memref<256x64xf32, #tpu.memory_space<vmem>>
    %dma_wait3A_213 = arith.constant 0 : i32
    %dma_wait3A_214 = tpu.memref_slice %arg3[%add3A_209, %dma_wait3A_213] : memref<262144x64xf32, #tpu.memory_space<hbm>> -> memref<256x64xf32, #tpu.memory_space<hbm>>
    %dma_wait3A_215 = arith.constant 0 : i32
    %dma_wait3A_216 = arith.constant 0 : i32
    %dma_wait3A_217 = tpu.memref_slice %arg6[%dma_wait3A_215, %dma_wait3A_216] : memref<768x64xf32, #tpu.memory_space<vmem>> -> memref<256x64xf32, #tpu.memory_space<vmem>>
    %dma_wait3A_218 = arith.constant 0 : i32
    %dma_wait3A_219 = tpu.memref_slice %arg3[%add3A_209, %dma_wait3A_218] : memref<262144x64xf32, #tpu.memory_space<hbm>> -> memref<256x64xf32, #tpu.memory_space<hbm>>
    tpu.wait_dma2 semaphore(%arg9 : memref<!tpu.dma_semaphore, #tpu.memory_space<semaphore_mem>>) src(%dma_wait3A_219 : memref<256x64xf32, #tpu.memory_space<hbm>>) dst(%dma_wait3A_217 : memref<256x64xf32, #tpu.memory_space<vmem>>)
    %add3A_220 = arith.constant 2048 : i32
    %add3A_221 = arith.addi %mul3A_2, %add3A_220 : i32
    %dma_start3A_222 = arith.constant 512 : i32
    %dma_start3A_223 = arith.constant 0 : i32
    %dma_start3A_224 = tpu.memref_slice %arg6[%dma_start3A_222, %dma_start3A_223] : memref<768x64xf32, #tpu.memory_space<vmem>> -> memref<256x64xf32, #tpu.memory_space<vmem>>
    %dma_start3A_225 = arith.constant 0 : i32
    %dma_start3A_226 = tpu.memref_slice %arg3[%add3A_221, %dma_start3A_225] : memref<262144x64xf32, #tpu.memory_space<hbm>> -> memref<256x64xf32, #tpu.memory_space<hbm>>
    %dma_start3A_227 = arith.constant 512 : i32
    %dma_start3A_228 = arith.constant 0 : i32
    %dma_start3A_229 = tpu.memref_slice %arg6[%dma_start3A_227, %dma_start3A_228] : memref<768x64xf32, #tpu.memory_space<vmem>> -> memref<256x64xf32, #tpu.memory_space<vmem>>
    %dma_start3A_230 = arith.constant 0 : i32
    %dma_start3A_231 = tpu.memref_slice %arg3[%add3A_221, %dma_start3A_230] : memref<262144x64xf32, #tpu.memory_space<hbm>> -> memref<256x64xf32, #tpu.memory_space<hbm>>
    tpu.enqueue_dma source(%dma_start3A_231 : memref<256x64xf32, #tpu.memory_space<hbm>>) target(%dma_start3A_229 : memref<256x64xf32, #tpu.memory_space<vmem>>) target_semaphore(%arg9 : memref<!tpu.dma_semaphore, #tpu.memory_space<semaphore_mem>>)
    %scan3A_232 = arith.constant 0 : i32
    %scan3A_233 = arith.constant 0 : i32
    %scan3A_234 = arith.constant 16 : i32
    %scan3A_235 = arith.addi %scan3A_233, %scan3A_234 : i32
    %scan3A_236 = arith.constant 1 : i32
    scf.for %scan3A_964 = %scan3A_233 to %scan3A_235 step %scan3A_236  : i32 {
      %mul3A_965 = arith.constant 16 : i32
      %mul3A_966 = arith.muli %scan3A_964, %mul3A_965 : i32
      %add3A_967 = arith.constant 0 : i32
      %add3A_968 = arith.addi %add3A_967, %mul3A_966 : i32
      %add3A_969 = vector.broadcast %add3A_968 : i32 to vector<16xi32>
      %add3A_970 = arith.addi %add3A_969, %iota3A : vector<16xi32>
      %mul3A_971 = arith.constant 16 : i32
      %mul3A_972 = arith.muli %scan3A_964, %mul3A_971 : i32
      %add3A_973 = arith.constant 1536 : i32
      %add3A_974 = arith.addi %add3A_973, %mul3A_972 : i32
      %get3A = arith.index_cast %add3A_974 : i32 to index
      %get3A_975 = tpu.vector_load %arg5[%get3A] {strides = array<i32>} : memref<8192xi32, #tpu.memory_space<vmem>>, vector<16xi32>,
      %gather3A = tpu.vector_load_idx %arg6[%add3A_970, %get3A_975] : memref<768x64xf32, #tpu.memory_space<vmem>>[vector<16xi32>, vector<16xi32>], vector<16xf32>,
      %mul3A_976 = arith.constant 9.990000e-01 : f32
      %mul3A_977 = vector.broadcast %mul3A_976 : f32 to vector<16xf32>
      %mul3A_978 = arith.mulf %gather3A, %mul3A_977 : vector<16xf32>
      %mul3A_979 = arith.constant 16 : i32
      %mul3A_980 = arith.muli %scan3A_964, %mul3A_979 : i32
      %add3A_981 = arith.constant 1536 : i32
      %add3A_982 = arith.addi %add3A_981, %mul3A_980 : i32
      %swap3A = arith.index_cast %add3A_982 : i32 to index
      %swap3A_983 = tpu.vector_load %arg7[%swap3A] {strides = array<i32>} : memref<8192xf32, #tpu.memory_space<vmem>>, vector<16xf32>,
      tpu.vector_store %arg7[%swap3A], %mul3A_978 {strides = array<i32>} : memref<8192xf32, #tpu.memory_space<vmem>>, vector<16xf32>,
    }
    %scan3A_237 = arith.constant 16 : i32
    %add3A_238 = arith.constant 1792 : i32
    %add3A_239 = arith.addi %mul3A_2, %add3A_238 : i32
    %dma_wait3A_240 = arith.constant 256 : i32
    %dma_wait3A_241 = arith.constant 0 : i32
    %dma_wait3A_242 = tpu.memref_slice %arg6[%dma_wait3A_240, %dma_wait3A_241] : memref<768x64xf32, #tpu.memory_space<vmem>> -> memref<256x64xf32, #tpu.memory_space<vmem>>
    %dma_wait3A_243 = arith.constant 0 : i32
    %dma_wait3A_244 = tpu.memref_slice %arg3[%add3A_239, %dma_wait3A_243] : memref<262144x64xf32, #tpu.memory_space<hbm>> -> memref<256x64xf32, #tpu.memory_space<hbm>>
    %dma_wait3A_245 = arith.constant 256 : i32
    %dma_wait3A_246 = arith.constant 0 : i32
    %dma_wait3A_247 = tpu.memref_slice %arg6[%dma_wait3A_245, %dma_wait3A_246] : memref<768x64xf32, #tpu.memory_space<vmem>> -> memref<256x64xf32, #tpu.memory_space<vmem>>
    %dma_wait3A_248 = arith.constant 0 : i32
    %dma_wait3A_249 = tpu.memref_slice %arg3[%add3A_239, %dma_wait3A_248] : memref<262144x64xf32, #tpu.memory_space<hbm>> -> memref<256x64xf32, #tpu.memory_space<hbm>>
    tpu.wait_dma2 semaphore(%arg9 : memref<!tpu.dma_semaphore, #tpu.memory_space<semaphore_mem>>) src(%dma_wait3A_249 : memref<256x64xf32, #tpu.memory_space<hbm>>) dst(%dma_wait3A_247 : memref<256x64xf32, #tpu.memory_space<vmem>>)
    %add3A_250 = arith.constant 2304 : i32
    %add3A_251 = arith.addi %mul3A_2, %add3A_250 : i32
    %dma_start3A_252 = arith.constant 0 : i32
    %dma_start3A_253 = arith.constant 0 : i32
    %dma_start3A_254 = tpu.memref_slice %arg6[%dma_start3A_252, %dma_start3A_253] : memref<768x64xf32, #tpu.memory_space<vmem>> -> memref<256x64xf32, #tpu.memory_space<vmem>>
    %dma_start3A_255 = arith.constant 0 : i32
    %dma_start3A_256 = tpu.memref_slice %arg3[%add3A_251, %dma_start3A_255] : memref<262144x64xf32, #tpu.memory_space<hbm>> -> memref<256x64xf32, #tpu.memory_space<hbm>>
    %dma_start3A_257 = arith.constant 0 : i32
    %dma_start3A_258 = arith.constant 0 : i32
    %dma_start3A_259 = tpu.memref_slice %arg6[%dma_start3A_257, %dma_start3A_258] : memref<768x64xf32, #tpu.memory_space<vmem>> -> memref<256x64xf32, #tpu.memory_space<vmem>>
    %dma_start3A_260 = arith.constant 0 : i32
    %dma_start3A_261 = tpu.memref_slice %arg3[%add3A_251, %dma_start3A_260] : memref<262144x64xf32, #tpu.memory_space<hbm>> -> memref<256x64xf32, #tpu.memory_space<hbm>>
    tpu.enqueue_dma source(%dma_start3A_261 : memref<256x64xf32, #tpu.memory_space<hbm>>) target(%dma_start3A_259 : memref<256x64xf32, #tpu.memory_space<vmem>>) target_semaphore(%arg9 : memref<!tpu.dma_semaphore, #tpu.memory_space<semaphore_mem>>)
    %scan3A_262 = arith.constant 0 : i32
    %scan3A_263 = arith.constant 0 : i32
    %scan3A_264 = arith.constant 16 : i32
    %scan3A_265 = arith.addi %scan3A_263, %scan3A_264 : i32
    %scan3A_266 = arith.constant 1 : i32
    scf.for %scan3A_964 = %scan3A_263 to %scan3A_265 step %scan3A_266  : i32 {
      %mul3A_965 = arith.constant 16 : i32
      %mul3A_966 = arith.muli %scan3A_964, %mul3A_965 : i32
      %add3A_967 = arith.constant 256 : i32
      %add3A_968 = arith.addi %add3A_967, %mul3A_966 : i32
      %add3A_969 = vector.broadcast %add3A_968 : i32 to vector<16xi32>
      %add3A_970 = arith.addi %add3A_969, %iota3A : vector<16xi32>
      %mul3A_971 = arith.constant 16 : i32
      %mul3A_972 = arith.muli %scan3A_964, %mul3A_971 : i32
      %add3A_973 = arith.constant 1792 : i32
      %add3A_974 = arith.addi %add3A_973, %mul3A_972 : i32
      %get3A = arith.index_cast %add3A_974 : i32 to index
      %get3A_975 = tpu.vector_load %arg5[%get3A] {strides = array<i32>} : memref<8192xi32, #tpu.memory_space<vmem>>, vector<16xi32>,
      %gather3A = tpu.vector_load_idx %arg6[%add3A_970, %get3A_975] : memref<768x64xf32, #tpu.memory_space<vmem>>[vector<16xi32>, vector<16xi32>], vector<16xf32>,
      %mul3A_976 = arith.constant 9.990000e-01 : f32
      %mul3A_977 = vector.broadcast %mul3A_976 : f32 to vector<16xf32>
      %mul3A_978 = arith.mulf %gather3A, %mul3A_977 : vector<16xf32>
      %mul3A_979 = arith.constant 16 : i32
      %mul3A_980 = arith.muli %scan3A_964, %mul3A_979 : i32
      %add3A_981 = arith.constant 1792 : i32
      %add3A_982 = arith.addi %add3A_981, %mul3A_980 : i32
      %swap3A = arith.index_cast %add3A_982 : i32 to index
      %swap3A_983 = tpu.vector_load %arg7[%swap3A] {strides = array<i32>} : memref<8192xf32, #tpu.memory_space<vmem>>, vector<16xf32>,
      tpu.vector_store %arg7[%swap3A], %mul3A_978 {strides = array<i32>} : memref<8192xf32, #tpu.memory_space<vmem>>, vector<16xf32>,
    }
    %scan3A_267 = arith.constant 16 : i32
    %add3A_268 = arith.constant 2048 : i32
    %add3A_269 = arith.addi %mul3A_2, %add3A_268 : i32
    %dma_wait3A_270 = arith.constant 512 : i32
    %dma_wait3A_271 = arith.constant 0 : i32
    %dma_wait3A_272 = tpu.memref_slice %arg6[%dma_wait3A_270, %dma_wait3A_271] : memref<768x64xf32, #tpu.memory_space<vmem>> -> memref<256x64xf32, #tpu.memory_space<vmem>>
    %dma_wait3A_273 = arith.constant 0 : i32
    %dma_wait3A_274 = tpu.memref_slice %arg3[%add3A_269, %dma_wait3A_273] : memref<262144x64xf32, #tpu.memory_space<hbm>> -> memref<256x64xf32, #tpu.memory_space<hbm>>
    %dma_wait3A_275 = arith.constant 512 : i32
    %dma_wait3A_276 = arith.constant 0 : i32
    %dma_wait3A_277 = tpu.memref_slice %arg6[%dma_wait3A_275, %dma_wait3A_276] : memref<768x64xf32, #tpu.memory_space<vmem>> -> memref<256x64xf32, #tpu.memory_space<vmem>>
    %dma_wait3A_278 = arith.constant 0 : i32
    %dma_wait3A_279 = tpu.memref_slice %arg3[%add3A_269, %dma_wait3A_278] : memref<262144x64xf32, #tpu.memory_space<hbm>> -> memref<256x64xf32, #tpu.memory_space<hbm>>
    tpu.wait_dma2 semaphore(%arg9 : memref<!tpu.dma_semaphore, #tpu.memory_space<semaphore_mem>>) src(%dma_wait3A_279 : memref<256x64xf32, #tpu.memory_space<hbm>>) dst(%dma_wait3A_277 : memref<256x64xf32, #tpu.memory_space<vmem>>)
    %add3A_280 = arith.constant 2560 : i32
    %add3A_281 = arith.addi %mul3A_2, %add3A_280 : i32
    %dma_start3A_282 = arith.constant 256 : i32
    %dma_start3A_283 = arith.constant 0 : i32
    %dma_start3A_284 = tpu.memref_slice %arg6[%dma_start3A_282, %dma_start3A_283] : memref<768x64xf32, #tpu.memory_space<vmem>> -> memref<256x64xf32, #tpu.memory_space<vmem>>
    %dma_start3A_285 = arith.constant 0 : i32
    %dma_start3A_286 = tpu.memref_slice %arg3[%add3A_281, %dma_start3A_285] : memref<262144x64xf32, #tpu.memory_space<hbm>> -> memref<256x64xf32, #tpu.memory_space<hbm>>
    %dma_start3A_287 = arith.constant 256 : i32
    %dma_start3A_288 = arith.constant 0 : i32
    %dma_start3A_289 = tpu.memref_slice %arg6[%dma_start3A_287, %dma_start3A_288] : memref<768x64xf32, #tpu.memory_space<vmem>> -> memref<256x64xf32, #tpu.memory_space<vmem>>
    %dma_start3A_290 = arith.constant 0 : i32
    %dma_start3A_291 = tpu.memref_slice %arg3[%add3A_281, %dma_start3A_290] : memref<262144x64xf32, #tpu.memory_space<hbm>> -> memref<256x64xf32, #tpu.memory_space<hbm>>
    tpu.enqueue_dma source(%dma_start3A_291 : memref<256x64xf32, #tpu.memory_space<hbm>>) target(%dma_start3A_289 : memref<256x64xf32, #tpu.memory_space<vmem>>) target_semaphore(%arg9 : memref<!tpu.dma_semaphore, #tpu.memory_space<semaphore_mem>>)
    %scan3A_292 = arith.constant 0 : i32
    %scan3A_293 = arith.constant 0 : i32
    %scan3A_294 = arith.constant 16 : i32
    %scan3A_295 = arith.addi %scan3A_293, %scan3A_294 : i32
    %scan3A_296 = arith.constant 1 : i32
    scf.for %scan3A_964 = %scan3A_293 to %scan3A_295 step %scan3A_296  : i32 {
      %mul3A_965 = arith.constant 16 : i32
      %mul3A_966 = arith.muli %scan3A_964, %mul3A_965 : i32
      %add3A_967 = arith.constant 512 : i32
      %add3A_968 = arith.addi %add3A_967, %mul3A_966 : i32
      %add3A_969 = vector.broadcast %add3A_968 : i32 to vector<16xi32>
      %add3A_970 = arith.addi %add3A_969, %iota3A : vector<16xi32>
      %mul3A_971 = arith.constant 16 : i32
      %mul3A_972 = arith.muli %scan3A_964, %mul3A_971 : i32
      %add3A_973 = arith.constant 2048 : i32
      %add3A_974 = arith.addi %add3A_973, %mul3A_972 : i32
      %get3A = arith.index_cast %add3A_974 : i32 to index
      %get3A_975 = tpu.vector_load %arg5[%get3A] {strides = array<i32>} : memref<8192xi32, #tpu.memory_space<vmem>>, vector<16xi32>,
      %gather3A = tpu.vector_load_idx %arg6[%add3A_970, %get3A_975] : memref<768x64xf32, #tpu.memory_space<vmem>>[vector<16xi32>, vector<16xi32>], vector<16xf32>,
      %mul3A_976 = arith.constant 9.990000e-01 : f32
      %mul3A_977 = vector.broadcast %mul3A_976 : f32 to vector<16xf32>
      %mul3A_978 = arith.mulf %gather3A, %mul3A_977 : vector<16xf32>
      %mul3A_979 = arith.constant 16 : i32
      %mul3A_980 = arith.muli %scan3A_964, %mul3A_979 : i32
      %add3A_981 = arith.constant 2048 : i32
      %add3A_982 = arith.addi %add3A_981, %mul3A_980 : i32
      %swap3A = arith.index_cast %add3A_982 : i32 to index
      %swap3A_983 = tpu.vector_load %arg7[%swap3A] {strides = array<i32>} : memref<8192xf32, #tpu.memory_space<vmem>>, vector<16xf32>,
      tpu.vector_store %arg7[%swap3A], %mul3A_978 {strides = array<i32>} : memref<8192xf32, #tpu.memory_space<vmem>>, vector<16xf32>,
    }
    %scan3A_297 = arith.constant 16 : i32
    %add3A_298 = arith.constant 2304 : i32
    %add3A_299 = arith.addi %mul3A_2, %add3A_298 : i32
    %dma_wait3A_300 = arith.constant 0 : i32
    %dma_wait3A_301 = arith.constant 0 : i32
    %dma_wait3A_302 = tpu.memref_slice %arg6[%dma_wait3A_300, %dma_wait3A_301] : memref<768x64xf32, #tpu.memory_space<vmem>> -> memref<256x64xf32, #tpu.memory_space<vmem>>
    %dma_wait3A_303 = arith.constant 0 : i32
    %dma_wait3A_304 = tpu.memref_slice %arg3[%add3A_299, %dma_wait3A_303] : memref<262144x64xf32, #tpu.memory_space<hbm>> -> memref<256x64xf32, #tpu.memory_space<hbm>>
    %dma_wait3A_305 = arith.constant 0 : i32
    %dma_wait3A_306 = arith.constant 0 : i32
    %dma_wait3A_307 = tpu.memref_slice %arg6[%dma_wait3A_305, %dma_wait3A_306] : memref<768x64xf32, #tpu.memory_space<vmem>> -> memref<256x64xf32, #tpu.memory_space<vmem>>
    %dma_wait3A_308 = arith.constant 0 : i32
    %dma_wait3A_309 = tpu.memref_slice %arg3[%add3A_299, %dma_wait3A_308] : memref<262144x64xf32, #tpu.memory_space<hbm>> -> memref<256x64xf32, #tpu.memory_space<hbm>>
    tpu.wait_dma2 semaphore(%arg9 : memref<!tpu.dma_semaphore, #tpu.memory_space<semaphore_mem>>) src(%dma_wait3A_309 : memref<256x64xf32, #tpu.memory_space<hbm>>) dst(%dma_wait3A_307 : memref<256x64xf32, #tpu.memory_space<vmem>>)
    %add3A_310 = arith.constant 2816 : i32
    %add3A_311 = arith.addi %mul3A_2, %add3A_310 : i32
    %dma_start3A_312 = arith.constant 512 : i32
    %dma_start3A_313 = arith.constant 0 : i32
    %dma_start3A_314 = tpu.memref_slice %arg6[%dma_start3A_312, %dma_start3A_313] : memref<768x64xf32, #tpu.memory_space<vmem>> -> memref<256x64xf32, #tpu.memory_space<vmem>>
    %dma_start3A_315 = arith.constant 0 : i32
    %dma_start3A_316 = tpu.memref_slice %arg3[%add3A_311, %dma_start3A_315] : memref<262144x64xf32, #tpu.memory_space<hbm>> -> memref<256x64xf32, #tpu.memory_space<hbm>>
    %dma_start3A_317 = arith.constant 512 : i32
    %dma_start3A_318 = arith.constant 0 : i32
    %dma_start3A_319 = tpu.memref_slice %arg6[%dma_start3A_317, %dma_start3A_318] : memref<768x64xf32, #tpu.memory_space<vmem>> -> memref<256x64xf32, #tpu.memory_space<vmem>>
    %dma_start3A_320 = arith.constant 0 : i32
    %dma_start3A_321 = tpu.memref_slice %arg3[%add3A_311, %dma_start3A_320] : memref<262144x64xf32, #tpu.memory_space<hbm>> -> memref<256x64xf32, #tpu.memory_space<hbm>>
    tpu.enqueue_dma source(%dma_start3A_321 : memref<256x64xf32, #tpu.memory_space<hbm>>) target(%dma_start3A_319 : memref<256x64xf32, #tpu.memory_space<vmem>>) target_semaphore(%arg9 : memref<!tpu.dma_semaphore, #tpu.memory_space<semaphore_mem>>)
    %scan3A_322 = arith.constant 0 : i32
    %scan3A_323 = arith.constant 0 : i32
    %scan3A_324 = arith.constant 16 : i32
    %scan3A_325 = arith.addi %scan3A_323, %scan3A_324 : i32
    %scan3A_326 = arith.constant 1 : i32
    scf.for %scan3A_964 = %scan3A_323 to %scan3A_325 step %scan3A_326  : i32 {
      %mul3A_965 = arith.constant 16 : i32
      %mul3A_966 = arith.muli %scan3A_964, %mul3A_965 : i32
      %add3A_967 = arith.constant 0 : i32
      %add3A_968 = arith.addi %add3A_967, %mul3A_966 : i32
      %add3A_969 = vector.broadcast %add3A_968 : i32 to vector<16xi32>
      %add3A_970 = arith.addi %add3A_969, %iota3A : vector<16xi32>
      %mul3A_971 = arith.constant 16 : i32
      %mul3A_972 = arith.muli %scan3A_964, %mul3A_971 : i32
      %add3A_973 = arith.constant 2304 : i32
      %add3A_974 = arith.addi %add3A_973, %mul3A_972 : i32
      %get3A = arith.index_cast %add3A_974 : i32 to index
      %get3A_975 = tpu.vector_load %arg5[%get3A] {strides = array<i32>} : memref<8192xi32, #tpu.memory_space<vmem>>, vector<16xi32>,
      %gather3A = tpu.vector_load_idx %arg6[%add3A_970, %get3A_975] : memref<768x64xf32, #tpu.memory_space<vmem>>[vector<16xi32>, vector<16xi32>], vector<16xf32>,
      %mul3A_976 = arith.constant 9.990000e-01 : f32
      %mul3A_977 = vector.broadcast %mul3A_976 : f32 to vector<16xf32>
      %mul3A_978 = arith.mulf %gather3A, %mul3A_977 : vector<16xf32>
      %mul3A_979 = arith.constant 16 : i32
      %mul3A_980 = arith.muli %scan3A_964, %mul3A_979 : i32
      %add3A_981 = arith.constant 2304 : i32
      %add3A_982 = arith.addi %add3A_981, %mul3A_980 : i32
      %swap3A = arith.index_cast %add3A_982 : i32 to index
      %swap3A_983 = tpu.vector_load %arg7[%swap3A] {strides = array<i32>} : memref<8192xf32, #tpu.memory_space<vmem>>, vector<16xf32>,
      tpu.vector_store %arg7[%swap3A], %mul3A_978 {strides = array<i32>} : memref<8192xf32, #tpu.memory_space<vmem>>, vector<16xf32>,
    }
    %scan3A_327 = arith.constant 16 : i32
    %add3A_328 = arith.constant 2560 : i32
    %add3A_329 = arith.addi %mul3A_2, %add3A_328 : i32
    %dma_wait3A_330 = arith.constant 256 : i32
    %dma_wait3A_331 = arith.constant 0 : i32
    %dma_wait3A_332 = tpu.memref_slice %arg6[%dma_wait3A_330, %dma_wait3A_331] : memref<768x64xf32, #tpu.memory_space<vmem>> -> memref<256x64xf32, #tpu.memory_space<vmem>>
    %dma_wait3A_333 = arith.constant 0 : i32
    %dma_wait3A_334 = tpu.memref_slice %arg3[%add3A_329, %dma_wait3A_333] : memref<262144x64xf32, #tpu.memory_space<hbm>> -> memref<256x64xf32, #tpu.memory_space<hbm>>
    %dma_wait3A_335 = arith.constant 256 : i32
    %dma_wait3A_336 = arith.constant 0 : i32
    %dma_wait3A_337 = tpu.memref_slice %arg6[%dma_wait3A_335, %dma_wait3A_336] : memref<768x64xf32, #tpu.memory_space<vmem>> -> memref<256x64xf32, #tpu.memory_space<vmem>>
    %dma_wait3A_338 = arith.constant 0 : i32
    %dma_wait3A_339 = tpu.memref_slice %arg3[%add3A_329, %dma_wait3A_338] : memref<262144x64xf32, #tpu.memory_space<hbm>> -> memref<256x64xf32, #tpu.memory_space<hbm>>
    tpu.wait_dma2 semaphore(%arg9 : memref<!tpu.dma_semaphore, #tpu.memory_space<semaphore_mem>>) src(%dma_wait3A_339 : memref<256x64xf32, #tpu.memory_space<hbm>>) dst(%dma_wait3A_337 : memref<256x64xf32, #tpu.memory_space<vmem>>)
    %add3A_340 = arith.constant 3072 : i32
    %add3A_341 = arith.addi %mul3A_2, %add3A_340 : i32
    %dma_start3A_342 = arith.constant 0 : i32
    %dma_start3A_343 = arith.constant 0 : i32
    %dma_start3A_344 = tpu.memref_slice %arg6[%dma_start3A_342, %dma_start3A_343] : memref<768x64xf32, #tpu.memory_space<vmem>> -> memref<256x64xf32, #tpu.memory_space<vmem>>
    %dma_start3A_345 = arith.constant 0 : i32
    %dma_start3A_346 = tpu.memref_slice %arg3[%add3A_341, %dma_start3A_345] : memref<262144x64xf32, #tpu.memory_space<hbm>> -> memref<256x64xf32, #tpu.memory_space<hbm>>
    %dma_start3A_347 = arith.constant 0 : i32
    %dma_start3A_348 = arith.constant 0 : i32
    %dma_start3A_349 = tpu.memref_slice %arg6[%dma_start3A_347, %dma_start3A_348] : memref<768x64xf32, #tpu.memory_space<vmem>> -> memref<256x64xf32, #tpu.memory_space<vmem>>
    %dma_start3A_350 = arith.constant 0 : i32
    %dma_start3A_351 = tpu.memref_slice %arg3[%add3A_341, %dma_start3A_350] : memref<262144x64xf32, #tpu.memory_space<hbm>> -> memref<256x64xf32, #tpu.memory_space<hbm>>
    tpu.enqueue_dma source(%dma_start3A_351 : memref<256x64xf32, #tpu.memory_space<hbm>>) target(%dma_start3A_349 : memref<256x64xf32, #tpu.memory_space<vmem>>) target_semaphore(%arg9 : memref<!tpu.dma_semaphore, #tpu.memory_space<semaphore_mem>>)
    %scan3A_352 = arith.constant 0 : i32
    %scan3A_353 = arith.constant 0 : i32
    %scan3A_354 = arith.constant 16 : i32
    %scan3A_355 = arith.addi %scan3A_353, %scan3A_354 : i32
    %scan3A_356 = arith.constant 1 : i32
    scf.for %scan3A_964 = %scan3A_353 to %scan3A_355 step %scan3A_356  : i32 {
      %mul3A_965 = arith.constant 16 : i32
      %mul3A_966 = arith.muli %scan3A_964, %mul3A_965 : i32
      %add3A_967 = arith.constant 256 : i32
      %add3A_968 = arith.addi %add3A_967, %mul3A_966 : i32
      %add3A_969 = vector.broadcast %add3A_968 : i32 to vector<16xi32>
      %add3A_970 = arith.addi %add3A_969, %iota3A : vector<16xi32>
      %mul3A_971 = arith.constant 16 : i32
      %mul3A_972 = arith.muli %scan3A_964, %mul3A_971 : i32
      %add3A_973 = arith.constant 2560 : i32
      %add3A_974 = arith.addi %add3A_973, %mul3A_972 : i32
      %get3A = arith.index_cast %add3A_974 : i32 to index
      %get3A_975 = tpu.vector_load %arg5[%get3A] {strides = array<i32>} : memref<8192xi32, #tpu.memory_space<vmem>>, vector<16xi32>,
      %gather3A = tpu.vector_load_idx %arg6[%add3A_970, %get3A_975] : memref<768x64xf32, #tpu.memory_space<vmem>>[vector<16xi32>, vector<16xi32>], vector<16xf32>,
      %mul3A_976 = arith.constant 9.990000e-01 : f32
      %mul3A_977 = vector.broadcast %mul3A_976 : f32 to vector<16xf32>
      %mul3A_978 = arith.mulf %gather3A, %mul3A_977 : vector<16xf32>
      %mul3A_979 = arith.constant 16 : i32
      %mul3A_980 = arith.muli %scan3A_964, %mul3A_979 : i32
      %add3A_981 = arith.constant 2560 : i32
      %add3A_982 = arith.addi %add3A_981, %mul3A_980 : i32
      %swap3A = arith.index_cast %add3A_982 : i32 to index
      %swap3A_983 = tpu.vector_load %arg7[%swap3A] {strides = array<i32>} : memref<8192xf32, #tpu.memory_space<vmem>>, vector<16xf32>,
      tpu.vector_store %arg7[%swap3A], %mul3A_978 {strides = array<i32>} : memref<8192xf32, #tpu.memory_space<vmem>>, vector<16xf32>,
    }
    %scan3A_357 = arith.constant 16 : i32
    %add3A_358 = arith.constant 2816 : i32
    %add3A_359 = arith.addi %mul3A_2, %add3A_358 : i32
    %dma_wait3A_360 = arith.constant 512 : i32
    %dma_wait3A_361 = arith.constant 0 : i32
    %dma_wait3A_362 = tpu.memref_slice %arg6[%dma_wait3A_360, %dma_wait3A_361] : memref<768x64xf32, #tpu.memory_space<vmem>> -> memref<256x64xf32, #tpu.memory_space<vmem>>
    %dma_wait3A_363 = arith.constant 0 : i32
    %dma_wait3A_364 = tpu.memref_slice %arg3[%add3A_359, %dma_wait3A_363] : memref<262144x64xf32, #tpu.memory_space<hbm>> -> memref<256x64xf32, #tpu.memory_space<hbm>>
    %dma_wait3A_365 = arith.constant 512 : i32
    %dma_wait3A_366 = arith.constant 0 : i32
    %dma_wait3A_367 = tpu.memref_slice %arg6[%dma_wait3A_365, %dma_wait3A_366] : memref<768x64xf32, #tpu.memory_space<vmem>> -> memref<256x64xf32, #tpu.memory_space<vmem>>
    %dma_wait3A_368 = arith.constant 0 : i32
    %dma_wait3A_369 = tpu.memref_slice %arg3[%add3A_359, %dma_wait3A_368] : memref<262144x64xf32, #tpu.memory_space<hbm>> -> memref<256x64xf32, #tpu.memory_space<hbm>>
    tpu.wait_dma2 semaphore(%arg9 : memref<!tpu.dma_semaphore, #tpu.memory_space<semaphore_mem>>) src(%dma_wait3A_369 : memref<256x64xf32, #tpu.memory_space<hbm>>) dst(%dma_wait3A_367 : memref<256x64xf32, #tpu.memory_space<vmem>>)
    %add3A_370 = arith.constant 3328 : i32
    %add3A_371 = arith.addi %mul3A_2, %add3A_370 : i32
    %dma_start3A_372 = arith.constant 256 : i32
    %dma_start3A_373 = arith.constant 0 : i32
    %dma_start3A_374 = tpu.memref_slice %arg6[%dma_start3A_372, %dma_start3A_373] : memref<768x64xf32, #tpu.memory_space<vmem>> -> memref<256x64xf32, #tpu.memory_space<vmem>>
    %dma_start3A_375 = arith.constant 0 : i32
    %dma_start3A_376 = tpu.memref_slice %arg3[%add3A_371, %dma_start3A_375] : memref<262144x64xf32, #tpu.memory_space<hbm>> -> memref<256x64xf32, #tpu.memory_space<hbm>>
    %dma_start3A_377 = arith.constant 256 : i32
    %dma_start3A_378 = arith.constant 0 : i32
    %dma_start3A_379 = tpu.memref_slice %arg6[%dma_start3A_377, %dma_start3A_378] : memref<768x64xf32, #tpu.memory_space<vmem>> -> memref<256x64xf32, #tpu.memory_space<vmem>>
    %dma_start3A_380 = arith.constant 0 : i32
    %dma_start3A_381 = tpu.memref_slice %arg3[%add3A_371, %dma_start3A_380] : memref<262144x64xf32, #tpu.memory_space<hbm>> -> memref<256x64xf32, #tpu.memory_space<hbm>>
    tpu.enqueue_dma source(%dma_start3A_381 : memref<256x64xf32, #tpu.memory_space<hbm>>) target(%dma_start3A_379 : memref<256x64xf32, #tpu.memory_space<vmem>>) target_semaphore(%arg9 : memref<!tpu.dma_semaphore, #tpu.memory_space<semaphore_mem>>)
    %scan3A_382 = arith.constant 0 : i32
    %scan3A_383 = arith.constant 0 : i32
    %scan3A_384 = arith.constant 16 : i32
    %scan3A_385 = arith.addi %scan3A_383, %scan3A_384 : i32
    %scan3A_386 = arith.constant 1 : i32
    scf.for %scan3A_964 = %scan3A_383 to %scan3A_385 step %scan3A_386  : i32 {
      %mul3A_965 = arith.constant 16 : i32
      %mul3A_966 = arith.muli %scan3A_964, %mul3A_965 : i32
      %add3A_967 = arith.constant 512 : i32
      %add3A_968 = arith.addi %add3A_967, %mul3A_966 : i32
      %add3A_969 = vector.broadcast %add3A_968 : i32 to vector<16xi32>
      %add3A_970 = arith.addi %add3A_969, %iota3A : vector<16xi32>
      %mul3A_971 = arith.constant 16 : i32
      %mul3A_972 = arith.muli %scan3A_964, %mul3A_971 : i32
      %add3A_973 = arith.constant 2816 : i32
      %add3A_974 = arith.addi %add3A_973, %mul3A_972 : i32
      %get3A = arith.index_cast %add3A_974 : i32 to index
      %get3A_975 = tpu.vector_load %arg5[%get3A] {strides = array<i32>} : memref<8192xi32, #tpu.memory_space<vmem>>, vector<16xi32>,
      %gather3A = tpu.vector_load_idx %arg6[%add3A_970, %get3A_975] : memref<768x64xf32, #tpu.memory_space<vmem>>[vector<16xi32>, vector<16xi32>], vector<16xf32>,
      %mul3A_976 = arith.constant 9.990000e-01 : f32
      %mul3A_977 = vector.broadcast %mul3A_976 : f32 to vector<16xf32>
      %mul3A_978 = arith.mulf %gather3A, %mul3A_977 : vector<16xf32>
      %mul3A_979 = arith.constant 16 : i32
      %mul3A_980 = arith.muli %scan3A_964, %mul3A_979 : i32
      %add3A_981 = arith.constant 2816 : i32
      %add3A_982 = arith.addi %add3A_981, %mul3A_980 : i32
      %swap3A = arith.index_cast %add3A_982 : i32 to index
      %swap3A_983 = tpu.vector_load %arg7[%swap3A] {strides = array<i32>} : memref<8192xf32, #tpu.memory_space<vmem>>, vector<16xf32>,
      tpu.vector_store %arg7[%swap3A], %mul3A_978 {strides = array<i32>} : memref<8192xf32, #tpu.memory_space<vmem>>, vector<16xf32>,
    }
    %scan3A_387 = arith.constant 16 : i32
    %add3A_388 = arith.constant 3072 : i32
    %add3A_389 = arith.addi %mul3A_2, %add3A_388 : i32
    %dma_wait3A_390 = arith.constant 0 : i32
    %dma_wait3A_391 = arith.constant 0 : i32
    %dma_wait3A_392 = tpu.memref_slice %arg6[%dma_wait3A_390, %dma_wait3A_391] : memref<768x64xf32, #tpu.memory_space<vmem>> -> memref<256x64xf32, #tpu.memory_space<vmem>>
    %dma_wait3A_393 = arith.constant 0 : i32
    %dma_wait3A_394 = tpu.memref_slice %arg3[%add3A_389, %dma_wait3A_393] : memref<262144x64xf32, #tpu.memory_space<hbm>> -> memref<256x64xf32, #tpu.memory_space<hbm>>
    %dma_wait3A_395 = arith.constant 0 : i32
    %dma_wait3A_396 = arith.constant 0 : i32
    %dma_wait3A_397 = tpu.memref_slice %arg6[%dma_wait3A_395, %dma_wait3A_396] : memref<768x64xf32, #tpu.memory_space<vmem>> -> memref<256x64xf32, #tpu.memory_space<vmem>>
    %dma_wait3A_398 = arith.constant 0 : i32
    %dma_wait3A_399 = tpu.memref_slice %arg3[%add3A_389, %dma_wait3A_398] : memref<262144x64xf32, #tpu.memory_space<hbm>> -> memref<256x64xf32, #tpu.memory_space<hbm>>
    tpu.wait_dma2 semaphore(%arg9 : memref<!tpu.dma_semaphore, #tpu.memory_space<semaphore_mem>>) src(%dma_wait3A_399 : memref<256x64xf32, #tpu.memory_space<hbm>>) dst(%dma_wait3A_397 : memref<256x64xf32, #tpu.memory_space<vmem>>)
    %add3A_400 = arith.constant 3584 : i32
    %add3A_401 = arith.addi %mul3A_2, %add3A_400 : i32
    %dma_start3A_402 = arith.constant 512 : i32
    %dma_start3A_403 = arith.constant 0 : i32
    %dma_start3A_404 = tpu.memref_slice %arg6[%dma_start3A_402, %dma_start3A_403] : memref<768x64xf32, #tpu.memory_space<vmem>> -> memref<256x64xf32, #tpu.memory_space<vmem>>
    %dma_start3A_405 = arith.constant 0 : i32
    %dma_start3A_406 = tpu.memref_slice %arg3[%add3A_401, %dma_start3A_405] : memref<262144x64xf32, #tpu.memory_space<hbm>> -> memref<256x64xf32, #tpu.memory_space<hbm>>
    %dma_start3A_407 = arith.constant 512 : i32
    %dma_start3A_408 = arith.constant 0 : i32
    %dma_start3A_409 = tpu.memref_slice %arg6[%dma_start3A_407, %dma_start3A_408] : memref<768x64xf32, #tpu.memory_space<vmem>> -> memref<256x64xf32, #tpu.memory_space<vmem>>
    %dma_start3A_410 = arith.constant 0 : i32
    %dma_start3A_411 = tpu.memref_slice %arg3[%add3A_401, %dma_start3A_410] : memref<262144x64xf32, #tpu.memory_space<hbm>> -> memref<256x64xf32, #tpu.memory_space<hbm>>
    tpu.enqueue_dma source(%dma_start3A_411 : memref<256x64xf32, #tpu.memory_space<hbm>>) target(%dma_start3A_409 : memref<256x64xf32, #tpu.memory_space<vmem>>) target_semaphore(%arg9 : memref<!tpu.dma_semaphore, #tpu.memory_space<semaphore_mem>>)
    %scan3A_412 = arith.constant 0 : i32
    %scan3A_413 = arith.constant 0 : i32
    %scan3A_414 = arith.constant 16 : i32
    %scan3A_415 = arith.addi %scan3A_413, %scan3A_414 : i32
    %scan3A_416 = arith.constant 1 : i32
    scf.for %scan3A_964 = %scan3A_413 to %scan3A_415 step %scan3A_416  : i32 {
      %mul3A_965 = arith.constant 16 : i32
      %mul3A_966 = arith.muli %scan3A_964, %mul3A_965 : i32
      %add3A_967 = arith.constant 0 : i32
      %add3A_968 = arith.addi %add3A_967, %mul3A_966 : i32
      %add3A_969 = vector.broadcast %add3A_968 : i32 to vector<16xi32>
      %add3A_970 = arith.addi %add3A_969, %iota3A : vector<16xi32>
      %mul3A_971 = arith.constant 16 : i32
      %mul3A_972 = arith.muli %scan3A_964, %mul3A_971 : i32
      %add3A_973 = arith.constant 3072 : i32
      %add3A_974 = arith.addi %add3A_973, %mul3A_972 : i32
      %get3A = arith.index_cast %add3A_974 : i32 to index
      %get3A_975 = tpu.vector_load %arg5[%get3A] {strides = array<i32>} : memref<8192xi32, #tpu.memory_space<vmem>>, vector<16xi32>,
      %gather3A = tpu.vector_load_idx %arg6[%add3A_970, %get3A_975] : memref<768x64xf32, #tpu.memory_space<vmem>>[vector<16xi32>, vector<16xi32>], vector<16xf32>,
      %mul3A_976 = arith.constant 9.990000e-01 : f32
      %mul3A_977 = vector.broadcast %mul3A_976 : f32 to vector<16xf32>
      %mul3A_978 = arith.mulf %gather3A, %mul3A_977 : vector<16xf32>
      %mul3A_979 = arith.constant 16 : i32
      %mul3A_980 = arith.muli %scan3A_964, %mul3A_979 : i32
      %add3A_981 = arith.constant 3072 : i32
      %add3A_982 = arith.addi %add3A_981, %mul3A_980 : i32
      %swap3A = arith.index_cast %add3A_982 : i32 to index
      %swap3A_983 = tpu.vector_load %arg7[%swap3A] {strides = array<i32>} : memref<8192xf32, #tpu.memory_space<vmem>>, vector<16xf32>,
      tpu.vector_store %arg7[%swap3A], %mul3A_978 {strides = array<i32>} : memref<8192xf32, #tpu.memory_space<vmem>>, vector<16xf32>,
    }
    %scan3A_417 = arith.constant 16 : i32
    %add3A_418 = arith.constant 3328 : i32
    %add3A_419 = arith.addi %mul3A_2, %add3A_418 : i32
    %dma_wait3A_420 = arith.constant 256 : i32
    %dma_wait3A_421 = arith.constant 0 : i32
    %dma_wait3A_422 = tpu.memref_slice %arg6[%dma_wait3A_420, %dma_wait3A_421] : memref<768x64xf32, #tpu.memory_space<vmem>> -> memref<256x64xf32, #tpu.memory_space<vmem>>
    %dma_wait3A_423 = arith.constant 0 : i32
    %dma_wait3A_424 = tpu.memref_slice %arg3[%add3A_419, %dma_wait3A_423] : memref<262144x64xf32, #tpu.memory_space<hbm>> -> memref<256x64xf32, #tpu.memory_space<hbm>>
    %dma_wait3A_425 = arith.constant 256 : i32
    %dma_wait3A_426 = arith.constant 0 : i32
    %dma_wait3A_427 = tpu.memref_slice %arg6[%dma_wait3A_425, %dma_wait3A_426] : memref<768x64xf32, #tpu.memory_space<vmem>> -> memref<256x64xf32, #tpu.memory_space<vmem>>
    %dma_wait3A_428 = arith.constant 0 : i32
    %dma_wait3A_429 = tpu.memref_slice %arg3[%add3A_419, %dma_wait3A_428] : memref<262144x64xf32, #tpu.memory_space<hbm>> -> memref<256x64xf32, #tpu.memory_space<hbm>>
    tpu.wait_dma2 semaphore(%arg9 : memref<!tpu.dma_semaphore, #tpu.memory_space<semaphore_mem>>) src(%dma_wait3A_429 : memref<256x64xf32, #tpu.memory_space<hbm>>) dst(%dma_wait3A_427 : memref<256x64xf32, #tpu.memory_space<vmem>>)
    %add3A_430 = arith.constant 3840 : i32
    %add3A_431 = arith.addi %mul3A_2, %add3A_430 : i32
    %dma_start3A_432 = arith.constant 0 : i32
    %dma_start3A_433 = arith.constant 0 : i32
    %dma_start3A_434 = tpu.memref_slice %arg6[%dma_start3A_432, %dma_start3A_433] : memref<768x64xf32, #tpu.memory_space<vmem>> -> memref<256x64xf32, #tpu.memory_space<vmem>>
    %dma_start3A_435 = arith.constant 0 : i32
    %dma_start3A_436 = tpu.memref_slice %arg3[%add3A_431, %dma_start3A_435] : memref<262144x64xf32, #tpu.memory_space<hbm>> -> memref<256x64xf32, #tpu.memory_space<hbm>>
    %dma_start3A_437 = arith.constant 0 : i32
    %dma_start3A_438 = arith.constant 0 : i32
    %dma_start3A_439 = tpu.memref_slice %arg6[%dma_start3A_437, %dma_start3A_438] : memref<768x64xf32, #tpu.memory_space<vmem>> -> memref<256x64xf32, #tpu.memory_space<vmem>>
    %dma_start3A_440 = arith.constant 0 : i32
    %dma_start3A_441 = tpu.memref_slice %arg3[%add3A_431, %dma_start3A_440] : memref<262144x64xf32, #tpu.memory_space<hbm>> -> memref<256x64xf32, #tpu.memory_space<hbm>>
    tpu.enqueue_dma source(%dma_start3A_441 : memref<256x64xf32, #tpu.memory_space<hbm>>) target(%dma_start3A_439 : memref<256x64xf32, #tpu.memory_space<vmem>>) target_semaphore(%arg9 : memref<!tpu.dma_semaphore, #tpu.memory_space<semaphore_mem>>)
    %scan3A_442 = arith.constant 0 : i32
    %scan3A_443 = arith.constant 0 : i32
    %scan3A_444 = arith.constant 16 : i32
    %scan3A_445 = arith.addi %scan3A_443, %scan3A_444 : i32
    %scan3A_446 = arith.constant 1 : i32
    scf.for %scan3A_964 = %scan3A_443 to %scan3A_445 step %scan3A_446  : i32 {
      %mul3A_965 = arith.constant 16 : i32
      %mul3A_966 = arith.muli %scan3A_964, %mul3A_965 : i32
      %add3A_967 = arith.constant 256 : i32
      %add3A_968 = arith.addi %add3A_967, %mul3A_966 : i32
      %add3A_969 = vector.broadcast %add3A_968 : i32 to vector<16xi32>
      %add3A_970 = arith.addi %add3A_969, %iota3A : vector<16xi32>
      %mul3A_971 = arith.constant 16 : i32
      %mul3A_972 = arith.muli %scan3A_964, %mul3A_971 : i32
      %add3A_973 = arith.constant 3328 : i32
      %add3A_974 = arith.addi %add3A_973, %mul3A_972 : i32
      %get3A = arith.index_cast %add3A_974 : i32 to index
      %get3A_975 = tpu.vector_load %arg5[%get3A] {strides = array<i32>} : memref<8192xi32, #tpu.memory_space<vmem>>, vector<16xi32>,
      %gather3A = tpu.vector_load_idx %arg6[%add3A_970, %get3A_975] : memref<768x64xf32, #tpu.memory_space<vmem>>[vector<16xi32>, vector<16xi32>], vector<16xf32>,
      %mul3A_976 = arith.constant 9.990000e-01 : f32
      %mul3A_977 = vector.broadcast %mul3A_976 : f32 to vector<16xf32>
      %mul3A_978 = arith.mulf %gather3A, %mul3A_977 : vector<16xf32>
      %mul3A_979 = arith.constant 16 : i32
      %mul3A_980 = arith.muli %scan3A_964, %mul3A_979 : i32
      %add3A_981 = arith.constant 3328 : i32
      %add3A_982 = arith.addi %add3A_981, %mul3A_980 : i32
      %swap3A = arith.index_cast %add3A_982 : i32 to index
      %swap3A_983 = tpu.vector_load %arg7[%swap3A] {strides = array<i32>} : memref<8192xf32, #tpu.memory_space<vmem>>, vector<16xf32>,
      tpu.vector_store %arg7[%swap3A], %mul3A_978 {strides = array<i32>} : memref<8192xf32, #tpu.memory_space<vmem>>, vector<16xf32>,
    }
    %scan3A_447 = arith.constant 16 : i32
    %add3A_448 = arith.constant 3584 : i32
    %add3A_449 = arith.addi %mul3A_2, %add3A_448 : i32
    %dma_wait3A_450 = arith.constant 512 : i32
    %dma_wait3A_451 = arith.constant 0 : i32
    %dma_wait3A_452 = tpu.memref_slice %arg6[%dma_wait3A_450, %dma_wait3A_451] : memref<768x64xf32, #tpu.memory_space<vmem>> -> memref<256x64xf32, #tpu.memory_space<vmem>>
    %dma_wait3A_453 = arith.constant 0 : i32
    %dma_wait3A_454 = tpu.memref_slice %arg3[%add3A_449, %dma_wait3A_453] : memref<262144x64xf32, #tpu.memory_space<hbm>> -> memref<256x64xf32, #tpu.memory_space<hbm>>
    %dma_wait3A_455 = arith.constant 512 : i32
    %dma_wait3A_456 = arith.constant 0 : i32
    %dma_wait3A_457 = tpu.memref_slice %arg6[%dma_wait3A_455, %dma_wait3A_456] : memref<768x64xf32, #tpu.memory_space<vmem>> -> memref<256x64xf32, #tpu.memory_space<vmem>>
    %dma_wait3A_458 = arith.constant 0 : i32
    %dma_wait3A_459 = tpu.memref_slice %arg3[%add3A_449, %dma_wait3A_458] : memref<262144x64xf32, #tpu.memory_space<hbm>> -> memref<256x64xf32, #tpu.memory_space<hbm>>
    tpu.wait_dma2 semaphore(%arg9 : memref<!tpu.dma_semaphore, #tpu.memory_space<semaphore_mem>>) src(%dma_wait3A_459 : memref<256x64xf32, #tpu.memory_space<hbm>>) dst(%dma_wait3A_457 : memref<256x64xf32, #tpu.memory_space<vmem>>)
    %add3A_460 = arith.constant 4096 : i32
    %add3A_461 = arith.addi %mul3A_2, %add3A_460 : i32
    %dma_start3A_462 = arith.constant 256 : i32
    %dma_start3A_463 = arith.constant 0 : i32
    %dma_start3A_464 = tpu.memref_slice %arg6[%dma_start3A_462, %dma_start3A_463] : memref<768x64xf32, #tpu.memory_space<vmem>> -> memref<256x64xf32, #tpu.memory_space<vmem>>
    %dma_start3A_465 = arith.constant 0 : i32
    %dma_start3A_466 = tpu.memref_slice %arg3[%add3A_461, %dma_start3A_465] : memref<262144x64xf32, #tpu.memory_space<hbm>> -> memref<256x64xf32, #tpu.memory_space<hbm>>
    %dma_start3A_467 = arith.constant 256 : i32
    %dma_start3A_468 = arith.constant 0 : i32
    %dma_start3A_469 = tpu.memref_slice %arg6[%dma_start3A_467, %dma_start3A_468] : memref<768x64xf32, #tpu.memory_space<vmem>> -> memref<256x64xf32, #tpu.memory_space<vmem>>
    %dma_start3A_470 = arith.constant 0 : i32
    %dma_start3A_471 = tpu.memref_slice %arg3[%add3A_461, %dma_start3A_470] : memref<262144x64xf32, #tpu.memory_space<hbm>> -> memref<256x64xf32, #tpu.memory_space<hbm>>
    tpu.enqueue_dma source(%dma_start3A_471 : memref<256x64xf32, #tpu.memory_space<hbm>>) target(%dma_start3A_469 : memref<256x64xf32, #tpu.memory_space<vmem>>) target_semaphore(%arg9 : memref<!tpu.dma_semaphore, #tpu.memory_space<semaphore_mem>>)
    %scan3A_472 = arith.constant 0 : i32
    %scan3A_473 = arith.constant 0 : i32
    %scan3A_474 = arith.constant 16 : i32
    %scan3A_475 = arith.addi %scan3A_473, %scan3A_474 : i32
    %scan3A_476 = arith.constant 1 : i32
    scf.for %scan3A_964 = %scan3A_473 to %scan3A_475 step %scan3A_476  : i32 {
      %mul3A_965 = arith.constant 16 : i32
      %mul3A_966 = arith.muli %scan3A_964, %mul3A_965 : i32
      %add3A_967 = arith.constant 512 : i32
      %add3A_968 = arith.addi %add3A_967, %mul3A_966 : i32
      %add3A_969 = vector.broadcast %add3A_968 : i32 to vector<16xi32>
      %add3A_970 = arith.addi %add3A_969, %iota3A : vector<16xi32>
      %mul3A_971 = arith.constant 16 : i32
      %mul3A_972 = arith.muli %scan3A_964, %mul3A_971 : i32
      %add3A_973 = arith.constant 3584 : i32
      %add3A_974 = arith.addi %add3A_973, %mul3A_972 : i32
      %get3A = arith.index_cast %add3A_974 : i32 to index
      %get3A_975 = tpu.vector_load %arg5[%get3A] {strides = array<i32>} : memref<8192xi32, #tpu.memory_space<vmem>>, vector<16xi32>,
      %gather3A = tpu.vector_load_idx %arg6[%add3A_970, %get3A_975] : memref<768x64xf32, #tpu.memory_space<vmem>>[vector<16xi32>, vector<16xi32>], vector<16xf32>,
      %mul3A_976 = arith.constant 9.990000e-01 : f32
      %mul3A_977 = vector.broadcast %mul3A_976 : f32 to vector<16xf32>
      %mul3A_978 = arith.mulf %gather3A, %mul3A_977 : vector<16xf32>
      %mul3A_979 = arith.constant 16 : i32
      %mul3A_980 = arith.muli %scan3A_964, %mul3A_979 : i32
      %add3A_981 = arith.constant 3584 : i32
      %add3A_982 = arith.addi %add3A_981, %mul3A_980 : i32
      %swap3A = arith.index_cast %add3A_982 : i32 to index
      %swap3A_983 = tpu.vector_load %arg7[%swap3A] {strides = array<i32>} : memref<8192xf32, #tpu.memory_space<vmem>>, vector<16xf32>,
      tpu.vector_store %arg7[%swap3A], %mul3A_978 {strides = array<i32>} : memref<8192xf32, #tpu.memory_space<vmem>>, vector<16xf32>,
    }
    %scan3A_477 = arith.constant 16 : i32
    %add3A_478 = arith.constant 3840 : i32
    %add3A_479 = arith.addi %mul3A_2, %add3A_478 : i32
    %dma_wait3A_480 = arith.constant 0 : i32
    %dma_wait3A_481 = arith.constant 0 : i32
    %dma_wait3A_482 = tpu.memref_slice %arg6[%dma_wait3A_480, %dma_wait3A_481] : memref<768x64xf32, #tpu.memory_space<vmem>> -> memref<256x64xf32, #tpu.memory_space<vmem>>
    %dma_wait3A_483 = arith.constant 0 : i32
    %dma_wait3A_484 = tpu.memref_slice %arg3[%add3A_479, %dma_wait3A_483] : memref<262144x64xf32, #tpu.memory_space<hbm>> -> memref<256x64xf32, #tpu.memory_space<hbm>>
    %dma_wait3A_485 = arith.constant 0 : i32
    %dma_wait3A_486 = arith.constant 0 : i32
    %dma_wait3A_487 = tpu.memref_slice %arg6[%dma_wait3A_485, %dma_wait3A_486] : memref<768x64xf32, #tpu.memory_space<vmem>> -> memref<256x64xf32, #tpu.memory_space<vmem>>
    %dma_wait3A_488 = arith.constant 0 : i32
    %dma_wait3A_489 = tpu.memref_slice %arg3[%add3A_479, %dma_wait3A_488] : memref<262144x64xf32, #tpu.memory_space<hbm>> -> memref<256x64xf32, #tpu.memory_space<hbm>>
    tpu.wait_dma2 semaphore(%arg9 : memref<!tpu.dma_semaphore, #tpu.memory_space<semaphore_mem>>) src(%dma_wait3A_489 : memref<256x64xf32, #tpu.memory_space<hbm>>) dst(%dma_wait3A_487 : memref<256x64xf32, #tpu.memory_space<vmem>>)
    %add3A_490 = arith.constant 4352 : i32
    %add3A_491 = arith.addi %mul3A_2, %add3A_490 : i32
    %dma_start3A_492 = arith.constant 512 : i32
    %dma_start3A_493 = arith.constant 0 : i32
    %dma_start3A_494 = tpu.memref_slice %arg6[%dma_start3A_492, %dma_start3A_493] : memref<768x64xf32, #tpu.memory_space<vmem>> -> memref<256x64xf32, #tpu.memory_space<vmem>>
    %dma_start3A_495 = arith.constant 0 : i32
    %dma_start3A_496 = tpu.memref_slice %arg3[%add3A_491, %dma_start3A_495] : memref<262144x64xf32, #tpu.memory_space<hbm>> -> memref<256x64xf32, #tpu.memory_space<hbm>>
    %dma_start3A_497 = arith.constant 512 : i32
    %dma_start3A_498 = arith.constant 0 : i32
    %dma_start3A_499 = tpu.memref_slice %arg6[%dma_start3A_497, %dma_start3A_498] : memref<768x64xf32, #tpu.memory_space<vmem>> -> memref<256x64xf32, #tpu.memory_space<vmem>>
    %dma_start3A_500 = arith.constant 0 : i32
    %dma_start3A_501 = tpu.memref_slice %arg3[%add3A_491, %dma_start3A_500] : memref<262144x64xf32, #tpu.memory_space<hbm>> -> memref<256x64xf32, #tpu.memory_space<hbm>>
    tpu.enqueue_dma source(%dma_start3A_501 : memref<256x64xf32, #tpu.memory_space<hbm>>) target(%dma_start3A_499 : memref<256x64xf32, #tpu.memory_space<vmem>>) target_semaphore(%arg9 : memref<!tpu.dma_semaphore, #tpu.memory_space<semaphore_mem>>)
    %scan3A_502 = arith.constant 0 : i32
    %scan3A_503 = arith.constant 0 : i32
    %scan3A_504 = arith.constant 16 : i32
    %scan3A_505 = arith.addi %scan3A_503, %scan3A_504 : i32
    %scan3A_506 = arith.constant 1 : i32
    scf.for %scan3A_964 = %scan3A_503 to %scan3A_505 step %scan3A_506  : i32 {
      %mul3A_965 = arith.constant 16 : i32
      %mul3A_966 = arith.muli %scan3A_964, %mul3A_965 : i32
      %add3A_967 = arith.constant 0 : i32
      %add3A_968 = arith.addi %add3A_967, %mul3A_966 : i32
      %add3A_969 = vector.broadcast %add3A_968 : i32 to vector<16xi32>
      %add3A_970 = arith.addi %add3A_969, %iota3A : vector<16xi32>
      %mul3A_971 = arith.constant 16 : i32
      %mul3A_972 = arith.muli %scan3A_964, %mul3A_971 : i32
      %add3A_973 = arith.constant 3840 : i32
      %add3A_974 = arith.addi %add3A_973, %mul3A_972 : i32
      %get3A = arith.index_cast %add3A_974 : i32 to index
      %get3A_975 = tpu.vector_load %arg5[%get3A] {strides = array<i32>} : memref<8192xi32, #tpu.memory_space<vmem>>, vector<16xi32>,
      %gather3A = tpu.vector_load_idx %arg6[%add3A_970, %get3A_975] : memref<768x64xf32, #tpu.memory_space<vmem>>[vector<16xi32>, vector<16xi32>], vector<16xf32>,
      %mul3A_976 = arith.constant 9.990000e-01 : f32
      %mul3A_977 = vector.broadcast %mul3A_976 : f32 to vector<16xf32>
      %mul3A_978 = arith.mulf %gather3A, %mul3A_977 : vector<16xf32>
      %mul3A_979 = arith.constant 16 : i32
      %mul3A_980 = arith.muli %scan3A_964, %mul3A_979 : i32
      %add3A_981 = arith.constant 3840 : i32
      %add3A_982 = arith.addi %add3A_981, %mul3A_980 : i32
      %swap3A = arith.index_cast %add3A_982 : i32 to index
      %swap3A_983 = tpu.vector_load %arg7[%swap3A] {strides = array<i32>} : memref<8192xf32, #tpu.memory_space<vmem>>, vector<16xf32>,
      tpu.vector_store %arg7[%swap3A], %mul3A_978 {strides = array<i32>} : memref<8192xf32, #tpu.memory_space<vmem>>, vector<16xf32>,
    }
    %scan3A_507 = arith.constant 16 : i32
    %add3A_508 = arith.constant 4096 : i32
    %add3A_509 = arith.addi %mul3A_2, %add3A_508 : i32
    %dma_wait3A_510 = arith.constant 256 : i32
    %dma_wait3A_511 = arith.constant 0 : i32
    %dma_wait3A_512 = tpu.memref_slice %arg6[%dma_wait3A_510, %dma_wait3A_511] : memref<768x64xf32, #tpu.memory_space<vmem>> -> memref<256x64xf32, #tpu.memory_space<vmem>>
    %dma_wait3A_513 = arith.constant 0 : i32
    %dma_wait3A_514 = tpu.memref_slice %arg3[%add3A_509, %dma_wait3A_513] : memref<262144x64xf32, #tpu.memory_space<hbm>> -> memref<256x64xf32, #tpu.memory_space<hbm>>
    %dma_wait3A_515 = arith.constant 256 : i32
    %dma_wait3A_516 = arith.constant 0 : i32
    %dma_wait3A_517 = tpu.memref_slice %arg6[%dma_wait3A_515, %dma_wait3A_516] : memref<768x64xf32, #tpu.memory_space<vmem>> -> memref<256x64xf32, #tpu.memory_space<vmem>>
    %dma_wait3A_518 = arith.constant 0 : i32
    %dma_wait3A_519 = tpu.memref_slice %arg3[%add3A_509, %dma_wait3A_518] : memref<262144x64xf32, #tpu.memory_space<hbm>> -> memref<256x64xf32, #tpu.memory_space<hbm>>
    tpu.wait_dma2 semaphore(%arg9 : memref<!tpu.dma_semaphore, #tpu.memory_space<semaphore_mem>>) src(%dma_wait3A_519 : memref<256x64xf32, #tpu.memory_space<hbm>>) dst(%dma_wait3A_517 : memref<256x64xf32, #tpu.memory_space<vmem>>)
    %add3A_520 = arith.constant 4608 : i32
    %add3A_521 = arith.addi %mul3A_2, %add3A_520 : i32
    %dma_start3A_522 = arith.constant 0 : i32
    %dma_start3A_523 = arith.constant 0 : i32
    %dma_start3A_524 = tpu.memref_slice %arg6[%dma_start3A_522, %dma_start3A_523] : memref<768x64xf32, #tpu.memory_space<vmem>> -> memref<256x64xf32, #tpu.memory_space<vmem>>
    %dma_start3A_525 = arith.constant 0 : i32
    %dma_start3A_526 = tpu.memref_slice %arg3[%add3A_521, %dma_start3A_525] : memref<262144x64xf32, #tpu.memory_space<hbm>> -> memref<256x64xf32, #tpu.memory_space<hbm>>
    %dma_start3A_527 = arith.constant 0 : i32
    %dma_start3A_528 = arith.constant 0 : i32
    %dma_start3A_529 = tpu.memref_slice %arg6[%dma_start3A_527, %dma_start3A_528] : memref<768x64xf32, #tpu.memory_space<vmem>> -> memref<256x64xf32, #tpu.memory_space<vmem>>
    %dma_start3A_530 = arith.constant 0 : i32
    %dma_start3A_531 = tpu.memref_slice %arg3[%add3A_521, %dma_start3A_530] : memref<262144x64xf32, #tpu.memory_space<hbm>> -> memref<256x64xf32, #tpu.memory_space<hbm>>
    tpu.enqueue_dma source(%dma_start3A_531 : memref<256x64xf32, #tpu.memory_space<hbm>>) target(%dma_start3A_529 : memref<256x64xf32, #tpu.memory_space<vmem>>) target_semaphore(%arg9 : memref<!tpu.dma_semaphore, #tpu.memory_space<semaphore_mem>>)
    %scan3A_532 = arith.constant 0 : i32
    %scan3A_533 = arith.constant 0 : i32
    %scan3A_534 = arith.constant 16 : i32
    %scan3A_535 = arith.addi %scan3A_533, %scan3A_534 : i32
    %scan3A_536 = arith.constant 1 : i32
    scf.for %scan3A_964 = %scan3A_533 to %scan3A_535 step %scan3A_536  : i32 {
      %mul3A_965 = arith.constant 16 : i32
      %mul3A_966 = arith.muli %scan3A_964, %mul3A_965 : i32
      %add3A_967 = arith.constant 256 : i32
      %add3A_968 = arith.addi %add3A_967, %mul3A_966 : i32
      %add3A_969 = vector.broadcast %add3A_968 : i32 to vector<16xi32>
      %add3A_970 = arith.addi %add3A_969, %iota3A : vector<16xi32>
      %mul3A_971 = arith.constant 16 : i32
      %mul3A_972 = arith.muli %scan3A_964, %mul3A_971 : i32
      %add3A_973 = arith.constant 4096 : i32
      %add3A_974 = arith.addi %add3A_973, %mul3A_972 : i32
      %get3A = arith.index_cast %add3A_974 : i32 to index
      %get3A_975 = tpu.vector_load %arg5[%get3A] {strides = array<i32>} : memref<8192xi32, #tpu.memory_space<vmem>>, vector<16xi32>,
      %gather3A = tpu.vector_load_idx %arg6[%add3A_970, %get3A_975] : memref<768x64xf32, #tpu.memory_space<vmem>>[vector<16xi32>, vector<16xi32>], vector<16xf32>,
      %mul3A_976 = arith.constant 9.990000e-01 : f32
      %mul3A_977 = vector.broadcast %mul3A_976 : f32 to vector<16xf32>
      %mul3A_978 = arith.mulf %gather3A, %mul3A_977 : vector<16xf32>
      %mul3A_979 = arith.constant 16 : i32
      %mul3A_980 = arith.muli %scan3A_964, %mul3A_979 : i32
      %add3A_981 = arith.constant 4096 : i32
      %add3A_982 = arith.addi %add3A_981, %mul3A_980 : i32
      %swap3A = arith.index_cast %add3A_982 : i32 to index
      %swap3A_983 = tpu.vector_load %arg7[%swap3A] {strides = array<i32>} : memref<8192xf32, #tpu.memory_space<vmem>>, vector<16xf32>,
      tpu.vector_store %arg7[%swap3A], %mul3A_978 {strides = array<i32>} : memref<8192xf32, #tpu.memory_space<vmem>>, vector<16xf32>,
    }
    %scan3A_537 = arith.constant 16 : i32
    %add3A_538 = arith.constant 4352 : i32
    %add3A_539 = arith.addi %mul3A_2, %add3A_538 : i32
    %dma_wait3A_540 = arith.constant 512 : i32
    %dma_wait3A_541 = arith.constant 0 : i32
    %dma_wait3A_542 = tpu.memref_slice %arg6[%dma_wait3A_540, %dma_wait3A_541] : memref<768x64xf32, #tpu.memory_space<vmem>> -> memref<256x64xf32, #tpu.memory_space<vmem>>
    %dma_wait3A_543 = arith.constant 0 : i32
    %dma_wait3A_544 = tpu.memref_slice %arg3[%add3A_539, %dma_wait3A_543] : memref<262144x64xf32, #tpu.memory_space<hbm>> -> memref<256x64xf32, #tpu.memory_space<hbm>>
    %dma_wait3A_545 = arith.constant 512 : i32
    %dma_wait3A_546 = arith.constant 0 : i32
    %dma_wait3A_547 = tpu.memref_slice %arg6[%dma_wait3A_545, %dma_wait3A_546] : memref<768x64xf32, #tpu.memory_space<vmem>> -> memref<256x64xf32, #tpu.memory_space<vmem>>
    %dma_wait3A_548 = arith.constant 0 : i32
    %dma_wait3A_549 = tpu.memref_slice %arg3[%add3A_539, %dma_wait3A_548] : memref<262144x64xf32, #tpu.memory_space<hbm>> -> memref<256x64xf32, #tpu.memory_space<hbm>>
    tpu.wait_dma2 semaphore(%arg9 : memref<!tpu.dma_semaphore, #tpu.memory_space<semaphore_mem>>) src(%dma_wait3A_549 : memref<256x64xf32, #tpu.memory_space<hbm>>) dst(%dma_wait3A_547 : memref<256x64xf32, #tpu.memory_space<vmem>>)
    %add3A_550 = arith.constant 4864 : i32
    %add3A_551 = arith.addi %mul3A_2, %add3A_550 : i32
    %dma_start3A_552 = arith.constant 256 : i32
    %dma_start3A_553 = arith.constant 0 : i32
    %dma_start3A_554 = tpu.memref_slice %arg6[%dma_start3A_552, %dma_start3A_553] : memref<768x64xf32, #tpu.memory_space<vmem>> -> memref<256x64xf32, #tpu.memory_space<vmem>>
    %dma_start3A_555 = arith.constant 0 : i32
    %dma_start3A_556 = tpu.memref_slice %arg3[%add3A_551, %dma_start3A_555] : memref<262144x64xf32, #tpu.memory_space<hbm>> -> memref<256x64xf32, #tpu.memory_space<hbm>>
    %dma_start3A_557 = arith.constant 256 : i32
    %dma_start3A_558 = arith.constant 0 : i32
    %dma_start3A_559 = tpu.memref_slice %arg6[%dma_start3A_557, %dma_start3A_558] : memref<768x64xf32, #tpu.memory_space<vmem>> -> memref<256x64xf32, #tpu.memory_space<vmem>>
    %dma_start3A_560 = arith.constant 0 : i32
    %dma_start3A_561 = tpu.memref_slice %arg3[%add3A_551, %dma_start3A_560] : memref<262144x64xf32, #tpu.memory_space<hbm>> -> memref<256x64xf32, #tpu.memory_space<hbm>>
    tpu.enqueue_dma source(%dma_start3A_561 : memref<256x64xf32, #tpu.memory_space<hbm>>) target(%dma_start3A_559 : memref<256x64xf32, #tpu.memory_space<vmem>>) target_semaphore(%arg9 : memref<!tpu.dma_semaphore, #tpu.memory_space<semaphore_mem>>)
    %scan3A_562 = arith.constant 0 : i32
    %scan3A_563 = arith.constant 0 : i32
    %scan3A_564 = arith.constant 16 : i32
    %scan3A_565 = arith.addi %scan3A_563, %scan3A_564 : i32
    %scan3A_566 = arith.constant 1 : i32
    scf.for %scan3A_964 = %scan3A_563 to %scan3A_565 step %scan3A_566  : i32 {
      %mul3A_965 = arith.constant 16 : i32
      %mul3A_966 = arith.muli %scan3A_964, %mul3A_965 : i32
      %add3A_967 = arith.constant 512 : i32
      %add3A_968 = arith.addi %add3A_967, %mul3A_966 : i32
      %add3A_969 = vector.broadcast %add3A_968 : i32 to vector<16xi32>
      %add3A_970 = arith.addi %add3A_969, %iota3A : vector<16xi32>
      %mul3A_971 = arith.constant 16 : i32
      %mul3A_972 = arith.muli %scan3A_964, %mul3A_971 : i32
      %add3A_973 = arith.constant 4352 : i32
      %add3A_974 = arith.addi %add3A_973, %mul3A_972 : i32
      %get3A = arith.index_cast %add3A_974 : i32 to index
      %get3A_975 = tpu.vector_load %arg5[%get3A] {strides = array<i32>} : memref<8192xi32, #tpu.memory_space<vmem>>, vector<16xi32>,
      %gather3A = tpu.vector_load_idx %arg6[%add3A_970, %get3A_975] : memref<768x64xf32, #tpu.memory_space<vmem>>[vector<16xi32>, vector<16xi32>], vector<16xf32>,
      %mul3A_976 = arith.constant 9.990000e-01 : f32
      %mul3A_977 = vector.broadcast %mul3A_976 : f32 to vector<16xf32>
      %mul3A_978 = arith.mulf %gather3A, %mul3A_977 : vector<16xf32>
      %mul3A_979 = arith.constant 16 : i32
      %mul3A_980 = arith.muli %scan3A_964, %mul3A_979 : i32
      %add3A_981 = arith.constant 4352 : i32
      %add3A_982 = arith.addi %add3A_981, %mul3A_980 : i32
      %swap3A = arith.index_cast %add3A_982 : i32 to index
      %swap3A_983 = tpu.vector_load %arg7[%swap3A] {strides = array<i32>} : memref<8192xf32, #tpu.memory_space<vmem>>, vector<16xf32>,
      tpu.vector_store %arg7[%swap3A], %mul3A_978 {strides = array<i32>} : memref<8192xf32, #tpu.memory_space<vmem>>, vector<16xf32>,
    }
    %scan3A_567 = arith.constant 16 : i32
    %add3A_568 = arith.constant 4608 : i32
    %add3A_569 = arith.addi %mul3A_2, %add3A_568 : i32
    %dma_wait3A_570 = arith.constant 0 : i32
    %dma_wait3A_571 = arith.constant 0 : i32
    %dma_wait3A_572 = tpu.memref_slice %arg6[%dma_wait3A_570, %dma_wait3A_571] : memref<768x64xf32, #tpu.memory_space<vmem>> -> memref<256x64xf32, #tpu.memory_space<vmem>>
    %dma_wait3A_573 = arith.constant 0 : i32
    %dma_wait3A_574 = tpu.memref_slice %arg3[%add3A_569, %dma_wait3A_573] : memref<262144x64xf32, #tpu.memory_space<hbm>> -> memref<256x64xf32, #tpu.memory_space<hbm>>
    %dma_wait3A_575 = arith.constant 0 : i32
    %dma_wait3A_576 = arith.constant 0 : i32
    %dma_wait3A_577 = tpu.memref_slice %arg6[%dma_wait3A_575, %dma_wait3A_576] : memref<768x64xf32, #tpu.memory_space<vmem>> -> memref<256x64xf32, #tpu.memory_space<vmem>>
    %dma_wait3A_578 = arith.constant 0 : i32
    %dma_wait3A_579 = tpu.memref_slice %arg3[%add3A_569, %dma_wait3A_578] : memref<262144x64xf32, #tpu.memory_space<hbm>> -> memref<256x64xf32, #tpu.memory_space<hbm>>
    tpu.wait_dma2 semaphore(%arg9 : memref<!tpu.dma_semaphore, #tpu.memory_space<semaphore_mem>>) src(%dma_wait3A_579 : memref<256x64xf32, #tpu.memory_space<hbm>>) dst(%dma_wait3A_577 : memref<256x64xf32, #tpu.memory_space<vmem>>)
    %add3A_580 = arith.constant 5120 : i32
    %add3A_581 = arith.addi %mul3A_2, %add3A_580 : i32
    %dma_start3A_582 = arith.constant 512 : i32
    %dma_start3A_583 = arith.constant 0 : i32
    %dma_start3A_584 = tpu.memref_slice %arg6[%dma_start3A_582, %dma_start3A_583] : memref<768x64xf32, #tpu.memory_space<vmem>> -> memref<256x64xf32, #tpu.memory_space<vmem>>
    %dma_start3A_585 = arith.constant 0 : i32
    %dma_start3A_586 = tpu.memref_slice %arg3[%add3A_581, %dma_start3A_585] : memref<262144x64xf32, #tpu.memory_space<hbm>> -> memref<256x64xf32, #tpu.memory_space<hbm>>
    %dma_start3A_587 = arith.constant 512 : i32
    %dma_start3A_588 = arith.constant 0 : i32
    %dma_start3A_589 = tpu.memref_slice %arg6[%dma_start3A_587, %dma_start3A_588] : memref<768x64xf32, #tpu.memory_space<vmem>> -> memref<256x64xf32, #tpu.memory_space<vmem>>
    %dma_start3A_590 = arith.constant 0 : i32
    %dma_start3A_591 = tpu.memref_slice %arg3[%add3A_581, %dma_start3A_590] : memref<262144x64xf32, #tpu.memory_space<hbm>> -> memref<256x64xf32, #tpu.memory_space<hbm>>
    tpu.enqueue_dma source(%dma_start3A_591 : memref<256x64xf32, #tpu.memory_space<hbm>>) target(%dma_start3A_589 : memref<256x64xf32, #tpu.memory_space<vmem>>) target_semaphore(%arg9 : memref<!tpu.dma_semaphore, #tpu.memory_space<semaphore_mem>>)
    %scan3A_592 = arith.constant 0 : i32
    %scan3A_593 = arith.constant 0 : i32
    %scan3A_594 = arith.constant 16 : i32
    %scan3A_595 = arith.addi %scan3A_593, %scan3A_594 : i32
    %scan3A_596 = arith.constant 1 : i32
    scf.for %scan3A_964 = %scan3A_593 to %scan3A_595 step %scan3A_596  : i32 {
      %mul3A_965 = arith.constant 16 : i32
      %mul3A_966 = arith.muli %scan3A_964, %mul3A_965 : i32
      %add3A_967 = arith.constant 0 : i32
      %add3A_968 = arith.addi %add3A_967, %mul3A_966 : i32
      %add3A_969 = vector.broadcast %add3A_968 : i32 to vector<16xi32>
      %add3A_970 = arith.addi %add3A_969, %iota3A : vector<16xi32>
      %mul3A_971 = arith.constant 16 : i32
      %mul3A_972 = arith.muli %scan3A_964, %mul3A_971 : i32
      %add3A_973 = arith.constant 4608 : i32
      %add3A_974 = arith.addi %add3A_973, %mul3A_972 : i32
      %get3A = arith.index_cast %add3A_974 : i32 to index
      %get3A_975 = tpu.vector_load %arg5[%get3A] {strides = array<i32>} : memref<8192xi32, #tpu.memory_space<vmem>>, vector<16xi32>,
      %gather3A = tpu.vector_load_idx %arg6[%add3A_970, %get3A_975] : memref<768x64xf32, #tpu.memory_space<vmem>>[vector<16xi32>, vector<16xi32>], vector<16xf32>,
      %mul3A_976 = arith.constant 9.990000e-01 : f32
      %mul3A_977 = vector.broadcast %mul3A_976 : f32 to vector<16xf32>
      %mul3A_978 = arith.mulf %gather3A, %mul3A_977 : vector<16xf32>
      %mul3A_979 = arith.constant 16 : i32
      %mul3A_980 = arith.muli %scan3A_964, %mul3A_979 : i32
      %add3A_981 = arith.constant 4608 : i32
      %add3A_982 = arith.addi %add3A_981, %mul3A_980 : i32
      %swap3A = arith.index_cast %add3A_982 : i32 to index
      %swap3A_983 = tpu.vector_load %arg7[%swap3A] {strides = array<i32>} : memref<8192xf32, #tpu.memory_space<vmem>>, vector<16xf32>,
      tpu.vector_store %arg7[%swap3A], %mul3A_978 {strides = array<i32>} : memref<8192xf32, #tpu.memory_space<vmem>>, vector<16xf32>,
    }
    %scan3A_597 = arith.constant 16 : i32
    %add3A_598 = arith.constant 4864 : i32
    %add3A_599 = arith.addi %mul3A_2, %add3A_598 : i32
    %dma_wait3A_600 = arith.constant 256 : i32
    %dma_wait3A_601 = arith.constant 0 : i32
    %dma_wait3A_602 = tpu.memref_slice %arg6[%dma_wait3A_600, %dma_wait3A_601] : memref<768x64xf32, #tpu.memory_space<vmem>> -> memref<256x64xf32, #tpu.memory_space<vmem>>
    %dma_wait3A_603 = arith.constant 0 : i32
    %dma_wait3A_604 = tpu.memref_slice %arg3[%add3A_599, %dma_wait3A_603] : memref<262144x64xf32, #tpu.memory_space<hbm>> -> memref<256x64xf32, #tpu.memory_space<hbm>>
    %dma_wait3A_605 = arith.constant 256 : i32
    %dma_wait3A_606 = arith.constant 0 : i32
    %dma_wait3A_607 = tpu.memref_slice %arg6[%dma_wait3A_605, %dma_wait3A_606] : memref<768x64xf32, #tpu.memory_space<vmem>> -> memref<256x64xf32, #tpu.memory_space<vmem>>
    %dma_wait3A_608 = arith.constant 0 : i32
    %dma_wait3A_609 = tpu.memref_slice %arg3[%add3A_599, %dma_wait3A_608] : memref<262144x64xf32, #tpu.memory_space<hbm>> -> memref<256x64xf32, #tpu.memory_space<hbm>>
    tpu.wait_dma2 semaphore(%arg9 : memref<!tpu.dma_semaphore, #tpu.memory_space<semaphore_mem>>) src(%dma_wait3A_609 : memref<256x64xf32, #tpu.memory_space<hbm>>) dst(%dma_wait3A_607 : memref<256x64xf32, #tpu.memory_space<vmem>>)
    %add3A_610 = arith.constant 5376 : i32
    %add3A_611 = arith.addi %mul3A_2, %add3A_610 : i32
    %dma_start3A_612 = arith.constant 0 : i32
    %dma_start3A_613 = arith.constant 0 : i32
    %dma_start3A_614 = tpu.memref_slice %arg6[%dma_start3A_612, %dma_start3A_613] : memref<768x64xf32, #tpu.memory_space<vmem>> -> memref<256x64xf32, #tpu.memory_space<vmem>>
    %dma_start3A_615 = arith.constant 0 : i32
    %dma_start3A_616 = tpu.memref_slice %arg3[%add3A_611, %dma_start3A_615] : memref<262144x64xf32, #tpu.memory_space<hbm>> -> memref<256x64xf32, #tpu.memory_space<hbm>>
    %dma_start3A_617 = arith.constant 0 : i32
    %dma_start3A_618 = arith.constant 0 : i32
    %dma_start3A_619 = tpu.memref_slice %arg6[%dma_start3A_617, %dma_start3A_618] : memref<768x64xf32, #tpu.memory_space<vmem>> -> memref<256x64xf32, #tpu.memory_space<vmem>>
    %dma_start3A_620 = arith.constant 0 : i32
    %dma_start3A_621 = tpu.memref_slice %arg3[%add3A_611, %dma_start3A_620] : memref<262144x64xf32, #tpu.memory_space<hbm>> -> memref<256x64xf32, #tpu.memory_space<hbm>>
    tpu.enqueue_dma source(%dma_start3A_621 : memref<256x64xf32, #tpu.memory_space<hbm>>) target(%dma_start3A_619 : memref<256x64xf32, #tpu.memory_space<vmem>>) target_semaphore(%arg9 : memref<!tpu.dma_semaphore, #tpu.memory_space<semaphore_mem>>)
    %scan3A_622 = arith.constant 0 : i32
    %scan3A_623 = arith.constant 0 : i32
    %scan3A_624 = arith.constant 16 : i32
    %scan3A_625 = arith.addi %scan3A_623, %scan3A_624 : i32
    %scan3A_626 = arith.constant 1 : i32
    scf.for %scan3A_964 = %scan3A_623 to %scan3A_625 step %scan3A_626  : i32 {
      %mul3A_965 = arith.constant 16 : i32
      %mul3A_966 = arith.muli %scan3A_964, %mul3A_965 : i32
      %add3A_967 = arith.constant 256 : i32
      %add3A_968 = arith.addi %add3A_967, %mul3A_966 : i32
      %add3A_969 = vector.broadcast %add3A_968 : i32 to vector<16xi32>
      %add3A_970 = arith.addi %add3A_969, %iota3A : vector<16xi32>
      %mul3A_971 = arith.constant 16 : i32
      %mul3A_972 = arith.muli %scan3A_964, %mul3A_971 : i32
      %add3A_973 = arith.constant 4864 : i32
      %add3A_974 = arith.addi %add3A_973, %mul3A_972 : i32
      %get3A = arith.index_cast %add3A_974 : i32 to index
      %get3A_975 = tpu.vector_load %arg5[%get3A] {strides = array<i32>} : memref<8192xi32, #tpu.memory_space<vmem>>, vector<16xi32>,
      %gather3A = tpu.vector_load_idx %arg6[%add3A_970, %get3A_975] : memref<768x64xf32, #tpu.memory_space<vmem>>[vector<16xi32>, vector<16xi32>], vector<16xf32>,
      %mul3A_976 = arith.constant 9.990000e-01 : f32
      %mul3A_977 = vector.broadcast %mul3A_976 : f32 to vector<16xf32>
      %mul3A_978 = arith.mulf %gather3A, %mul3A_977 : vector<16xf32>
      %mul3A_979 = arith.constant 16 : i32
      %mul3A_980 = arith.muli %scan3A_964, %mul3A_979 : i32
      %add3A_981 = arith.constant 4864 : i32
      %add3A_982 = arith.addi %add3A_981, %mul3A_980 : i32
      %swap3A = arith.index_cast %add3A_982 : i32 to index
      %swap3A_983 = tpu.vector_load %arg7[%swap3A] {strides = array<i32>} : memref<8192xf32, #tpu.memory_space<vmem>>, vector<16xf32>,
      tpu.vector_store %arg7[%swap3A], %mul3A_978 {strides = array<i32>} : memref<8192xf32, #tpu.memory_space<vmem>>, vector<16xf32>,
    }
    %scan3A_627 = arith.constant 16 : i32
    %add3A_628 = arith.constant 5120 : i32
    %add3A_629 = arith.addi %mul3A_2, %add3A_628 : i32
    %dma_wait3A_630 = arith.constant 512 : i32
    %dma_wait3A_631 = arith.constant 0 : i32
    %dma_wait3A_632 = tpu.memref_slice %arg6[%dma_wait3A_630, %dma_wait3A_631] : memref<768x64xf32, #tpu.memory_space<vmem>> -> memref<256x64xf32, #tpu.memory_space<vmem>>
    %dma_wait3A_633 = arith.constant 0 : i32
    %dma_wait3A_634 = tpu.memref_slice %arg3[%add3A_629, %dma_wait3A_633] : memref<262144x64xf32, #tpu.memory_space<hbm>> -> memref<256x64xf32, #tpu.memory_space<hbm>>
    %dma_wait3A_635 = arith.constant 512 : i32
    %dma_wait3A_636 = arith.constant 0 : i32
    %dma_wait3A_637 = tpu.memref_slice %arg6[%dma_wait3A_635, %dma_wait3A_636] : memref<768x64xf32, #tpu.memory_space<vmem>> -> memref<256x64xf32, #tpu.memory_space<vmem>>
    %dma_wait3A_638 = arith.constant 0 : i32
    %dma_wait3A_639 = tpu.memref_slice %arg3[%add3A_629, %dma_wait3A_638] : memref<262144x64xf32, #tpu.memory_space<hbm>> -> memref<256x64xf32, #tpu.memory_space<hbm>>
    tpu.wait_dma2 semaphore(%arg9 : memref<!tpu.dma_semaphore, #tpu.memory_space<semaphore_mem>>) src(%dma_wait3A_639 : memref<256x64xf32, #tpu.memory_space<hbm>>) dst(%dma_wait3A_637 : memref<256x64xf32, #tpu.memory_space<vmem>>)
    %add3A_640 = arith.constant 5632 : i32
    %add3A_641 = arith.addi %mul3A_2, %add3A_640 : i32
    %dma_start3A_642 = arith.constant 256 : i32
    %dma_start3A_643 = arith.constant 0 : i32
    %dma_start3A_644 = tpu.memref_slice %arg6[%dma_start3A_642, %dma_start3A_643] : memref<768x64xf32, #tpu.memory_space<vmem>> -> memref<256x64xf32, #tpu.memory_space<vmem>>
    %dma_start3A_645 = arith.constant 0 : i32
    %dma_start3A_646 = tpu.memref_slice %arg3[%add3A_641, %dma_start3A_645] : memref<262144x64xf32, #tpu.memory_space<hbm>> -> memref<256x64xf32, #tpu.memory_space<hbm>>
    %dma_start3A_647 = arith.constant 256 : i32
    %dma_start3A_648 = arith.constant 0 : i32
    %dma_start3A_649 = tpu.memref_slice %arg6[%dma_start3A_647, %dma_start3A_648] : memref<768x64xf32, #tpu.memory_space<vmem>> -> memref<256x64xf32, #tpu.memory_space<vmem>>
    %dma_start3A_650 = arith.constant 0 : i32
    %dma_start3A_651 = tpu.memref_slice %arg3[%add3A_641, %dma_start3A_650] : memref<262144x64xf32, #tpu.memory_space<hbm>> -> memref<256x64xf32, #tpu.memory_space<hbm>>
    tpu.enqueue_dma source(%dma_start3A_651 : memref<256x64xf32, #tpu.memory_space<hbm>>) target(%dma_start3A_649 : memref<256x64xf32, #tpu.memory_space<vmem>>) target_semaphore(%arg9 : memref<!tpu.dma_semaphore, #tpu.memory_space<semaphore_mem>>)
    %scan3A_652 = arith.constant 0 : i32
    %scan3A_653 = arith.constant 0 : i32
    %scan3A_654 = arith.constant 16 : i32
    %scan3A_655 = arith.addi %scan3A_653, %scan3A_654 : i32
    %scan3A_656 = arith.constant 1 : i32
    scf.for %scan3A_964 = %scan3A_653 to %scan3A_655 step %scan3A_656  : i32 {
      %mul3A_965 = arith.constant 16 : i32
      %mul3A_966 = arith.muli %scan3A_964, %mul3A_965 : i32
      %add3A_967 = arith.constant 512 : i32
      %add3A_968 = arith.addi %add3A_967, %mul3A_966 : i32
      %add3A_969 = vector.broadcast %add3A_968 : i32 to vector<16xi32>
      %add3A_970 = arith.addi %add3A_969, %iota3A : vector<16xi32>
      %mul3A_971 = arith.constant 16 : i32
      %mul3A_972 = arith.muli %scan3A_964, %mul3A_971 : i32
      %add3A_973 = arith.constant 5120 : i32
      %add3A_974 = arith.addi %add3A_973, %mul3A_972 : i32
      %get3A = arith.index_cast %add3A_974 : i32 to index
      %get3A_975 = tpu.vector_load %arg5[%get3A] {strides = array<i32>} : memref<8192xi32, #tpu.memory_space<vmem>>, vector<16xi32>,
      %gather3A = tpu.vector_load_idx %arg6[%add3A_970, %get3A_975] : memref<768x64xf32, #tpu.memory_space<vmem>>[vector<16xi32>, vector<16xi32>], vector<16xf32>,
      %mul3A_976 = arith.constant 9.990000e-01 : f32
      %mul3A_977 = vector.broadcast %mul3A_976 : f32 to vector<16xf32>
      %mul3A_978 = arith.mulf %gather3A, %mul3A_977 : vector<16xf32>
      %mul3A_979 = arith.constant 16 : i32
      %mul3A_980 = arith.muli %scan3A_964, %mul3A_979 : i32
      %add3A_981 = arith.constant 5120 : i32
      %add3A_982 = arith.addi %add3A_981, %mul3A_980 : i32
      %swap3A = arith.index_cast %add3A_982 : i32 to index
      %swap3A_983 = tpu.vector_load %arg7[%swap3A] {strides = array<i32>} : memref<8192xf32, #tpu.memory_space<vmem>>, vector<16xf32>,
      tpu.vector_store %arg7[%swap3A], %mul3A_978 {strides = array<i32>} : memref<8192xf32, #tpu.memory_space<vmem>>, vector<16xf32>,
    }
    %scan3A_657 = arith.constant 16 : i32
    %add3A_658 = arith.constant 5376 : i32
    %add3A_659 = arith.addi %mul3A_2, %add3A_658 : i32
    %dma_wait3A_660 = arith.constant 0 : i32
    %dma_wait3A_661 = arith.constant 0 : i32
    %dma_wait3A_662 = tpu.memref_slice %arg6[%dma_wait3A_660, %dma_wait3A_661] : memref<768x64xf32, #tpu.memory_space<vmem>> -> memref<256x64xf32, #tpu.memory_space<vmem>>
    %dma_wait3A_663 = arith.constant 0 : i32
    %dma_wait3A_664 = tpu.memref_slice %arg3[%add3A_659, %dma_wait3A_663] : memref<262144x64xf32, #tpu.memory_space<hbm>> -> memref<256x64xf32, #tpu.memory_space<hbm>>
    %dma_wait3A_665 = arith.constant 0 : i32
    %dma_wait3A_666 = arith.constant 0 : i32
    %dma_wait3A_667 = tpu.memref_slice %arg6[%dma_wait3A_665, %dma_wait3A_666] : memref<768x64xf32, #tpu.memory_space<vmem>> -> memref<256x64xf32, #tpu.memory_space<vmem>>
    %dma_wait3A_668 = arith.constant 0 : i32
    %dma_wait3A_669 = tpu.memref_slice %arg3[%add3A_659, %dma_wait3A_668] : memref<262144x64xf32, #tpu.memory_space<hbm>> -> memref<256x64xf32, #tpu.memory_space<hbm>>
    tpu.wait_dma2 semaphore(%arg9 : memref<!tpu.dma_semaphore, #tpu.memory_space<semaphore_mem>>) src(%dma_wait3A_669 : memref<256x64xf32, #tpu.memory_space<hbm>>) dst(%dma_wait3A_667 : memref<256x64xf32, #tpu.memory_space<vmem>>)
    %add3A_670 = arith.constant 5888 : i32
    %add3A_671 = arith.addi %mul3A_2, %add3A_670 : i32
    %dma_start3A_672 = arith.constant 512 : i32
    %dma_start3A_673 = arith.constant 0 : i32
    %dma_start3A_674 = tpu.memref_slice %arg6[%dma_start3A_672, %dma_start3A_673] : memref<768x64xf32, #tpu.memory_space<vmem>> -> memref<256x64xf32, #tpu.memory_space<vmem>>
    %dma_start3A_675 = arith.constant 0 : i32
    %dma_start3A_676 = tpu.memref_slice %arg3[%add3A_671, %dma_start3A_675] : memref<262144x64xf32, #tpu.memory_space<hbm>> -> memref<256x64xf32, #tpu.memory_space<hbm>>
    %dma_start3A_677 = arith.constant 512 : i32
    %dma_start3A_678 = arith.constant 0 : i32
    %dma_start3A_679 = tpu.memref_slice %arg6[%dma_start3A_677, %dma_start3A_678] : memref<768x64xf32, #tpu.memory_space<vmem>> -> memref<256x64xf32, #tpu.memory_space<vmem>>
    %dma_start3A_680 = arith.constant 0 : i32
    %dma_start3A_681 = tpu.memref_slice %arg3[%add3A_671, %dma_start3A_680] : memref<262144x64xf32, #tpu.memory_space<hbm>> -> memref<256x64xf32, #tpu.memory_space<hbm>>
    tpu.enqueue_dma source(%dma_start3A_681 : memref<256x64xf32, #tpu.memory_space<hbm>>) target(%dma_start3A_679 : memref<256x64xf32, #tpu.memory_space<vmem>>) target_semaphore(%arg9 : memref<!tpu.dma_semaphore, #tpu.memory_space<semaphore_mem>>)
    %scan3A_682 = arith.constant 0 : i32
    %scan3A_683 = arith.constant 0 : i32
    %scan3A_684 = arith.constant 16 : i32
    %scan3A_685 = arith.addi %scan3A_683, %scan3A_684 : i32
    %scan3A_686 = arith.constant 1 : i32
    scf.for %scan3A_964 = %scan3A_683 to %scan3A_685 step %scan3A_686  : i32 {
      %mul3A_965 = arith.constant 16 : i32
      %mul3A_966 = arith.muli %scan3A_964, %mul3A_965 : i32
      %add3A_967 = arith.constant 0 : i32
      %add3A_968 = arith.addi %add3A_967, %mul3A_966 : i32
      %add3A_969 = vector.broadcast %add3A_968 : i32 to vector<16xi32>
      %add3A_970 = arith.addi %add3A_969, %iota3A : vector<16xi32>
      %mul3A_971 = arith.constant 16 : i32
      %mul3A_972 = arith.muli %scan3A_964, %mul3A_971 : i32
      %add3A_973 = arith.constant 5376 : i32
      %add3A_974 = arith.addi %add3A_973, %mul3A_972 : i32
      %get3A = arith.index_cast %add3A_974 : i32 to index
      %get3A_975 = tpu.vector_load %arg5[%get3A] {strides = array<i32>} : memref<8192xi32, #tpu.memory_space<vmem>>, vector<16xi32>,
      %gather3A = tpu.vector_load_idx %arg6[%add3A_970, %get3A_975] : memref<768x64xf32, #tpu.memory_space<vmem>>[vector<16xi32>, vector<16xi32>], vector<16xf32>,
      %mul3A_976 = arith.constant 9.990000e-01 : f32
      %mul3A_977 = vector.broadcast %mul3A_976 : f32 to vector<16xf32>
      %mul3A_978 = arith.mulf %gather3A, %mul3A_977 : vector<16xf32>
      %mul3A_979 = arith.constant 16 : i32
      %mul3A_980 = arith.muli %scan3A_964, %mul3A_979 : i32
      %add3A_981 = arith.constant 5376 : i32
      %add3A_982 = arith.addi %add3A_981, %mul3A_980 : i32
      %swap3A = arith.index_cast %add3A_982 : i32 to index
      %swap3A_983 = tpu.vector_load %arg7[%swap3A] {strides = array<i32>} : memref<8192xf32, #tpu.memory_space<vmem>>, vector<16xf32>,
      tpu.vector_store %arg7[%swap3A], %mul3A_978 {strides = array<i32>} : memref<8192xf32, #tpu.memory_space<vmem>>, vector<16xf32>,
    }
    %scan3A_687 = arith.constant 16 : i32
    %add3A_688 = arith.constant 5632 : i32
    %add3A_689 = arith.addi %mul3A_2, %add3A_688 : i32
    %dma_wait3A_690 = arith.constant 256 : i32
    %dma_wait3A_691 = arith.constant 0 : i32
    %dma_wait3A_692 = tpu.memref_slice %arg6[%dma_wait3A_690, %dma_wait3A_691] : memref<768x64xf32, #tpu.memory_space<vmem>> -> memref<256x64xf32, #tpu.memory_space<vmem>>
    %dma_wait3A_693 = arith.constant 0 : i32
    %dma_wait3A_694 = tpu.memref_slice %arg3[%add3A_689, %dma_wait3A_693] : memref<262144x64xf32, #tpu.memory_space<hbm>> -> memref<256x64xf32, #tpu.memory_space<hbm>>
    %dma_wait3A_695 = arith.constant 256 : i32
    %dma_wait3A_696 = arith.constant 0 : i32
    %dma_wait3A_697 = tpu.memref_slice %arg6[%dma_wait3A_695, %dma_wait3A_696] : memref<768x64xf32, #tpu.memory_space<vmem>> -> memref<256x64xf32, #tpu.memory_space<vmem>>
    %dma_wait3A_698 = arith.constant 0 : i32
    %dma_wait3A_699 = tpu.memref_slice %arg3[%add3A_689, %dma_wait3A_698] : memref<262144x64xf32, #tpu.memory_space<hbm>> -> memref<256x64xf32, #tpu.memory_space<hbm>>
    tpu.wait_dma2 semaphore(%arg9 : memref<!tpu.dma_semaphore, #tpu.memory_space<semaphore_mem>>) src(%dma_wait3A_699 : memref<256x64xf32, #tpu.memory_space<hbm>>) dst(%dma_wait3A_697 : memref<256x64xf32, #tpu.memory_space<vmem>>)
    %add3A_700 = arith.constant 6144 : i32
    %add3A_701 = arith.addi %mul3A_2, %add3A_700 : i32
    %dma_start3A_702 = arith.constant 0 : i32
    %dma_start3A_703 = arith.constant 0 : i32
    %dma_start3A_704 = tpu.memref_slice %arg6[%dma_start3A_702, %dma_start3A_703] : memref<768x64xf32, #tpu.memory_space<vmem>> -> memref<256x64xf32, #tpu.memory_space<vmem>>
    %dma_start3A_705 = arith.constant 0 : i32
    %dma_start3A_706 = tpu.memref_slice %arg3[%add3A_701, %dma_start3A_705] : memref<262144x64xf32, #tpu.memory_space<hbm>> -> memref<256x64xf32, #tpu.memory_space<hbm>>
    %dma_start3A_707 = arith.constant 0 : i32
    %dma_start3A_708 = arith.constant 0 : i32
    %dma_start3A_709 = tpu.memref_slice %arg6[%dma_start3A_707, %dma_start3A_708] : memref<768x64xf32, #tpu.memory_space<vmem>> -> memref<256x64xf32, #tpu.memory_space<vmem>>
    %dma_start3A_710 = arith.constant 0 : i32
    %dma_start3A_711 = tpu.memref_slice %arg3[%add3A_701, %dma_start3A_710] : memref<262144x64xf32, #tpu.memory_space<hbm>> -> memref<256x64xf32, #tpu.memory_space<hbm>>
    tpu.enqueue_dma source(%dma_start3A_711 : memref<256x64xf32, #tpu.memory_space<hbm>>) target(%dma_start3A_709 : memref<256x64xf32, #tpu.memory_space<vmem>>) target_semaphore(%arg9 : memref<!tpu.dma_semaphore, #tpu.memory_space<semaphore_mem>>)
    %scan3A_712 = arith.constant 0 : i32
    %scan3A_713 = arith.constant 0 : i32
    %scan3A_714 = arith.constant 16 : i32
    %scan3A_715 = arith.addi %scan3A_713, %scan3A_714 : i32
    %scan3A_716 = arith.constant 1 : i32
    scf.for %scan3A_964 = %scan3A_713 to %scan3A_715 step %scan3A_716  : i32 {
      %mul3A_965 = arith.constant 16 : i32
      %mul3A_966 = arith.muli %scan3A_964, %mul3A_965 : i32
      %add3A_967 = arith.constant 256 : i32
      %add3A_968 = arith.addi %add3A_967, %mul3A_966 : i32
      %add3A_969 = vector.broadcast %add3A_968 : i32 to vector<16xi32>
      %add3A_970 = arith.addi %add3A_969, %iota3A : vector<16xi32>
      %mul3A_971 = arith.constant 16 : i32
      %mul3A_972 = arith.muli %scan3A_964, %mul3A_971 : i32
      %add3A_973 = arith.constant 5632 : i32
      %add3A_974 = arith.addi %add3A_973, %mul3A_972 : i32
      %get3A = arith.index_cast %add3A_974 : i32 to index
      %get3A_975 = tpu.vector_load %arg5[%get3A] {strides = array<i32>} : memref<8192xi32, #tpu.memory_space<vmem>>, vector<16xi32>,
      %gather3A = tpu.vector_load_idx %arg6[%add3A_970, %get3A_975] : memref<768x64xf32, #tpu.memory_space<vmem>>[vector<16xi32>, vector<16xi32>], vector<16xf32>,
      %mul3A_976 = arith.constant 9.990000e-01 : f32
      %mul3A_977 = vector.broadcast %mul3A_976 : f32 to vector<16xf32>
      %mul3A_978 = arith.mulf %gather3A, %mul3A_977 : vector<16xf32>
      %mul3A_979 = arith.constant 16 : i32
      %mul3A_980 = arith.muli %scan3A_964, %mul3A_979 : i32
      %add3A_981 = arith.constant 5632 : i32
      %add3A_982 = arith.addi %add3A_981, %mul3A_980 : i32
      %swap3A = arith.index_cast %add3A_982 : i32 to index
      %swap3A_983 = tpu.vector_load %arg7[%swap3A] {strides = array<i32>} : memref<8192xf32, #tpu.memory_space<vmem>>, vector<16xf32>,
      tpu.vector_store %arg7[%swap3A], %mul3A_978 {strides = array<i32>} : memref<8192xf32, #tpu.memory_space<vmem>>, vector<16xf32>,
    }
    %scan3A_717 = arith.constant 16 : i32
    %add3A_718 = arith.constant 5888 : i32
    %add3A_719 = arith.addi %mul3A_2, %add3A_718 : i32
    %dma_wait3A_720 = arith.constant 512 : i32
    %dma_wait3A_721 = arith.constant 0 : i32
    %dma_wait3A_722 = tpu.memref_slice %arg6[%dma_wait3A_720, %dma_wait3A_721] : memref<768x64xf32, #tpu.memory_space<vmem>> -> memref<256x64xf32, #tpu.memory_space<vmem>>
    %dma_wait3A_723 = arith.constant 0 : i32
    %dma_wait3A_724 = tpu.memref_slice %arg3[%add3A_719, %dma_wait3A_723] : memref<262144x64xf32, #tpu.memory_space<hbm>> -> memref<256x64xf32, #tpu.memory_space<hbm>>
    %dma_wait3A_725 = arith.constant 512 : i32
    %dma_wait3A_726 = arith.constant 0 : i32
    %dma_wait3A_727 = tpu.memref_slice %arg6[%dma_wait3A_725, %dma_wait3A_726] : memref<768x64xf32, #tpu.memory_space<vmem>> -> memref<256x64xf32, #tpu.memory_space<vmem>>
    %dma_wait3A_728 = arith.constant 0 : i32
    %dma_wait3A_729 = tpu.memref_slice %arg3[%add3A_719, %dma_wait3A_728] : memref<262144x64xf32, #tpu.memory_space<hbm>> -> memref<256x64xf32, #tpu.memory_space<hbm>>
    tpu.wait_dma2 semaphore(%arg9 : memref<!tpu.dma_semaphore, #tpu.memory_space<semaphore_mem>>) src(%dma_wait3A_729 : memref<256x64xf32, #tpu.memory_space<hbm>>) dst(%dma_wait3A_727 : memref<256x64xf32, #tpu.memory_space<vmem>>)
    %add3A_730 = arith.constant 6400 : i32
    %add3A_731 = arith.addi %mul3A_2, %add3A_730 : i32
    %dma_start3A_732 = arith.constant 256 : i32
    %dma_start3A_733 = arith.constant 0 : i32
    %dma_start3A_734 = tpu.memref_slice %arg6[%dma_start3A_732, %dma_start3A_733] : memref<768x64xf32, #tpu.memory_space<vmem>> -> memref<256x64xf32, #tpu.memory_space<vmem>>
    %dma_start3A_735 = arith.constant 0 : i32
    %dma_start3A_736 = tpu.memref_slice %arg3[%add3A_731, %dma_start3A_735] : memref<262144x64xf32, #tpu.memory_space<hbm>> -> memref<256x64xf32, #tpu.memory_space<hbm>>
    %dma_start3A_737 = arith.constant 256 : i32
    %dma_start3A_738 = arith.constant 0 : i32
    %dma_start3A_739 = tpu.memref_slice %arg6[%dma_start3A_737, %dma_start3A_738] : memref<768x64xf32, #tpu.memory_space<vmem>> -> memref<256x64xf32, #tpu.memory_space<vmem>>
    %dma_start3A_740 = arith.constant 0 : i32
    %dma_start3A_741 = tpu.memref_slice %arg3[%add3A_731, %dma_start3A_740] : memref<262144x64xf32, #tpu.memory_space<hbm>> -> memref<256x64xf32, #tpu.memory_space<hbm>>
    tpu.enqueue_dma source(%dma_start3A_741 : memref<256x64xf32, #tpu.memory_space<hbm>>) target(%dma_start3A_739 : memref<256x64xf32, #tpu.memory_space<vmem>>) target_semaphore(%arg9 : memref<!tpu.dma_semaphore, #tpu.memory_space<semaphore_mem>>)
    %scan3A_742 = arith.constant 0 : i32
    %scan3A_743 = arith.constant 0 : i32
    %scan3A_744 = arith.constant 16 : i32
    %scan3A_745 = arith.addi %scan3A_743, %scan3A_744 : i32
    %scan3A_746 = arith.constant 1 : i32
    scf.for %scan3A_964 = %scan3A_743 to %scan3A_745 step %scan3A_746  : i32 {
      %mul3A_965 = arith.constant 16 : i32
      %mul3A_966 = arith.muli %scan3A_964, %mul3A_965 : i32
      %add3A_967 = arith.constant 512 : i32
      %add3A_968 = arith.addi %add3A_967, %mul3A_966 : i32
      %add3A_969 = vector.broadcast %add3A_968 : i32 to vector<16xi32>
      %add3A_970 = arith.addi %add3A_969, %iota3A : vector<16xi32>
      %mul3A_971 = arith.constant 16 : i32
      %mul3A_972 = arith.muli %scan3A_964, %mul3A_971 : i32
      %add3A_973 = arith.constant 5888 : i32
      %add3A_974 = arith.addi %add3A_973, %mul3A_972 : i32
      %get3A = arith.index_cast %add3A_974 : i32 to index
      %get3A_975 = tpu.vector_load %arg5[%get3A] {strides = array<i32>} : memref<8192xi32, #tpu.memory_space<vmem>>, vector<16xi32>,
      %gather3A = tpu.vector_load_idx %arg6[%add3A_970, %get3A_975] : memref<768x64xf32, #tpu.memory_space<vmem>>[vector<16xi32>, vector<16xi32>], vector<16xf32>,
      %mul3A_976 = arith.constant 9.990000e-01 : f32
      %mul3A_977 = vector.broadcast %mul3A_976 : f32 to vector<16xf32>
      %mul3A_978 = arith.mulf %gather3A, %mul3A_977 : vector<16xf32>
      %mul3A_979 = arith.constant 16 : i32
      %mul3A_980 = arith.muli %scan3A_964, %mul3A_979 : i32
      %add3A_981 = arith.constant 5888 : i32
      %add3A_982 = arith.addi %add3A_981, %mul3A_980 : i32
      %swap3A = arith.index_cast %add3A_982 : i32 to index
      %swap3A_983 = tpu.vector_load %arg7[%swap3A] {strides = array<i32>} : memref<8192xf32, #tpu.memory_space<vmem>>, vector<16xf32>,
      tpu.vector_store %arg7[%swap3A], %mul3A_978 {strides = array<i32>} : memref<8192xf32, #tpu.memory_space<vmem>>, vector<16xf32>,
    }
    %scan3A_747 = arith.constant 16 : i32
    %add3A_748 = arith.constant 6144 : i32
    %add3A_749 = arith.addi %mul3A_2, %add3A_748 : i32
    %dma_wait3A_750 = arith.constant 0 : i32
    %dma_wait3A_751 = arith.constant 0 : i32
    %dma_wait3A_752 = tpu.memref_slice %arg6[%dma_wait3A_750, %dma_wait3A_751] : memref<768x64xf32, #tpu.memory_space<vmem>> -> memref<256x64xf32, #tpu.memory_space<vmem>>
    %dma_wait3A_753 = arith.constant 0 : i32
    %dma_wait3A_754 = tpu.memref_slice %arg3[%add3A_749, %dma_wait3A_753] : memref<262144x64xf32, #tpu.memory_space<hbm>> -> memref<256x64xf32, #tpu.memory_space<hbm>>
    %dma_wait3A_755 = arith.constant 0 : i32
    %dma_wait3A_756 = arith.constant 0 : i32
    %dma_wait3A_757 = tpu.memref_slice %arg6[%dma_wait3A_755, %dma_wait3A_756] : memref<768x64xf32, #tpu.memory_space<vmem>> -> memref<256x64xf32, #tpu.memory_space<vmem>>
    %dma_wait3A_758 = arith.constant 0 : i32
    %dma_wait3A_759 = tpu.memref_slice %arg3[%add3A_749, %dma_wait3A_758] : memref<262144x64xf32, #tpu.memory_space<hbm>> -> memref<256x64xf32, #tpu.memory_space<hbm>>
    tpu.wait_dma2 semaphore(%arg9 : memref<!tpu.dma_semaphore, #tpu.memory_space<semaphore_mem>>) src(%dma_wait3A_759 : memref<256x64xf32, #tpu.memory_space<hbm>>) dst(%dma_wait3A_757 : memref<256x64xf32, #tpu.memory_space<vmem>>)
    %add3A_760 = arith.constant 6656 : i32
    %add3A_761 = arith.addi %mul3A_2, %add3A_760 : i32
    %dma_start3A_762 = arith.constant 512 : i32
    %dma_start3A_763 = arith.constant 0 : i32
    %dma_start3A_764 = tpu.memref_slice %arg6[%dma_start3A_762, %dma_start3A_763] : memref<768x64xf32, #tpu.memory_space<vmem>> -> memref<256x64xf32, #tpu.memory_space<vmem>>
    %dma_start3A_765 = arith.constant 0 : i32
    %dma_start3A_766 = tpu.memref_slice %arg3[%add3A_761, %dma_start3A_765] : memref<262144x64xf32, #tpu.memory_space<hbm>> -> memref<256x64xf32, #tpu.memory_space<hbm>>
    %dma_start3A_767 = arith.constant 512 : i32
    %dma_start3A_768 = arith.constant 0 : i32
    %dma_start3A_769 = tpu.memref_slice %arg6[%dma_start3A_767, %dma_start3A_768] : memref<768x64xf32, #tpu.memory_space<vmem>> -> memref<256x64xf32, #tpu.memory_space<vmem>>
    %dma_start3A_770 = arith.constant 0 : i32
    %dma_start3A_771 = tpu.memref_slice %arg3[%add3A_761, %dma_start3A_770] : memref<262144x64xf32, #tpu.memory_space<hbm>> -> memref<256x64xf32, #tpu.memory_space<hbm>>
    tpu.enqueue_dma source(%dma_start3A_771 : memref<256x64xf32, #tpu.memory_space<hbm>>) target(%dma_start3A_769 : memref<256x64xf32, #tpu.memory_space<vmem>>) target_semaphore(%arg9 : memref<!tpu.dma_semaphore, #tpu.memory_space<semaphore_mem>>)
    %scan3A_772 = arith.constant 0 : i32
    %scan3A_773 = arith.constant 0 : i32
    %scan3A_774 = arith.constant 16 : i32
    %scan3A_775 = arith.addi %scan3A_773, %scan3A_774 : i32
    %scan3A_776 = arith.constant 1 : i32
    scf.for %scan3A_964 = %scan3A_773 to %scan3A_775 step %scan3A_776  : i32 {
      %mul3A_965 = arith.constant 16 : i32
      %mul3A_966 = arith.muli %scan3A_964, %mul3A_965 : i32
      %add3A_967 = arith.constant 0 : i32
      %add3A_968 = arith.addi %add3A_967, %mul3A_966 : i32
      %add3A_969 = vector.broadcast %add3A_968 : i32 to vector<16xi32>
      %add3A_970 = arith.addi %add3A_969, %iota3A : vector<16xi32>
      %mul3A_971 = arith.constant 16 : i32
      %mul3A_972 = arith.muli %scan3A_964, %mul3A_971 : i32
      %add3A_973 = arith.constant 6144 : i32
      %add3A_974 = arith.addi %add3A_973, %mul3A_972 : i32
      %get3A = arith.index_cast %add3A_974 : i32 to index
      %get3A_975 = tpu.vector_load %arg5[%get3A] {strides = array<i32>} : memref<8192xi32, #tpu.memory_space<vmem>>, vector<16xi32>,
      %gather3A = tpu.vector_load_idx %arg6[%add3A_970, %get3A_975] : memref<768x64xf32, #tpu.memory_space<vmem>>[vector<16xi32>, vector<16xi32>], vector<16xf32>,
      %mul3A_976 = arith.constant 9.990000e-01 : f32
      %mul3A_977 = vector.broadcast %mul3A_976 : f32 to vector<16xf32>
      %mul3A_978 = arith.mulf %gather3A, %mul3A_977 : vector<16xf32>
      %mul3A_979 = arith.constant 16 : i32
      %mul3A_980 = arith.muli %scan3A_964, %mul3A_979 : i32
      %add3A_981 = arith.constant 6144 : i32
      %add3A_982 = arith.addi %add3A_981, %mul3A_980 : i32
      %swap3A = arith.index_cast %add3A_982 : i32 to index
      %swap3A_983 = tpu.vector_load %arg7[%swap3A] {strides = array<i32>} : memref<8192xf32, #tpu.memory_space<vmem>>, vector<16xf32>,
      tpu.vector_store %arg7[%swap3A], %mul3A_978 {strides = array<i32>} : memref<8192xf32, #tpu.memory_space<vmem>>, vector<16xf32>,
    }
    %scan3A_777 = arith.constant 16 : i32
    %add3A_778 = arith.constant 6400 : i32
    %add3A_779 = arith.addi %mul3A_2, %add3A_778 : i32
    %dma_wait3A_780 = arith.constant 256 : i32
    %dma_wait3A_781 = arith.constant 0 : i32
    %dma_wait3A_782 = tpu.memref_slice %arg6[%dma_wait3A_780, %dma_wait3A_781] : memref<768x64xf32, #tpu.memory_space<vmem>> -> memref<256x64xf32, #tpu.memory_space<vmem>>
    %dma_wait3A_783 = arith.constant 0 : i32
    %dma_wait3A_784 = tpu.memref_slice %arg3[%add3A_779, %dma_wait3A_783] : memref<262144x64xf32, #tpu.memory_space<hbm>> -> memref<256x64xf32, #tpu.memory_space<hbm>>
    %dma_wait3A_785 = arith.constant 256 : i32
    %dma_wait3A_786 = arith.constant 0 : i32
    %dma_wait3A_787 = tpu.memref_slice %arg6[%dma_wait3A_785, %dma_wait3A_786] : memref<768x64xf32, #tpu.memory_space<vmem>> -> memref<256x64xf32, #tpu.memory_space<vmem>>
    %dma_wait3A_788 = arith.constant 0 : i32
    %dma_wait3A_789 = tpu.memref_slice %arg3[%add3A_779, %dma_wait3A_788] : memref<262144x64xf32, #tpu.memory_space<hbm>> -> memref<256x64xf32, #tpu.memory_space<hbm>>
    tpu.wait_dma2 semaphore(%arg9 : memref<!tpu.dma_semaphore, #tpu.memory_space<semaphore_mem>>) src(%dma_wait3A_789 : memref<256x64xf32, #tpu.memory_space<hbm>>) dst(%dma_wait3A_787 : memref<256x64xf32, #tpu.memory_space<vmem>>)
    %add3A_790 = arith.constant 6912 : i32
    %add3A_791 = arith.addi %mul3A_2, %add3A_790 : i32
    %dma_start3A_792 = arith.constant 0 : i32
    %dma_start3A_793 = arith.constant 0 : i32
    %dma_start3A_794 = tpu.memref_slice %arg6[%dma_start3A_792, %dma_start3A_793] : memref<768x64xf32, #tpu.memory_space<vmem>> -> memref<256x64xf32, #tpu.memory_space<vmem>>
    %dma_start3A_795 = arith.constant 0 : i32
    %dma_start3A_796 = tpu.memref_slice %arg3[%add3A_791, %dma_start3A_795] : memref<262144x64xf32, #tpu.memory_space<hbm>> -> memref<256x64xf32, #tpu.memory_space<hbm>>
    %dma_start3A_797 = arith.constant 0 : i32
    %dma_start3A_798 = arith.constant 0 : i32
    %dma_start3A_799 = tpu.memref_slice %arg6[%dma_start3A_797, %dma_start3A_798] : memref<768x64xf32, #tpu.memory_space<vmem>> -> memref<256x64xf32, #tpu.memory_space<vmem>>
    %dma_start3A_800 = arith.constant 0 : i32
    %dma_start3A_801 = tpu.memref_slice %arg3[%add3A_791, %dma_start3A_800] : memref<262144x64xf32, #tpu.memory_space<hbm>> -> memref<256x64xf32, #tpu.memory_space<hbm>>
    tpu.enqueue_dma source(%dma_start3A_801 : memref<256x64xf32, #tpu.memory_space<hbm>>) target(%dma_start3A_799 : memref<256x64xf32, #tpu.memory_space<vmem>>) target_semaphore(%arg9 : memref<!tpu.dma_semaphore, #tpu.memory_space<semaphore_mem>>)
    %scan3A_802 = arith.constant 0 : i32
    %scan3A_803 = arith.constant 0 : i32
    %scan3A_804 = arith.constant 16 : i32
    %scan3A_805 = arith.addi %scan3A_803, %scan3A_804 : i32
    %scan3A_806 = arith.constant 1 : i32
    scf.for %scan3A_964 = %scan3A_803 to %scan3A_805 step %scan3A_806  : i32 {
      %mul3A_965 = arith.constant 16 : i32
      %mul3A_966 = arith.muli %scan3A_964, %mul3A_965 : i32
      %add3A_967 = arith.constant 256 : i32
      %add3A_968 = arith.addi %add3A_967, %mul3A_966 : i32
      %add3A_969 = vector.broadcast %add3A_968 : i32 to vector<16xi32>
      %add3A_970 = arith.addi %add3A_969, %iota3A : vector<16xi32>
      %mul3A_971 = arith.constant 16 : i32
      %mul3A_972 = arith.muli %scan3A_964, %mul3A_971 : i32
      %add3A_973 = arith.constant 6400 : i32
      %add3A_974 = arith.addi %add3A_973, %mul3A_972 : i32
      %get3A = arith.index_cast %add3A_974 : i32 to index
      %get3A_975 = tpu.vector_load %arg5[%get3A] {strides = array<i32>} : memref<8192xi32, #tpu.memory_space<vmem>>, vector<16xi32>,
      %gather3A = tpu.vector_load_idx %arg6[%add3A_970, %get3A_975] : memref<768x64xf32, #tpu.memory_space<vmem>>[vector<16xi32>, vector<16xi32>], vector<16xf32>,
      %mul3A_976 = arith.constant 9.990000e-01 : f32
      %mul3A_977 = vector.broadcast %mul3A_976 : f32 to vector<16xf32>
      %mul3A_978 = arith.mulf %gather3A, %mul3A_977 : vector<16xf32>
      %mul3A_979 = arith.constant 16 : i32
      %mul3A_980 = arith.muli %scan3A_964, %mul3A_979 : i32
      %add3A_981 = arith.constant 6400 : i32
      %add3A_982 = arith.addi %add3A_981, %mul3A_980 : i32
      %swap3A = arith.index_cast %add3A_982 : i32 to index
      %swap3A_983 = tpu.vector_load %arg7[%swap3A] {strides = array<i32>} : memref<8192xf32, #tpu.memory_space<vmem>>, vector<16xf32>,
      tpu.vector_store %arg7[%swap3A], %mul3A_978 {strides = array<i32>} : memref<8192xf32, #tpu.memory_space<vmem>>, vector<16xf32>,
    }
    %scan3A_807 = arith.constant 16 : i32
    %add3A_808 = arith.constant 6656 : i32
    %add3A_809 = arith.addi %mul3A_2, %add3A_808 : i32
    %dma_wait3A_810 = arith.constant 512 : i32
    %dma_wait3A_811 = arith.constant 0 : i32
    %dma_wait3A_812 = tpu.memref_slice %arg6[%dma_wait3A_810, %dma_wait3A_811] : memref<768x64xf32, #tpu.memory_space<vmem>> -> memref<256x64xf32, #tpu.memory_space<vmem>>
    %dma_wait3A_813 = arith.constant 0 : i32
    %dma_wait3A_814 = tpu.memref_slice %arg3[%add3A_809, %dma_wait3A_813] : memref<262144x64xf32, #tpu.memory_space<hbm>> -> memref<256x64xf32, #tpu.memory_space<hbm>>
    %dma_wait3A_815 = arith.constant 512 : i32
    %dma_wait3A_816 = arith.constant 0 : i32
    %dma_wait3A_817 = tpu.memref_slice %arg6[%dma_wait3A_815, %dma_wait3A_816] : memref<768x64xf32, #tpu.memory_space<vmem>> -> memref<256x64xf32, #tpu.memory_space<vmem>>
    %dma_wait3A_818 = arith.constant 0 : i32
    %dma_wait3A_819 = tpu.memref_slice %arg3[%add3A_809, %dma_wait3A_818] : memref<262144x64xf32, #tpu.memory_space<hbm>> -> memref<256x64xf32, #tpu.memory_space<hbm>>
    tpu.wait_dma2 semaphore(%arg9 : memref<!tpu.dma_semaphore, #tpu.memory_space<semaphore_mem>>) src(%dma_wait3A_819 : memref<256x64xf32, #tpu.memory_space<hbm>>) dst(%dma_wait3A_817 : memref<256x64xf32, #tpu.memory_space<vmem>>)
    %add3A_820 = arith.constant 7168 : i32
    %add3A_821 = arith.addi %mul3A_2, %add3A_820 : i32
    %dma_start3A_822 = arith.constant 256 : i32
    %dma_start3A_823 = arith.constant 0 : i32
    %dma_start3A_824 = tpu.memref_slice %arg6[%dma_start3A_822, %dma_start3A_823] : memref<768x64xf32, #tpu.memory_space<vmem>> -> memref<256x64xf32, #tpu.memory_space<vmem>>
    %dma_start3A_825 = arith.constant 0 : i32
    %dma_start3A_826 = tpu.memref_slice %arg3[%add3A_821, %dma_start3A_825] : memref<262144x64xf32, #tpu.memory_space<hbm>> -> memref<256x64xf32, #tpu.memory_space<hbm>>
    %dma_start3A_827 = arith.constant 256 : i32
    %dma_start3A_828 = arith.constant 0 : i32
    %dma_start3A_829 = tpu.memref_slice %arg6[%dma_start3A_827, %dma_start3A_828] : memref<768x64xf32, #tpu.memory_space<vmem>> -> memref<256x64xf32, #tpu.memory_space<vmem>>
    %dma_start3A_830 = arith.constant 0 : i32
    %dma_start3A_831 = tpu.memref_slice %arg3[%add3A_821, %dma_start3A_830] : memref<262144x64xf32, #tpu.memory_space<hbm>> -> memref<256x64xf32, #tpu.memory_space<hbm>>
    tpu.enqueue_dma source(%dma_start3A_831 : memref<256x64xf32, #tpu.memory_space<hbm>>) target(%dma_start3A_829 : memref<256x64xf32, #tpu.memory_space<vmem>>) target_semaphore(%arg9 : memref<!tpu.dma_semaphore, #tpu.memory_space<semaphore_mem>>)
    %scan3A_832 = arith.constant 0 : i32
    %scan3A_833 = arith.constant 0 : i32
    %scan3A_834 = arith.constant 16 : i32
    %scan3A_835 = arith.addi %scan3A_833, %scan3A_834 : i32
    %scan3A_836 = arith.constant 1 : i32
    scf.for %scan3A_964 = %scan3A_833 to %scan3A_835 step %scan3A_836  : i32 {
      %mul3A_965 = arith.constant 16 : i32
      %mul3A_966 = arith.muli %scan3A_964, %mul3A_965 : i32
      %add3A_967 = arith.constant 512 : i32
      %add3A_968 = arith.addi %add3A_967, %mul3A_966 : i32
      %add3A_969 = vector.broadcast %add3A_968 : i32 to vector<16xi32>
      %add3A_970 = arith.addi %add3A_969, %iota3A : vector<16xi32>
      %mul3A_971 = arith.constant 16 : i32
      %mul3A_972 = arith.muli %scan3A_964, %mul3A_971 : i32
      %add3A_973 = arith.constant 6656 : i32
      %add3A_974 = arith.addi %add3A_973, %mul3A_972 : i32
      %get3A = arith.index_cast %add3A_974 : i32 to index
      %get3A_975 = tpu.vector_load %arg5[%get3A] {strides = array<i32>} : memref<8192xi32, #tpu.memory_space<vmem>>, vector<16xi32>,
      %gather3A = tpu.vector_load_idx %arg6[%add3A_970, %get3A_975] : memref<768x64xf32, #tpu.memory_space<vmem>>[vector<16xi32>, vector<16xi32>], vector<16xf32>,
      %mul3A_976 = arith.constant 9.990000e-01 : f32
      %mul3A_977 = vector.broadcast %mul3A_976 : f32 to vector<16xf32>
      %mul3A_978 = arith.mulf %gather3A, %mul3A_977 : vector<16xf32>
      %mul3A_979 = arith.constant 16 : i32
      %mul3A_980 = arith.muli %scan3A_964, %mul3A_979 : i32
      %add3A_981 = arith.constant 6656 : i32
      %add3A_982 = arith.addi %add3A_981, %mul3A_980 : i32
      %swap3A = arith.index_cast %add3A_982 : i32 to index
      %swap3A_983 = tpu.vector_load %arg7[%swap3A] {strides = array<i32>} : memref<8192xf32, #tpu.memory_space<vmem>>, vector<16xf32>,
      tpu.vector_store %arg7[%swap3A], %mul3A_978 {strides = array<i32>} : memref<8192xf32, #tpu.memory_space<vmem>>, vector<16xf32>,
    }
    %scan3A_837 = arith.constant 16 : i32
    %add3A_838 = arith.constant 6912 : i32
    %add3A_839 = arith.addi %mul3A_2, %add3A_838 : i32
    %dma_wait3A_840 = arith.constant 0 : i32
    %dma_wait3A_841 = arith.constant 0 : i32
    %dma_wait3A_842 = tpu.memref_slice %arg6[%dma_wait3A_840, %dma_wait3A_841] : memref<768x64xf32, #tpu.memory_space<vmem>> -> memref<256x64xf32, #tpu.memory_space<vmem>>
    %dma_wait3A_843 = arith.constant 0 : i32
    %dma_wait3A_844 = tpu.memref_slice %arg3[%add3A_839, %dma_wait3A_843] : memref<262144x64xf32, #tpu.memory_space<hbm>> -> memref<256x64xf32, #tpu.memory_space<hbm>>
    %dma_wait3A_845 = arith.constant 0 : i32
    %dma_wait3A_846 = arith.constant 0 : i32
    %dma_wait3A_847 = tpu.memref_slice %arg6[%dma_wait3A_845, %dma_wait3A_846] : memref<768x64xf32, #tpu.memory_space<vmem>> -> memref<256x64xf32, #tpu.memory_space<vmem>>
    %dma_wait3A_848 = arith.constant 0 : i32
    %dma_wait3A_849 = tpu.memref_slice %arg3[%add3A_839, %dma_wait3A_848] : memref<262144x64xf32, #tpu.memory_space<hbm>> -> memref<256x64xf32, #tpu.memory_space<hbm>>
    tpu.wait_dma2 semaphore(%arg9 : memref<!tpu.dma_semaphore, #tpu.memory_space<semaphore_mem>>) src(%dma_wait3A_849 : memref<256x64xf32, #tpu.memory_space<hbm>>) dst(%dma_wait3A_847 : memref<256x64xf32, #tpu.memory_space<vmem>>)
    %add3A_850 = arith.constant 7424 : i32
    %add3A_851 = arith.addi %mul3A_2, %add3A_850 : i32
    %dma_start3A_852 = arith.constant 512 : i32
    %dma_start3A_853 = arith.constant 0 : i32
    %dma_start3A_854 = tpu.memref_slice %arg6[%dma_start3A_852, %dma_start3A_853] : memref<768x64xf32, #tpu.memory_space<vmem>> -> memref<256x64xf32, #tpu.memory_space<vmem>>
    %dma_start3A_855 = arith.constant 0 : i32
    %dma_start3A_856 = tpu.memref_slice %arg3[%add3A_851, %dma_start3A_855] : memref<262144x64xf32, #tpu.memory_space<hbm>> -> memref<256x64xf32, #tpu.memory_space<hbm>>
    %dma_start3A_857 = arith.constant 512 : i32
    %dma_start3A_858 = arith.constant 0 : i32
    %dma_start3A_859 = tpu.memref_slice %arg6[%dma_start3A_857, %dma_start3A_858] : memref<768x64xf32, #tpu.memory_space<vmem>> -> memref<256x64xf32, #tpu.memory_space<vmem>>
    %dma_start3A_860 = arith.constant 0 : i32
    %dma_start3A_861 = tpu.memref_slice %arg3[%add3A_851, %dma_start3A_860] : memref<262144x64xf32, #tpu.memory_space<hbm>> -> memref<256x64xf32, #tpu.memory_space<hbm>>
    tpu.enqueue_dma source(%dma_start3A_861 : memref<256x64xf32, #tpu.memory_space<hbm>>) target(%dma_start3A_859 : memref<256x64xf32, #tpu.memory_space<vmem>>) target_semaphore(%arg9 : memref<!tpu.dma_semaphore, #tpu.memory_space<semaphore_mem>>)
    %scan3A_862 = arith.constant 0 : i32
    %scan3A_863 = arith.constant 0 : i32
    %scan3A_864 = arith.constant 16 : i32
    %scan3A_865 = arith.addi %scan3A_863, %scan3A_864 : i32
    %scan3A_866 = arith.constant 1 : i32
    scf.for %scan3A_964 = %scan3A_863 to %scan3A_865 step %scan3A_866  : i32 {
      %mul3A_965 = arith.constant 16 : i32
      %mul3A_966 = arith.muli %scan3A_964, %mul3A_965 : i32
      %add3A_967 = arith.constant 0 : i32
      %add3A_968 = arith.addi %add3A_967, %mul3A_966 : i32
      %add3A_969 = vector.broadcast %add3A_968 : i32 to vector<16xi32>
      %add3A_970 = arith.addi %add3A_969, %iota3A : vector<16xi32>
      %mul3A_971 = arith.constant 16 : i32
      %mul3A_972 = arith.muli %scan3A_964, %mul3A_971 : i32
      %add3A_973 = arith.constant 6912 : i32
      %add3A_974 = arith.addi %add3A_973, %mul3A_972 : i32
      %get3A = arith.index_cast %add3A_974 : i32 to index
      %get3A_975 = tpu.vector_load %arg5[%get3A] {strides = array<i32>} : memref<8192xi32, #tpu.memory_space<vmem>>, vector<16xi32>,
      %gather3A = tpu.vector_load_idx %arg6[%add3A_970, %get3A_975] : memref<768x64xf32, #tpu.memory_space<vmem>>[vector<16xi32>, vector<16xi32>], vector<16xf32>,
      %mul3A_976 = arith.constant 9.990000e-01 : f32
      %mul3A_977 = vector.broadcast %mul3A_976 : f32 to vector<16xf32>
      %mul3A_978 = arith.mulf %gather3A, %mul3A_977 : vector<16xf32>
      %mul3A_979 = arith.constant 16 : i32
      %mul3A_980 = arith.muli %scan3A_964, %mul3A_979 : i32
      %add3A_981 = arith.constant 6912 : i32
      %add3A_982 = arith.addi %add3A_981, %mul3A_980 : i32
      %swap3A = arith.index_cast %add3A_982 : i32 to index
      %swap3A_983 = tpu.vector_load %arg7[%swap3A] {strides = array<i32>} : memref<8192xf32, #tpu.memory_space<vmem>>, vector<16xf32>,
      tpu.vector_store %arg7[%swap3A], %mul3A_978 {strides = array<i32>} : memref<8192xf32, #tpu.memory_space<vmem>>, vector<16xf32>,
    }
    %scan3A_867 = arith.constant 16 : i32
    %add3A_868 = arith.constant 7168 : i32
    %add3A_869 = arith.addi %mul3A_2, %add3A_868 : i32
    %dma_wait3A_870 = arith.constant 256 : i32
    %dma_wait3A_871 = arith.constant 0 : i32
    %dma_wait3A_872 = tpu.memref_slice %arg6[%dma_wait3A_870, %dma_wait3A_871] : memref<768x64xf32, #tpu.memory_space<vmem>> -> memref<256x64xf32, #tpu.memory_space<vmem>>
    %dma_wait3A_873 = arith.constant 0 : i32
    %dma_wait3A_874 = tpu.memref_slice %arg3[%add3A_869, %dma_wait3A_873] : memref<262144x64xf32, #tpu.memory_space<hbm>> -> memref<256x64xf32, #tpu.memory_space<hbm>>
    %dma_wait3A_875 = arith.constant 256 : i32
    %dma_wait3A_876 = arith.constant 0 : i32
    %dma_wait3A_877 = tpu.memref_slice %arg6[%dma_wait3A_875, %dma_wait3A_876] : memref<768x64xf32, #tpu.memory_space<vmem>> -> memref<256x64xf32, #tpu.memory_space<vmem>>
    %dma_wait3A_878 = arith.constant 0 : i32
    %dma_wait3A_879 = tpu.memref_slice %arg3[%add3A_869, %dma_wait3A_878] : memref<262144x64xf32, #tpu.memory_space<hbm>> -> memref<256x64xf32, #tpu.memory_space<hbm>>
    tpu.wait_dma2 semaphore(%arg9 : memref<!tpu.dma_semaphore, #tpu.memory_space<semaphore_mem>>) src(%dma_wait3A_879 : memref<256x64xf32, #tpu.memory_space<hbm>>) dst(%dma_wait3A_877 : memref<256x64xf32, #tpu.memory_space<vmem>>)
    %add3A_880 = arith.constant 7680 : i32
    %add3A_881 = arith.addi %mul3A_2, %add3A_880 : i32
    %dma_start3A_882 = arith.constant 0 : i32
    %dma_start3A_883 = arith.constant 0 : i32
    %dma_start3A_884 = tpu.memref_slice %arg6[%dma_start3A_882, %dma_start3A_883] : memref<768x64xf32, #tpu.memory_space<vmem>> -> memref<256x64xf32, #tpu.memory_space<vmem>>
    %dma_start3A_885 = arith.constant 0 : i32
    %dma_start3A_886 = tpu.memref_slice %arg3[%add3A_881, %dma_start3A_885] : memref<262144x64xf32, #tpu.memory_space<hbm>> -> memref<256x64xf32, #tpu.memory_space<hbm>>
    %dma_start3A_887 = arith.constant 0 : i32
    %dma_start3A_888 = arith.constant 0 : i32
    %dma_start3A_889 = tpu.memref_slice %arg6[%dma_start3A_887, %dma_start3A_888] : memref<768x64xf32, #tpu.memory_space<vmem>> -> memref<256x64xf32, #tpu.memory_space<vmem>>
    %dma_start3A_890 = arith.constant 0 : i32
    %dma_start3A_891 = tpu.memref_slice %arg3[%add3A_881, %dma_start3A_890] : memref<262144x64xf32, #tpu.memory_space<hbm>> -> memref<256x64xf32, #tpu.memory_space<hbm>>
    tpu.enqueue_dma source(%dma_start3A_891 : memref<256x64xf32, #tpu.memory_space<hbm>>) target(%dma_start3A_889 : memref<256x64xf32, #tpu.memory_space<vmem>>) target_semaphore(%arg9 : memref<!tpu.dma_semaphore, #tpu.memory_space<semaphore_mem>>)
    %scan3A_892 = arith.constant 0 : i32
    %scan3A_893 = arith.constant 0 : i32
    %scan3A_894 = arith.constant 16 : i32
    %scan3A_895 = arith.addi %scan3A_893, %scan3A_894 : i32
    %scan3A_896 = arith.constant 1 : i32
    scf.for %scan3A_964 = %scan3A_893 to %scan3A_895 step %scan3A_896  : i32 {
      %mul3A_965 = arith.constant 16 : i32
      %mul3A_966 = arith.muli %scan3A_964, %mul3A_965 : i32
      %add3A_967 = arith.constant 256 : i32
      %add3A_968 = arith.addi %add3A_967, %mul3A_966 : i32
      %add3A_969 = vector.broadcast %add3A_968 : i32 to vector<16xi32>
      %add3A_970 = arith.addi %add3A_969, %iota3A : vector<16xi32>
      %mul3A_971 = arith.constant 16 : i32
      %mul3A_972 = arith.muli %scan3A_964, %mul3A_971 : i32
      %add3A_973 = arith.constant 7168 : i32
      %add3A_974 = arith.addi %add3A_973, %mul3A_972 : i32
      %get3A = arith.index_cast %add3A_974 : i32 to index
      %get3A_975 = tpu.vector_load %arg5[%get3A] {strides = array<i32>} : memref<8192xi32, #tpu.memory_space<vmem>>, vector<16xi32>,
      %gather3A = tpu.vector_load_idx %arg6[%add3A_970, %get3A_975] : memref<768x64xf32, #tpu.memory_space<vmem>>[vector<16xi32>, vector<16xi32>], vector<16xf32>,
      %mul3A_976 = arith.constant 9.990000e-01 : f32
      %mul3A_977 = vector.broadcast %mul3A_976 : f32 to vector<16xf32>
      %mul3A_978 = arith.mulf %gather3A, %mul3A_977 : vector<16xf32>
      %mul3A_979 = arith.constant 16 : i32
      %mul3A_980 = arith.muli %scan3A_964, %mul3A_979 : i32
      %add3A_981 = arith.constant 7168 : i32
      %add3A_982 = arith.addi %add3A_981, %mul3A_980 : i32
      %swap3A = arith.index_cast %add3A_982 : i32 to index
      %swap3A_983 = tpu.vector_load %arg7[%swap3A] {strides = array<i32>} : memref<8192xf32, #tpu.memory_space<vmem>>, vector<16xf32>,
      tpu.vector_store %arg7[%swap3A], %mul3A_978 {strides = array<i32>} : memref<8192xf32, #tpu.memory_space<vmem>>, vector<16xf32>,
    }
    %scan3A_897 = arith.constant 16 : i32
    %add3A_898 = arith.constant 7424 : i32
    %add3A_899 = arith.addi %mul3A_2, %add3A_898 : i32
    %dma_wait3A_900 = arith.constant 512 : i32
    %dma_wait3A_901 = arith.constant 0 : i32
    %dma_wait3A_902 = tpu.memref_slice %arg6[%dma_wait3A_900, %dma_wait3A_901] : memref<768x64xf32, #tpu.memory_space<vmem>> -> memref<256x64xf32, #tpu.memory_space<vmem>>
    %dma_wait3A_903 = arith.constant 0 : i32
    %dma_wait3A_904 = tpu.memref_slice %arg3[%add3A_899, %dma_wait3A_903] : memref<262144x64xf32, #tpu.memory_space<hbm>> -> memref<256x64xf32, #tpu.memory_space<hbm>>
    %dma_wait3A_905 = arith.constant 512 : i32
    %dma_wait3A_906 = arith.constant 0 : i32
    %dma_wait3A_907 = tpu.memref_slice %arg6[%dma_wait3A_905, %dma_wait3A_906] : memref<768x64xf32, #tpu.memory_space<vmem>> -> memref<256x64xf32, #tpu.memory_space<vmem>>
    %dma_wait3A_908 = arith.constant 0 : i32
    %dma_wait3A_909 = tpu.memref_slice %arg3[%add3A_899, %dma_wait3A_908] : memref<262144x64xf32, #tpu.memory_space<hbm>> -> memref<256x64xf32, #tpu.memory_space<hbm>>
    tpu.wait_dma2 semaphore(%arg9 : memref<!tpu.dma_semaphore, #tpu.memory_space<semaphore_mem>>) src(%dma_wait3A_909 : memref<256x64xf32, #tpu.memory_space<hbm>>) dst(%dma_wait3A_907 : memref<256x64xf32, #tpu.memory_space<vmem>>)
    %add3A_910 = arith.constant 7936 : i32
    %add3A_911 = arith.addi %mul3A_2, %add3A_910 : i32
    %dma_start3A_912 = arith.constant 256 : i32
    %dma_start3A_913 = arith.constant 0 : i32
    %dma_start3A_914 = tpu.memref_slice %arg6[%dma_start3A_912, %dma_start3A_913] : memref<768x64xf32, #tpu.memory_space<vmem>> -> memref<256x64xf32, #tpu.memory_space<vmem>>
    %dma_start3A_915 = arith.constant 0 : i32
    %dma_start3A_916 = tpu.memref_slice %arg3[%add3A_911, %dma_start3A_915] : memref<262144x64xf32, #tpu.memory_space<hbm>> -> memref<256x64xf32, #tpu.memory_space<hbm>>
    %dma_start3A_917 = arith.constant 256 : i32
    %dma_start3A_918 = arith.constant 0 : i32
    %dma_start3A_919 = tpu.memref_slice %arg6[%dma_start3A_917, %dma_start3A_918] : memref<768x64xf32, #tpu.memory_space<vmem>> -> memref<256x64xf32, #tpu.memory_space<vmem>>
    %dma_start3A_920 = arith.constant 0 : i32
    %dma_start3A_921 = tpu.memref_slice %arg3[%add3A_911, %dma_start3A_920] : memref<262144x64xf32, #tpu.memory_space<hbm>> -> memref<256x64xf32, #tpu.memory_space<hbm>>
    tpu.enqueue_dma source(%dma_start3A_921 : memref<256x64xf32, #tpu.memory_space<hbm>>) target(%dma_start3A_919 : memref<256x64xf32, #tpu.memory_space<vmem>>) target_semaphore(%arg9 : memref<!tpu.dma_semaphore, #tpu.memory_space<semaphore_mem>>)
    %scan3A_922 = arith.constant 0 : i32
    %scan3A_923 = arith.constant 0 : i32
    %scan3A_924 = arith.constant 16 : i32
    %scan3A_925 = arith.addi %scan3A_923, %scan3A_924 : i32
    %scan3A_926 = arith.constant 1 : i32
    scf.for %scan3A_964 = %scan3A_923 to %scan3A_925 step %scan3A_926  : i32 {
      %mul3A_965 = arith.constant 16 : i32
      %mul3A_966 = arith.muli %scan3A_964, %mul3A_965 : i32
      %add3A_967 = arith.constant 512 : i32
      %add3A_968 = arith.addi %add3A_967, %mul3A_966 : i32
      %add3A_969 = vector.broadcast %add3A_968 : i32 to vector<16xi32>
      %add3A_970 = arith.addi %add3A_969, %iota3A : vector<16xi32>
      %mul3A_971 = arith.constant 16 : i32
      %mul3A_972 = arith.muli %scan3A_964, %mul3A_971 : i32
      %add3A_973 = arith.constant 7424 : i32
      %add3A_974 = arith.addi %add3A_973, %mul3A_972 : i32
      %get3A = arith.index_cast %add3A_974 : i32 to index
      %get3A_975 = tpu.vector_load %arg5[%get3A] {strides = array<i32>} : memref<8192xi32, #tpu.memory_space<vmem>>, vector<16xi32>,
      %gather3A = tpu.vector_load_idx %arg6[%add3A_970, %get3A_975] : memref<768x64xf32, #tpu.memory_space<vmem>>[vector<16xi32>, vector<16xi32>], vector<16xf32>,
      %mul3A_976 = arith.constant 9.990000e-01 : f32
      %mul3A_977 = vector.broadcast %mul3A_976 : f32 to vector<16xf32>
      %mul3A_978 = arith.mulf %gather3A, %mul3A_977 : vector<16xf32>
      %mul3A_979 = arith.constant 16 : i32
      %mul3A_980 = arith.muli %scan3A_964, %mul3A_979 : i32
      %add3A_981 = arith.constant 7424 : i32
      %add3A_982 = arith.addi %add3A_981, %mul3A_980 : i32
      %swap3A = arith.index_cast %add3A_982 : i32 to index
      %swap3A_983 = tpu.vector_load %arg7[%swap3A] {strides = array<i32>} : memref<8192xf32, #tpu.memory_space<vmem>>, vector<16xf32>,
      tpu.vector_store %arg7[%swap3A], %mul3A_978 {strides = array<i32>} : memref<8192xf32, #tpu.memory_space<vmem>>, vector<16xf32>,
    }
    %scan3A_927 = arith.constant 16 : i32
    %add3A_928 = arith.constant 7680 : i32
    %add3A_929 = arith.addi %mul3A_2, %add3A_928 : i32
    %dma_wait3A_930 = arith.constant 0 : i32
    %dma_wait3A_931 = arith.constant 0 : i32
    %dma_wait3A_932 = tpu.memref_slice %arg6[%dma_wait3A_930, %dma_wait3A_931] : memref<768x64xf32, #tpu.memory_space<vmem>> -> memref<256x64xf32, #tpu.memory_space<vmem>>
    %dma_wait3A_933 = arith.constant 0 : i32
    %dma_wait3A_934 = tpu.memref_slice %arg3[%add3A_929, %dma_wait3A_933] : memref<262144x64xf32, #tpu.memory_space<hbm>> -> memref<256x64xf32, #tpu.memory_space<hbm>>
    %dma_wait3A_935 = arith.constant 0 : i32
    %dma_wait3A_936 = arith.constant 0 : i32
    %dma_wait3A_937 = tpu.memref_slice %arg6[%dma_wait3A_935, %dma_wait3A_936] : memref<768x64xf32, #tpu.memory_space<vmem>> -> memref<256x64xf32, #tpu.memory_space<vmem>>
    %dma_wait3A_938 = arith.constant 0 : i32
    %dma_wait3A_939 = tpu.memref_slice %arg3[%add3A_929, %dma_wait3A_938] : memref<262144x64xf32, #tpu.memory_space<hbm>> -> memref<256x64xf32, #tpu.memory_space<hbm>>
    tpu.wait_dma2 semaphore(%arg9 : memref<!tpu.dma_semaphore, #tpu.memory_space<semaphore_mem>>) src(%dma_wait3A_939 : memref<256x64xf32, #tpu.memory_space<hbm>>) dst(%dma_wait3A_937 : memref<256x64xf32, #tpu.memory_space<vmem>>)
    %scan3A_940 = arith.constant 0 : i32
    %scan3A_941 = arith.constant 0 : i32
    %scan3A_942 = arith.constant 16 : i32
    %scan3A_943 = arith.addi %scan3A_941, %scan3A_942 : i32
    %scan3A_944 = arith.constant 1 : i32
    scf.for %scan3A_964 = %scan3A_941 to %scan3A_943 step %scan3A_944  : i32 {
      %mul3A_965 = arith.constant 16 : i32
      %mul3A_966 = arith.muli %scan3A_964, %mul3A_965 : i32
      %add3A_967 = arith.constant 0 : i32
      %add3A_968 = arith.addi %add3A_967, %mul3A_966 : i32
      %add3A_969 = vector.broadcast %add3A_968 : i32 to vector<16xi32>
      %add3A_970 = arith.addi %add3A_969, %iota3A : vector<16xi32>
      %mul3A_971 = arith.constant 16 : i32
      %mul3A_972 = arith.muli %scan3A_964, %mul3A_971 : i32
      %add3A_973 = arith.constant 7680 : i32
      %add3A_974 = arith.addi %add3A_973, %mul3A_972 : i32
      %get3A = arith.index_cast %add3A_974 : i32 to index
      %get3A_975 = tpu.vector_load %arg5[%get3A] {strides = array<i32>} : memref<8192xi32, #tpu.memory_space<vmem>>, vector<16xi32>,
      %gather3A = tpu.vector_load_idx %arg6[%add3A_970, %get3A_975] : memref<768x64xf32, #tpu.memory_space<vmem>>[vector<16xi32>, vector<16xi32>], vector<16xf32>,
      %mul3A_976 = arith.constant 9.990000e-01 : f32
      %mul3A_977 = vector.broadcast %mul3A_976 : f32 to vector<16xf32>
      %mul3A_978 = arith.mulf %gather3A, %mul3A_977 : vector<16xf32>
      %mul3A_979 = arith.constant 16 : i32
      %mul3A_980 = arith.muli %scan3A_964, %mul3A_979 : i32
      %add3A_981 = arith.constant 7680 : i32
      %add3A_982 = arith.addi %add3A_981, %mul3A_980 : i32
      %swap3A = arith.index_cast %add3A_982 : i32 to index
      %swap3A_983 = tpu.vector_load %arg7[%swap3A] {strides = array<i32>} : memref<8192xf32, #tpu.memory_space<vmem>>, vector<16xf32>,
      tpu.vector_store %arg7[%swap3A], %mul3A_978 {strides = array<i32>} : memref<8192xf32, #tpu.memory_space<vmem>>, vector<16xf32>,
    }
    %scan3A_945 = arith.constant 16 : i32
    %add3A_946 = arith.constant 7936 : i32
    %add3A_947 = arith.addi %mul3A_2, %add3A_946 : i32
    %dma_wait3A_948 = arith.constant 256 : i32
    %dma_wait3A_949 = arith.constant 0 : i32
    %dma_wait3A_950 = tpu.memref_slice %arg6[%dma_wait3A_948, %dma_wait3A_949] : memref<768x64xf32, #tpu.memory_space<vmem>> -> memref<256x64xf32, #tpu.memory_space<vmem>>
    %dma_wait3A_951 = arith.constant 0 : i32
    %dma_wait3A_952 = tpu.memref_slice %arg3[%add3A_947, %dma_wait3A_951] : memref<262144x64xf32, #tpu.memory_space<hbm>> -> memref<256x64xf32, #tpu.memory_space<hbm>>
    %dma_wait3A_953 = arith.constant 256 : i32
    %dma_wait3A_954 = arith.constant 0 : i32
    %dma_wait3A_955 = tpu.memref_slice %arg6[%dma_wait3A_953, %dma_wait3A_954] : memref<768x64xf32, #tpu.memory_space<vmem>> -> memref<256x64xf32, #tpu.memory_space<vmem>>
    %dma_wait3A_956 = arith.constant 0 : i32
    %dma_wait3A_957 = tpu.memref_slice %arg3[%add3A_947, %dma_wait3A_956] : memref<262144x64xf32, #tpu.memory_space<hbm>> -> memref<256x64xf32, #tpu.memory_space<hbm>>
    tpu.wait_dma2 semaphore(%arg9 : memref<!tpu.dma_semaphore, #tpu.memory_space<semaphore_mem>>) src(%dma_wait3A_957 : memref<256x64xf32, #tpu.memory_space<hbm>>) dst(%dma_wait3A_955 : memref<256x64xf32, #tpu.memory_space<vmem>>)
    %scan3A_958 = arith.constant 0 : i32
    %scan3A_959 = arith.constant 0 : i32
    %scan3A_960 = arith.constant 16 : i32
    %scan3A_961 = arith.addi %scan3A_959, %scan3A_960 : i32
    %scan3A_962 = arith.constant 1 : i32
    scf.for %scan3A_964 = %scan3A_959 to %scan3A_961 step %scan3A_962  : i32 {
      %mul3A_965 = arith.constant 16 : i32
      %mul3A_966 = arith.muli %scan3A_964, %mul3A_965 : i32
      %add3A_967 = arith.constant 256 : i32
      %add3A_968 = arith.addi %add3A_967, %mul3A_966 : i32
      %add3A_969 = vector.broadcast %add3A_968 : i32 to vector<16xi32>
      %add3A_970 = arith.addi %add3A_969, %iota3A : vector<16xi32>
      %mul3A_971 = arith.constant 16 : i32
      %mul3A_972 = arith.muli %scan3A_964, %mul3A_971 : i32
      %add3A_973 = arith.constant 7936 : i32
      %add3A_974 = arith.addi %add3A_973, %mul3A_972 : i32
      %get3A = arith.index_cast %add3A_974 : i32 to index
      %get3A_975 = tpu.vector_load %arg5[%get3A] {strides = array<i32>} : memref<8192xi32, #tpu.memory_space<vmem>>, vector<16xi32>,
      %gather3A = tpu.vector_load_idx %arg6[%add3A_970, %get3A_975] : memref<768x64xf32, #tpu.memory_space<vmem>>[vector<16xi32>, vector<16xi32>], vector<16xf32>,
      %mul3A_976 = arith.constant 9.990000e-01 : f32
      %mul3A_977 = vector.broadcast %mul3A_976 : f32 to vector<16xf32>
      %mul3A_978 = arith.mulf %gather3A, %mul3A_977 : vector<16xf32>
      %mul3A_979 = arith.constant 16 : i32
      %mul3A_980 = arith.muli %scan3A_964, %mul3A_979 : i32
      %add3A_981 = arith.constant 7936 : i32
      %add3A_982 = arith.addi %add3A_981, %mul3A_980 : i32
      %swap3A = arith.index_cast %add3A_982 : i32 to index
      %swap3A_983 = tpu.vector_load %arg7[%swap3A] {strides = array<i32>} : memref<8192xf32, #tpu.memory_space<vmem>>, vector<16xf32>,
      tpu.vector_store %arg7[%swap3A], %mul3A_978 {strides = array<i32>} : memref<8192xf32, #tpu.memory_space<vmem>>, vector<16xf32>,
    }
    %scan3A_963 = arith.constant 16 : i32
    "tpu.region"() ({
      %run_scoped3A = tpu.sem_alloc : memref<!tpu.dma_semaphore, #tpu.memory_space<semaphore_mem>>
      %dma_start3A_964 = tpu.memref_slice %arg4[%mul3A_2] : memref<262144xf32, #tpu.memory_space<hbm>> -> memref<8192xf32, #tpu.memory_space<hbm>>
      %dma_start3A_965 = tpu.memref_slice %arg4[%mul3A_2] : memref<262144xf32, #tpu.memory_space<hbm>> -> memref<8192xf32, #tpu.memory_space<hbm>>
      tpu.enqueue_dma source(%arg7 : memref<8192xf32, #tpu.memory_space<vmem>>) target(%dma_start3A_965 : memref<8192xf32, #tpu.memory_space<hbm>>) target_semaphore(%run_scoped3A : memref<!tpu.dma_semaphore, #tpu.memory_space<semaphore_mem>>)
      %dma_wait3A_966 = tpu.memref_slice %arg4[%mul3A_2] : memref<262144xf32, #tpu.memory_space<hbm>> -> memref<8192xf32, #tpu.memory_space<hbm>>
      %dma_wait3A_967 = tpu.memref_slice %arg4[%mul3A_2] : memref<262144xf32, #tpu.memory_space<hbm>> -> memref<8192xf32, #tpu.memory_space<hbm>>
      tpu.wait_dma2 semaphore(%run_scoped3A : memref<!tpu.dma_semaphore, #tpu.memory_space<semaphore_mem>>) src(%arg7 : memref<8192xf32, #tpu.memory_space<vmem>>) dst(%dma_wait3A_967 : memref<8192xf32, #tpu.memory_space<hbm>>)
      tpu.yield
    }) : () -> ()
    return
  }
}

</mosaic_0001>

<sc_bundles>
// kernel: kernel.3.cloned.1.call-start
scs
__scs_entry_jumppad:
0x0: {  	(pc) =	sbr.rel $0x88, $3  }
0x1: {  	(tag) =	ssettag $0x0;
	lr =	simm.s32 $0x1  }
0x2: {  	[smem:$0x3F9F] =	sst lr;
	_ =	strace $0xD0000000  }
0x3: {  	_ = 	snop  }
0x4: {  	_ = 	snop  }
0x5: {  	_ = 	snop  }
0x6: {  	_ = 	snop  }
0x7: {  	_ = 	snop  }
__scs_overlays_trampoline_lowered:
0x8: {  	[smem:$0x3FAE] =	sst s0  }
0x9: {  	[smem:$0x3FAF] =	sst s1  }
0xa: {  	[smem:$0x3FB0] =	sst s2  }
0xb: {  	[smem:$0x3FB1] =	sst s3  }
0xc: {  	[smem:$0x3FB2] =	sst s4  }
0xd: {  	[smem:$0x3FB3] =	sst s5  }
0xe: {  	[smem:$0x3FB4] =	sst s6  }
0xf: {  	[smem:$0x3FB5] =	sst s7  }
0x10: {  	[smem:$0x3FB6] =	sst s8  }
0x11: {  	[smem:$0x3FB7] =	sst s9;
	s0 =	simm.s32 @!p0 $0x0  }
0x12: {  	s1 =	sld [smem:$0x3F9D];
	s0 =	simm.s32 @p0 $0x1  }
0x13: {  	[smem:$0x3FB8] =	sst s0;
	s0 =	simm.s32 @!p1 $0x0  }
0x14: {  	s2 =	sld [smem:$0x3F9C];
	s0 =	simm.s32 @p1 $0x1  }
0x15: {  	[smem:$0x3FB9] =	sst s0;
	s0 =	simm.s32 @!p2 $0x0  }
0x16: {  	s3 =	sld [smem:$0x3FDB];
	s0 =	simm.s32 @p2 $0x1  }
0x17: {  	s4 =	simm.s32 $0x1BF5;
	[smem:$0x3FBB] =	sst s0  }
0x18: {  	s0 =	sld [smem:$0x3F9E];
	_ =	swait.ge [sflag:s4], $0x0  }
0x19: {  	s7 =	sld [smem:$0x3F9F]  }
0x1a: {  	s8 =	sadd.s32 $0xFFFFE003, lr  }
0x1b: {  	s9 =	sadd.s32 $0xFFFFFEF7, lr;
	s5 =	simm.s32 $0xFFFFFFFF;
	p2 =	slt.u32 s8, $0xFFFFF086  }
0x1c: {  	p1 =	slt.u32 s9, $0xF7A;
	s5 =	simm.s32 @!p2 $0x0  }
0x1d: {  	s5 =	simm.s32 @p1 $0x1;
	p0 =	seq.s32 s7, s2  }
0x1e: {  	s7 =	smul.u32 @!p0 $0xF7A, s2;
	p2 =	seq.s32 @!p0 s5, $0x0  }
0x1f: {  	s9 =	smul.u32 $0xF7A, s1;
	s8 =	simm.s32 @!p0 $0x1BF5;
	p2 =	por !p2, p0  }
0x20: {  	[sflag:s8] =	ssyncset.s32 @!p0 $0xFFFFF086;
	s6 =	sadd.s32 @!p0 s3, s7;
	s7 =	simm.s32 @!p0 $0x108  }
0x21: {  	s3 =	sadd.s32 s3, s9;
	s6 =	sadd.s32 @!p0 $0x88, s6;
	s7 =	simm.s32 @p2 $0x1082  }
0x22: {  	[simem:s7], [sflag:s8] =	dma.local @!p0 [hbm:s6], $0xF7A  }
0x23: {  	s9 =	sor.u32 $0xD0000000, s2;
	s6 =	simm.s32 $0x108;
	_ =	swait.ge @!p0 [sflag:s8], $0x0  }
0x24: {  	s3 =	sadd.s32 $0x88, s3;
	s6 =	simm.s32 @!p1 $0x1082;
	[sflag:s4] =	ssyncset.s32 $0xFFFFF086  }
0x25: {  	[simem:s6], [sflag:s4] =	dma.local [hbm:s3], $0xF7A  }
0x26: {  	[smem:$0x3F9F] =	sst s1;
	(tag) =	ssettag s2;
	_ =	strace s9  }
0x27: {  	s1 =	sld [smem:$0x3FAF]  }
0x28: {  	s2 =	sld [smem:$0x3FB0]  }
0x29: {  	s4 =	sld [smem:$0x3FB2]  }
0x2a: {  	p0 =	seq.s32 s5, $0x0;
	s5 =	sld [smem:$0x3FB3]  }
0x2b: {  	s6 =	sld [smem:$0x3FB4]  }
0x2c: {  	s7 =	sld [smem:$0x3FB5]  }
0x2d: {  	s3 =	simm.s32 $0x108;
	s8 =	sld [smem:$0x3FB6]  }
0x2e: {  	s3 =	simm.s32 @!p0 $0x1082;
	s9 =	sld [smem:$0x3FB7]  }
0x2f: {  	lr =	sadd.s32 s0, s3;
	s0 =	sld [smem:$0x3FAE]  }
0x30: {  	s3 =	sld [smem:$0x3FB1]  }
0x31: {  	[smem:$0x3FBA] =	sst s10  }
0x32: {  	s10 =	sld [smem:$0x3FB8];
	_ =	sdelay $0x3  }
0x33: {  	p0 =	seq.s32 s10, $0x1;
	s10 =	sld [smem:$0x3FBA];
	_ =	sdelay $0x3  }
0x34: {  	[smem:$0x3FBA] =	sst s10  }
0x35: {  	s10 =	sld [smem:$0x3FB9];
	_ =	sdelay $0x3  }
0x36: {  	p1 =	seq.s32 s10, $0x1;
	s10 =	sld [smem:$0x3FBA];
	_ =	sdelay $0x3  }
0x37: {  	[smem:$0x3FBA] =	sst s10  }
0x38: {  	s10 =	sld [smem:$0x3FBB]  }
0x39: {  	_ = 	snop;
	(pc) =	sbr.ind lr, $3  }
0x3a: {  	_ = 	snop  }
0x3b: {  	_ = 	snop  }
0x3c: {  	p2 =	seq.s32 s10, $0x1;
	s10 =	sld [smem:$0x3FBA]  }
0x3d: {  	_ =	shalt  }
0x3e: {  	_ =	shalt  }
0x3f: {  	_ =	shalt  }
0x40: {  	_ =	shalt  }
0x41: {  	_ =	shalt  }
0x42: {  	_ =	shalt  }
0x43: {  	_ =	shalt  }
0x44: {  	_ =	shalt  }
0x45: {  	_ =	shalt  }
0x46: {  	_ =	shalt  }
0x47: {  	_ =	shalt  }
0x48: {  	_ =	shalt  }
0x49: {  	_ =	shalt  }
0x4a: {  	_ =	shalt  }
0x4b: {  	_ =	shalt  }
0x4c: {  	_ =	shalt  }
0x4d: {  	_ =	shalt  }
0x4e: {  	_ =	shalt  }
0x4f: {  	_ =	shalt  }
0x50: {  	_ =	shalt  }
0x51: {  	_ =	shalt  }
0x52: {  	_ =	shalt  }
0x53: {  	_ =	shalt  }
0x54: {  	_ =	shalt  }
0x55: {  	_ =	shalt  }
0x56: {  	_ =	shalt  }
0x57: {  	_ =	shalt  }
0x58: {  	_ =	shalt  }
0x59: {  	_ =	shalt  }
0x5a: {  	_ =	shalt  }
0x5b: {  	_ =	shalt  }
0x5c: {  	_ =	shalt  }
0x5d: {  	_ =	shalt  }
0x5e: {  	_ =	shalt  }
0x5f: {  	_ =	shalt  }
0x60: {  	_ =	shalt  }
0x61: {  	_ =	shalt  }
0x62: {  	_ =	shalt  }
0x63: {  	_ =	shalt  }
0x64: {  	_ =	shalt  }
0x65: {  	_ =	shalt  }
0x66: {  	_ =	shalt  }
0x67: {  	_ =	shalt  }
0x68: {  	_ =	shalt  }
0x69: {  	_ =	shalt  }
0x6a: {  	_ =	shalt  }
0x6b: {  	_ =	shalt  }
0x6c: {  	_ =	shalt  }
0x6d: {  	_ =	shalt  }
0x6e: {  	_ =	shalt  }
0x6f: {  	_ =	shalt  }
0x70: {  	_ =	shalt  }
0x71: {  	_ =	shalt  }
0x72: {  	_ =	shalt  }
0x73: {  	_ =	shalt  }
0x74: {  	_ =	shalt  }
0x75: {  	_ =	shalt  }
0x76: {  	_ =	shalt  }
0x77: {  	_ =	shalt  }
0x78: {  	_ =	shalt  }
0x79: {  	_ =	shalt  }
0x7a: {  	_ =	shalt  }
0x7b: {  	_ =	shalt  }
0x7c: {  	_ =	shalt  }
0x7d: {  	_ =	shalt  }
0x7e: {  	_ =	shalt  }
0x7f: {  	_ =	shalt  }
0x80: {  	_ =	shalt  }
0x81: {  	_ =	shalt  }
0x82: {  	_ =	shalt  }
0x83: {  	_ =	shalt  }
0x84: {  	_ =	shalt  }
0x85: {  	_ =	shalt  }
0x86: {  	_ =	shalt  }
0x87: {  	_ =	shalt  }
.Lfunc_end0:
.L_simem_size_0:
called_computation_lowered:
.L_overlay_start_0:
0x88: {  	s2 =	sld [smem:$0x3FD9]  }
0x89: {  	s3 =	sld [smem:$0x3FFE];
	_ =	sdelay $0x1  }
0x8a: {  	s1 =	srdreg.scid  }
0x8b: {  	s0 =	sand.u32 $0x1, s1  }
0x8c: {  	s17 =	sshll.u32 s0, $0xA;
	s2 =	sadd.s32 s3, s2  }
0x8d: {  	s2 =	sadd.s32 s2, s17  }
0x8e: {  	[smem:$0x3FC6] =	sst s2  }
0x8f: {  	_ = 	snop  }
0x90: {  	s2 =	sld [smem:$0x3FD0];
	(tm) =	ssettm $0x1  }
0x91: {  	s18 =	sld [smem:$0x3FFB];
	_ =	sdelay $0x3  }
0x92: {  	_ =	strace s18  }
0x93: {  	s3 =	sld [smem:$0x3FFC];
	_ =	sdelay $0x3  }
0x94: {  	_ =	strace s3  }
0x95: {  	s3 =	sld [smem:$0x3FFD];
	_ =	sdelay $0x3  }
0x96: {  	_ =	strace s3  }
0x97: {  	_ =	strace $0x8FFFFFFF  }
0x98: {  	s19 =	sld [smem:$0x3FDB];
	_ =	sdelay $0x1  }
0x99: {  	s4 =	simm.s32 $_scs_section_size  }
0x9a: {  	s5 =	simm.s32 $_size__tile_overlayer_lowered;
	s6 =	simm.s32 $_tile_overlayer_lowered  }
0x9b: {  	s22 =	simm.s32 $0x1BFF;
	s21 =	sshll.u32 s6, $0x1;
	s3 =	sadd.s32 s4, s19  }
0x9c: {  	s7 =	simm.s32 $0x0;
	s20 =	sshll.u32 s5, $0x1;
	s5 =	sadd.s32 s21, s3  }
0x9d: {  	[timem:s7], [sflag:s22] =	dma.local [hbm:s5], s20  }
0x9e: {  	_ =	swait.ge [sflag:s22], s20  }
0x9f: {  	s4 =	ssub.s32 $0x0, s20;
	[sflag:s22] =	ssyncset.done $0x0  }
0xa0: {  	[sflag:s22] =	ssyncadd.s32 s4;
	_ =	sdelay $0x1  }
0xa1: {  	s23 =	simm.s32 $0x1B8B  }
0xa2: {  	_ =	swait.ge [sflag:s23], $0x1  }
0xa3: {  	[sflag:s23] =	ssyncset.done $0x0  }
0xa4: {  	s25 =	simm.s32 $0x1B8E;
	s24 =	sld [smem:$0x3FFE];
	[sflag:s23] =	ssyncadd.s32 $0xFFFFFFFF  }
0xa5: {  	s26 =	simm.s32 $execute0_lowered;
	[smem:$0x3FD2] =	sst s25  }
0xa6: {  	s5 =	sshll.u32 s26, $0x1;
	_ =	strace $0x80000046;
	[dreg:$0x1] =	wrdreg $0xFFFFFFFF  }
0xa7: {  	s28 =	simm.s32 $_size_execute0_lowered;
	s3 =	sadd.s32 s3, s5;
	[dreg:$0x0] =	wrdreg $0x0  }
0xa8: {  	s5 =	sshll.u32 s28, $0x1;
	[dreg:$0x2] =	wrdreg s3  }
0xa9: {  	[dreg:$0x3] =	wrdreg s5  }
0xaa: {  	[dreg:$0x4] =	wrdreg $0xC0  }
0xab: {  	_ =	task [dreg:s7], $0x5FFFF  }
0xac: {  	[dreg:$0x1] =	wrdreg $0xFFFFFFFF  }
0xad: {  	[dreg:$0x0] =	wrdreg $0x60  }
0xae: {  	[dreg:$0x2] =	wrdreg s24  }
0xaf: {  	[dreg:$0x3] =	wrdreg s2  }
0xb0: {  	[dreg:$0x4] =	wrdreg $0x9  }
0xb1: {  	_ =	task.clear_ibuf [dreg:s7], $0x5FFFF;
	_ =	strace $0x90000046  }
0xb2: {  	s29 =	simm.s32 $0x9;
	_ =	strace $0x80000048  }
0xb3: {  	_ =	swait.ge [sflag:s29], $0x1  }
0xb4: {  	[sflag:s29] =	ssyncadd.s32 $0xFFFFFFFF  }
0xb5: {  	_ =	strace $0x90000048  }
0xb6: {  	_ =	sfence  }
0xb7: {  	s30 =	sld [smem:$0x0];
	_ =	sdelay $0x2  }
0xb8: {  	s31 =	sshll.u32 s1, $0xD;
	s1 =	sshrl.u32 s1, $0x2  }
0xb9: {  	s3 =	sand.u32 $0x4000, s31;
	s1 =	sadd.s32 s1, s30  }
0xba: {  	s0 =	sor.u32 s3, s0;
	s1 =	sshll.u32 s1, $0x11  }
0xbb: {  	s0 =	sor.u32 s1, s0  }
0xbc: {  	s0 =	sadd.s32 $0x8F2B, s0  }
0xbd: {  	[sflag:s0] =	ssyncadd.remote.s32 $0x1  }
0xbe: {  	_ =	sfence.sel $0xFFFF  }
0xbf: {  	[dreg:$0x0] =	wrdreg $0xFFFFFFFF;
	(pc) =	sbr.abs _section_cstart, $3  }
0xc0: {  	[dreg:$0x1] =	wrdreg $0xFFFFFFFF  }
0xc1: {  	_ =	task.clear_ibuf [dreg:s7], $0x2FFFF;
	_ =	strace $0x9FFFFFFF  }
0xc2: {  	(tm) =	ssettm $0x7FFFFFFF  }
0xc3: {  	_ =	shalt  }
tec
execute0_lowered:
.L_overlay_start_1:
0x0: {  	(tag) =	ssettag $0x1  }
0x1: {  	s2 =	srdreg.scid  }
0x2: {  	s4 =	stileid.u32;
	s3 =	sand.u32 $0x1, s2  }
0x3: {  	s4 =	sshll.u32 s4, $0xE;
	s5 =	sshll.u32 s3, $0xD  }
0x4: {  	s0 =	rddreg [dreg:$0x0];
	s4 =	sor.u32 s5, s4  }
0x5: {  	s1 =	rddreg [dreg:$0x1];
	s2 =	simm.s32 $0x0;
	s5 =	sshll.u32 s4, $0x4  }
0x6: {  	[smem:$0x7FF] =	sst s2;
	s6 =	sadd.s32 s5, s0  }
0x7: {  	_ =	strace $0x80000047;
	s4 =	sshrl.u32 s4, $0x3;
	s12 =	sadd.s32 $0x8400, s6  }
0x8: {  	s0 =	sadd.s32 s4, s0;
	s13 =	sadd.s32 $0x9400, s6;
	[dreg:$0x3] =	wrdreg s12  }
0x9: {  	s0 =	sadd.s32 $0x400, s0;
	[dreg:$0x4] =	wrdreg s13  }
0xa: {  	s8 =	simm.s32 $0x2000;
	s14 =	sadd.s32 $0xA400, s6;
	[dreg:$0x5] =	wrdreg s0  }
0xb: {  	s9 =	simm.s32 $0xA000;
	s15 =	sadd.s32 $0xB400, s6;
	[dreg:$0x6] =	wrdreg s14  }
0xc: {  	s10 =	simm.s32 $0x1;
	s16 =	sadd.s32 $0xC400, s6;
	[dreg:$0x7] =	wrdreg s15  }
0xd: {  	s3 =	ssub.s32 $0x2, s3;
	s17 =	sadd.s32 $0xD400, s6;
	[dreg:$0x8] =	wrdreg s16  }
0xe: {  	s11 =	sshrl.u32 s3, $0x1;
	s18 =	sadd.s32 $0xE400, s6;
	[dreg:$0x9] =	wrdreg s17  }
0xf: {  	s7 =	ssub.s32 s3, s11;
	s19 =	sadd.s32 $0xF400, s6;
	[dreg:$0xa] =	wrdreg s18  }
0x10: {  	s11 =	simm.s32 $0x2;
	s20 =	sadd.s32 $0x10400, s6;
	[dreg:$0xb] =	wrdreg s19  }
0x11: {  	s7 =	smax.u32 s7, $0x1;
	s21 =	sadd.s32 $0x11400, s6;
	[dreg:$0xc] =	wrdreg s20  }
0x12: {  	s22 =	sadd.s32 $0x12400, s6;
	s23 =	sadd.s32 $0x13400, s6;
	[dreg:$0xd] =	wrdreg s21  }
0x13: {  	s24 =	sadd.s32 $0x14400, s6;
	s25 =	sadd.s32 $0x15400, s6;
	[dreg:$0xe] =	wrdreg s22  }
0x14: {  	s26 =	sadd.s32 $0x16400, s6;
	s28 =	sadd.s32 $0x1E400, s6;
	[dreg:$0xf] =	wrdreg s23  }
0x15: {  	s29 =	sadd.s32 $0x1F400, s6;
	s30 =	sadd.s32 $0x20400, s6;
	[dreg:$0x10] =	wrdreg s24  }
0x16: {  	s31 =	sadd.s32 $0x21400, s6;
	s3 =	sadd.s32 $0x24400, s6;
	[dreg:$0x11] =	wrdreg s25  }
0x17: {  	s5 =	sadd.s32 $0x26400, s6;
	[dreg:$0x12] =	wrdreg s26;
	s19 =	sadd.s32 $0x17400, s6  }
0x18: {  	s20 =	sadd.s32 $0x18400, s6;
	s21 =	sadd.s32 $0x19400, s6;
	s22 =	sadd.s32 s1, s4  }
0x19: {  	s23 =	sadd.s32 $0x1A400, s6;
	s24 =	sadd.s32 $0x1B400, s6;
	s25 =	sadd.s32 $0x1C400, s6  }
0x1a: {  	s26 =	sadd.s32 $0x1D400, s6;
	s0 =	sadd.s32 $0x22400, s6;
	s1 =	sadd.s32 $0x23400, s6  }
0x1b: {  	v0 =	vlaneseq.u32;
	s4 =	sadd.s32 $0x25400, s6;
	s6 =	sadd.s32 $0x27400, s6;
	s12 =	simm.s32 $0x12000  }
0x1c: {  	v0 =	vmul.u32 $0x80, v0;
	s17 =	simm.s32 $0x1A000;
	s13 =	simm.s32 $0x3;
	s14 =	simm.s32 $0x0  }
.LBB2_1:
0x1d: {  	s15 =	rddreg [dreg:$0x3]  }
0x1e: {  	[tilespmem:s8], [sflag:$0x2] =	stream.linear.gather [hbm4b:s15+s2], $0x8000, $0x38;
	[tilespmem:$0x1C000] =	vst v63  }
0x1f: {  	s18 =	rddreg [dreg:$0x4]  }
0x20: {  	[tilespmem:s9], [sflag:$0x2] =	stream.linear.gather [hbm4b:s18+s2], $0x8000, $0x38;
	[tilespmem:$0x1C000] =	vst v63  }
0x21: {  	s16 =	rddreg [dreg:$0x5]  }
0x22: {  	[tilespmem:s2], [sflag:$0x1] =	stream.linear.gather [hbm4b:s16+s2], $0x2000, $0x38;
	[tilespmem:$0x1C000] =	vst v63  }
0x23: {  	_ =	swait.ge [sflag:s10], $0x2000  }
0x24: {  	[sflag:s10] =	ssyncset.done $0x0  }
0x25: {  	[sflag:s10] =	ssyncadd.s32 $0xFFFFE000  }
0x26: {  	_ =	swait.ge [sflag:s11], $0x8000  }
0x27: {  	[sflag:s11] =	ssyncset.done $0x0  }
0x28: {  	s18 =	rddreg [dreg:$0x6];
	[sflag:s11] =	ssyncadd.s32 $0xFFFF8000  }
0x29: {  	[tilespmem:s12], [sflag:$0x2] =	stream.linear.gather [hbm4b:s18+s2], $0x8000, $0x38;
	[tilespmem:$0x1C000] =	vst v63  }
0x2a: {  	v1 =	vld [tilespmem:s2+$0x0];
	_ =	sdelay $0x2  }
0x2b: {  	v2 =	vmov s2  }
0x2c: {  	v2 =	vshll.u32 v2, $0x7  }
0x2d: {  	v2 =	vor.u32 v0, v2;
	v3 =	vand.u32 $0xFFFFFF80, v1  }
0x2e: {  	v1 =	vand.u32 $0x7F, v1;
	v2 =	vadd.s32 v2, v3  }
0x2f: {  	v1 =	vor.u32 v1, v2;
	_ =	sdelay $0x4  }
0x30: {  	v1 =	vld.idx.msk [tilespmem:v1+s8+$0x0], $0xffff;
	_ =	sdelay $0x4  }
0x31: {  	v1 =	vmul.f32 $9.990000120e-01, v1;
	_ =	sdelay $0x1  }
0x32: {  	s16 =	simm.s32 $0x10;
	[tilespmem:s17+$0x0] =	vst v1  }
0x33: {  	s15 =	simm.s32 $0x1A000;
	s18 =	simm.s32 $0x10;
	s17 =	simm.s32 $0x20;
	v1 =	vld [tilespmem:s16+$0x0]  }
.LBB2_2:
0x34: {  	p0 =	sne.s32 s17, $0xF0;
	_ =	sdelay $0x1  }
0x35: {  	v2 =	vmov s16;
	s16 =	smov.u32 s17  }
0x36: {  	v2 =	vshll.u32 v2, $0x7  }
0x37: {  	v2 =	vor.u32 v0, v2;
	v3 =	vand.u32 $0xFFFFFF80, v1  }
0x38: {  	v1 =	vand.u32 $0x7F, v1;
	v2 =	vadd.s32 v2, v3  }
0x39: {  	v1 =	vor.u32 v1, v2;
	_ =	sdelay $0x4  }
0x3a: {  	v1 =	vld.idx.msk [tilespmem:v1+s8+$0x0], $0xffff;
	_ =	sdelay $0x4  }
.Ltmp0:
0x3b: {  	(pc) =	sbr.rel @p0 .LBB2_2-.Ltmp0, $4  }
0x3c: {  	v1 =	vmul.f32 $9.990000120e-01, v1  }
0x3d: {  	s15 =	sadd.s32 $0x10, s15  }
0x3e: {  	s18 =	sadd.s32 $0x10, s18;
	[tilespmem:s15+$0x0] =	vst v1  }
0x3f: {  	s17 =	sadd.s32 $0x10, s17;
	v1 =	vld [tilespmem:s18+$0x0]  }
0x40: {  	_ =	sdelay $0x1  }
0x41: {  	v2 =	vmov s16  }
0x42: {  	v2 =	vshll.u32 v2, $0x7  }
0x43: {  	v2 =	vor.u32 v0, v2;
	v3 =	vand.u32 $0xFFFFFF80, v1  }
0x44: {  	v1 =	vand.u32 $0x7F, v1;
	v2 =	vadd.s32 v2, v3  }
0x45: {  	v1 =	vor.u32 v1, v2;
	_ =	sdelay $0x4  }
0x46: {  	v1 =	vld.idx.msk [tilespmem:v1+s8+$0x0], $0xffff;
	_ =	sdelay $0x4  }
0x47: {  	v1 =	vmul.f32 $9.990000120e-01, v1  }
0x48: {  	s15 =	sadd.s32 $0x10, s15  }
0x49: {  	[tilespmem:s15+$0x0] =	vst v1  }
0x4a: {  	_ =	swait.ge [sflag:s11], $0x8000  }
0x4b: {  	[sflag:s11] =	ssyncset.done $0x0  }
0x4c: {  	s18 =	simm.s32 $0x100;
	s17 =	rddreg [dreg:$0x7];
	[sflag:s11] =	ssyncadd.s32 $0xFFFF8000  }
0x4d: {  	[tilespmem:s8], [sflag:$0x2] =	stream.linear.gather [hbm4b:s17+s2], $0x8000, $0x38;
	[tilespmem:$0x1C000] =	vst v63  }
0x4e: {  	v1 =	vld [tilespmem:s18+$0x0];
	_ =	sdelay $0x2  }
0x4f: {  	v2 =	vmov s18  }
0x50: {  	v2 =	vshll.u32 v2, $0x7  }
0x51: {  	v2 =	vor.u32 v0, v2;
	v3 =	vand.u32 $0xFFFFFF80, v1  }
0x52: {  	v1 =	vand.u32 $0x7F, v1;
	v2 =	vadd.s32 v2, v3  }
0x53: {  	v1 =	vor.u32 v1, v2;
	_ =	sdelay $0x4  }
0x54: {  	v1 =	vld.idx.msk [tilespmem:v1+s8+$0x0], $0xffff;
	_ =	sdelay $0x4  }
0x55: {  	v1 =	vmul.f32 $9.990000120e-01, v1  }
0x56: {  	s15 =	simm.s32 $0x1A100  }
0x57: {  	s16 =	simm.s32 $0x110;
	[tilespmem:s15+$0x0] =	vst v1  }
0x58: {  	s17 =	simm.s32 $0x120;
	s18 =	simm.s32 $0x110;
	v1 =	vld [tilespmem:s16+$0x0]  }
.LBB2_4:
0x59: {  	p0 =	sne.s32 s17, $0x1F0;
	_ =	sdelay $0x1  }
0x5a: {  	v2 =	vmov s16;
	s16 =	smov.u32 s17  }
0x5b: {  	v2 =	vshll.u32 v2, $0x7  }
0x5c: {  	v2 =	vor.u32 v0, v2;
	v3 =	vand.u32 $0xFFFFFF80, v1  }
0x5d: {  	v1 =	vand.u32 $0x7F, v1;
	v2 =	vadd.s32 v2, v3  }
0x5e: {  	v1 =	vor.u32 v1, v2;
	_ =	sdelay $0x4  }
0x5f: {  	v1 =	vld.idx.msk [tilespmem:v1+s8+$0x0], $0xffff;
	_ =	sdelay $0x4  }
.Ltmp1:
0x60: {  	(pc) =	sbr.rel @p0 .LBB2_4-.Ltmp1, $4  }
0x61: {  	v1 =	vmul.f32 $9.990000120e-01, v1  }
0x62: {  	s15 =	sadd.s32 $0x10, s15  }
0x63: {  	s18 =	sadd.s32 $0x10, s18;
	[tilespmem:s15+$0x0] =	vst v1  }
0x64: {  	s17 =	sadd.s32 $0x10, s17;
	v1 =	vld [tilespmem:s18+$0x0]  }
0x65: {  	_ =	sdelay $0x1  }
0x66: {  	v2 =	vmov s16  }
0x67: {  	v2 =	vshll.u32 v2, $0x7  }
0x68: {  	v2 =	vor.u32 v0, v2;
	v3 =	vand.u32 $0xFFFFFF80, v1  }
0x69: {  	v1 =	vand.u32 $0x7F, v1;
	v2 =	vadd.s32 v2, v3  }
0x6a: {  	v1 =	vor.u32 v1, v2;
	_ =	sdelay $0x4  }
0x6b: {  	v1 =	vld.idx.msk [tilespmem:v1+s8+$0x0], $0xffff;
	_ =	sdelay $0x4  }
0x6c: {  	v1 =	vmul.f32 $9.990000120e-01, v1  }
0x6d: {  	s15 =	sadd.s32 $0x10, s15  }
0x6e: {  	[tilespmem:s15+$0x0] =	vst v1  }
0x6f: {  	_ =	swait.ge [sflag:s11], $0x8000  }
0x70: {  	[sflag:s11] =	ssyncset.done $0x0  }
0x71: {  	s18 =	simm.s32 $0x200;
	s17 =	rddreg [dreg:$0x8];
	[sflag:s11] =	ssyncadd.s32 $0xFFFF8000  }
0x72: {  	[tilespmem:s9], [sflag:$0x2] =	stream.linear.gather [hbm4b:s17+s2], $0x8000, $0x38;
	[tilespmem:$0x1C000] =	vst v63  }
0x73: {  	v1 =	vld [tilespmem:s18+$0x0];
	_ =	sdelay $0x2  }
0x74: {  	v2 =	vmov s18  }
0x75: {  	v2 =	vshll.u32 v2, $0x7  }
0x76: {  	v2 =	vor.u32 v0, v2;
	v3 =	vand.u32 $0xFFFFFF80, v1  }
0x77: {  	v1 =	vand.u32 $0x7F, v1;
	v2 =	vadd.s32 v2, v3  }
0x78: {  	v1 =	vor.u32 v1, v2;
	_ =	sdelay $0x4  }
0x79: {  	v1 =	vld.idx.msk [tilespmem:v1+s8+$0x0], $0xffff;
	_ =	sdelay $0x4  }
0x7a: {  	v1 =	vmul.f32 $9.990000120e-01, v1  }
0x7b: {  	s15 =	simm.s32 $0x1A200  }
0x7c: {  	s16 =	simm.s32 $0x210;
	[tilespmem:s15+$0x0] =	vst v1  }
0x7d: {  	s17 =	simm.s32 $0x220;
	s18 =	simm.s32 $0x210;
	v1 =	vld [tilespmem:s16+$0x0]  }
.LBB2_6:
0x7e: {  	p0 =	sne.s32 s17, $0x2F0;
	_ =	sdelay $0x1  }
0x7f: {  	v2 =	vmov s16;
	s16 =	smov.u32 s17  }
0x80: {  	v2 =	vshll.u32 v2, $0x7  }
0x81: {  	v2 =	vor.u32 v0, v2;
	v3 =	vand.u32 $0xFFFFFF80, v1  }
0x82: {  	v1 =	vand.u32 $0x7F, v1;
	v2 =	vadd.s32 v2, v3  }
0x83: {  	v1 =	vor.u32 v1, v2;
	_ =	sdelay $0x4  }
0x84: {  	v1 =	vld.idx.msk [tilespmem:v1+s8+$0x0], $0xffff;
	_ =	sdelay $0x4  }
.Ltmp2:
0x85: {  	(pc) =	sbr.rel @p0 .LBB2_6-.Ltmp2, $4  }
0x86: {  	v1 =	vmul.f32 $9.990000120e-01, v1  }
0x87: {  	s15 =	sadd.s32 $0x10, s15  }
0x88: {  	s18 =	sadd.s32 $0x10, s18;
	[tilespmem:s15+$0x0] =	vst v1  }
0x89: {  	s17 =	sadd.s32 $0x10, s17;
	v1 =	vld [tilespmem:s18+$0x0]  }
0x8a: {  	_ =	sdelay $0x1  }
0x8b: {  	v2 =	vmov s16  }
0x8c: {  	v2 =	vshll.u32 v2, $0x7  }
0x8d: {  	v2 =	vor.u32 v0, v2;
	v3 =	vand.u32 $0xFFFFFF80, v1  }
0x8e: {  	v1 =	vand.u32 $0x7F, v1;
	v2 =	vadd.s32 v2, v3  }
0x8f: {  	v1 =	vor.u32 v1, v2;
	_ =	sdelay $0x4  }
0x90: {  	v1 =	vld.idx.msk [tilespmem:v1+s8+$0x0], $0xffff;
	_ =	sdelay $0x4  }
0x91: {  	v1 =	vmul.f32 $9.990000120e-01, v1  }
0x92: {  	s15 =	sadd.s32 $0x10, s15  }
0x93: {  	[tilespmem:s15+$0x0] =	vst v1  }
0x94: {  	_ =	swait.ge [sflag:s11], $0x8000  }
0x95: {  	s18 =	simm.s32 $0x300;
	[sflag:s11] =	ssyncset.done $0x0  }
0x96: {  	s15 =	simm.s32 $0x0;
	s17 =	rddreg [dreg:$0x9];
	[sflag:s11] =	ssyncadd.s32 $0xFFFF8000  }
0x97: {  	[tilespmem:s12], [sflag:$0x2] =	stream.linear.gather [hbm4b:s17+s15], $0x8000, $0x38;
	[tilespmem:$0x1C000] =	vst v63  }
0x98: {  	v1 =	vld [tilespmem:s18+$0x0];
	_ =	sdelay $0x2  }
0x99: {  	v2 =	vmov s15  }
0x9a: {  	v2 =	vshll.u32 v2, $0x7  }
0x9b: {  	v2 =	vor.u32 v0, v2;
	v3 =	vand.u32 $0xFFFFFF80, v1  }
0x9c: {  	v1 =	vand.u32 $0x7F, v1;
	v2 =	vadd.s32 v2, v3  }
0x9d: {  	v1 =	vor.u32 v1, v2;
	_ =	sdelay $0x4  }
0x9e: {  	v1 =	vld.idx.msk [tilespmem:v1+s8+$0x0], $0xffff;
	_ =	sdelay $0x4  }
0x9f: {  	v1 =	vmul.f32 $9.990000120e-01, v1  }
0xa0: {  	s15 =	simm.s32 $0x1A300  }
0xa1: {  	s16 =	simm.s32 $0x310;
	[tilespmem:s15+$0x0] =	vst v1  }
0xa2: {  	s17 =	simm.s32 $0x10;
	s18 =	simm.s32 $0x20;
	v1 =	vld [tilespmem:s16+$0x0]  }
.LBB2_8:
0xa3: {  	p0 =	sne.s32 s18, $0xF0;
	_ =	sdelay $0x1  }
0xa4: {  	v2 =	vmov s17;
	s17 =	smov.u32 s18  }
0xa5: {  	v2 =	vshll.u32 v2, $0x7  }
0xa6: {  	v2 =	vor.u32 v0, v2;
	v3 =	vand.u32 $0xFFFFFF80, v1  }
0xa7: {  	v1 =	vand.u32 $0x7F, v1;
	v2 =	vadd.s32 v2, v3  }
0xa8: {  	v1 =	vor.u32 v1, v2;
	_ =	sdelay $0x4  }
0xa9: {  	v1 =	vld.idx.msk [tilespmem:v1+s8+$0x0], $0xffff;
	_ =	sdelay $0x4  }
.Ltmp3:
0xaa: {  	(pc) =	sbr.rel @p0 .LBB2_8-.Ltmp3, $4  }
0xab: {  	v1 =	vmul.f32 $9.990000120e-01, v1  }
0xac: {  	s15 =	sadd.s32 $0x10, s15  }
0xad: {  	s16 =	sadd.s32 $0x10, s16;
	[tilespmem:s15+$0x0] =	vst v1  }
0xae: {  	s18 =	sadd.s32 $0x10, s18;
	v1 =	vld [tilespmem:s16+$0x0]  }
0xaf: {  	_ =	sdelay $0x1  }
0xb0: {  	v2 =	vmov s17  }
0xb1: {  	v2 =	vshll.u32 v2, $0x7  }
0xb2: {  	v2 =	vor.u32 v0, v2;
	v3 =	vand.u32 $0xFFFFFF80, v1  }
0xb3: {  	v1 =	vand.u32 $0x7F, v1;
	v2 =	vadd.s32 v2, v3  }
0xb4: {  	v1 =	vor.u32 v1, v2;
	_ =	sdelay $0x4  }
0xb5: {  	v1 =	vld.idx.msk [tilespmem:v1+s8+$0x0], $0xffff;
	_ =	sdelay $0x4  }
0xb6: {  	v1 =	vmul.f32 $9.990000120e-01, v1  }
0xb7: {  	s15 =	sadd.s32 $0x10, s15  }
0xb8: {  	[tilespmem:s15+$0x0] =	vst v1  }
0xb9: {  	_ =	swait.ge [sflag:s11], $0x8000  }
0xba: {  	[sflag:s11] =	ssyncset.done $0x0  }
0xbb: {  	s17 =	simm.s32 $0x400;
	s16 =	rddreg [dreg:$0xa];
	[sflag:s11] =	ssyncadd.s32 $0xFFFF8000  }
0xbc: {  	[tilespmem:s8], [sflag:$0x2] =	stream.linear.gather [hbm4b:s16+s2], $0x8000, $0x38;
	[tilespmem:$0x1C000] =	vst v63  }
0xbd: {  	v1 =	vld [tilespmem:s17+$0x0];
	_ =	sdelay $0x1  }
0xbe: {  	s18 =	simm.s32 $0x100  }
0xbf: {  	v2 =	vmov s18  }
0xc0: {  	v2 =	vshll.u32 v2, $0x7  }
0xc1: {  	v2 =	vor.u32 v0, v2;
	v3 =	vand.u32 $0xFFFFFF80, v1  }
0xc2: {  	v1 =	vand.u32 $0x7F, v1;
	v2 =	vadd.s32 v2, v3  }
0xc3: {  	v1 =	vor.u32 v1, v2;
	_ =	sdelay $0x4  }
0xc4: {  	v1 =	vld.idx.msk [tilespmem:v1+s8+$0x0], $0xffff;
	_ =	sdelay $0x4  }
0xc5: {  	v1 =	vmul.f32 $9.990000120e-01, v1  }
0xc6: {  	s15 =	simm.s32 $0x1A400  }
0xc7: {  	s16 =	simm.s32 $0x410;
	[tilespmem:s15+$0x0] =	vst v1  }
0xc8: {  	s18 =	simm.s32 $0x120;
	s17 =	simm.s32 $0x110;
	v1 =	vld [tilespmem:s16+$0x0]  }
.LBB2_10:
0xc9: {  	p0 =	sne.s32 s18, $0x1F0;
	_ =	sdelay $0x1  }
0xca: {  	v2 =	vmov s17;
	s17 =	smov.u32 s18  }
0xcb: {  	v2 =	vshll.u32 v2, $0x7  }
0xcc: {  	v2 =	vor.u32 v0, v2;
	v3 =	vand.u32 $0xFFFFFF80, v1  }
0xcd: {  	v1 =	vand.u32 $0x7F, v1;
	v2 =	vadd.s32 v2, v3  }
0xce: {  	v1 =	vor.u32 v1, v2;
	_ =	sdelay $0x4  }
0xcf: {  	v1 =	vld.idx.msk [tilespmem:v1+s8+$0x0], $0xffff;
	_ =	sdelay $0x4  }
.Ltmp4:
0xd0: {  	(pc) =	sbr.rel @p0 .LBB2_10-.Ltmp4, $4  }
0xd1: {  	v1 =	vmul.f32 $9.990000120e-01, v1  }
0xd2: {  	s15 =	sadd.s32 $0x10, s15  }
0xd3: {  	s16 =	sadd.s32 $0x10, s16;
	[tilespmem:s15+$0x0] =	vst v1  }
0xd4: {  	s18 =	sadd.s32 $0x10, s18;
	v1 =	vld [tilespmem:s16+$0x0]  }
0xd5: {  	_ =	sdelay $0x1  }
0xd6: {  	v2 =	vmov s17  }
0xd7: {  	v2 =	vshll.u32 v2, $0x7  }
0xd8: {  	v2 =	vor.u32 v0, v2;
	v3 =	vand.u32 $0xFFFFFF80, v1  }
0xd9: {  	v1 =	vand.u32 $0x7F, v1;
	v2 =	vadd.s32 v2, v3  }
0xda: {  	v1 =	vor.u32 v1, v2;
	_ =	sdelay $0x4  }
0xdb: {  	v1 =	vld.idx.msk [tilespmem:v1+s8+$0x0], $0xffff;
	_ =	sdelay $0x4  }
0xdc: {  	v1 =	vmul.f32 $9.990000120e-01, v1  }
0xdd: {  	s15 =	sadd.s32 $0x10, s15  }
0xde: {  	[tilespmem:s15+$0x0] =	vst v1  }
0xdf: {  	_ =	swait.ge [sflag:s11], $0x8000  }
0xe0: {  	[sflag:s11] =	ssyncset.done $0x0  }
0xe1: {  	s17 =	simm.s32 $0x500;
	s16 =	rddreg [dreg:$0xb];
	[sflag:s11] =	ssyncadd.s32 $0xFFFF8000  }
0xe2: {  	[tilespmem:s9], [sflag:$0x2] =	stream.linear.gather [hbm4b:s16+s2], $0x8000, $0x38;
	[tilespmem:$0x1C000] =	vst v63  }
0xe3: {  	v1 =	vld [tilespmem:s17+$0x0];
	_ =	sdelay $0x1  }
0xe4: {  	s18 =	simm.s32 $0x200  }
0xe5: {  	v2 =	vmov s18  }
0xe6: {  	v2 =	vshll.u32 v2, $0x7  }
0xe7: {  	v2 =	vor.u32 v0, v2;
	v3 =	vand.u32 $0xFFFFFF80, v1  }
0xe8: {  	v1 =	vand.u32 $0x7F, v1;
	v2 =	vadd.s32 v2, v3  }
0xe9: {  	v1 =	vor.u32 v1, v2;
	_ =	sdelay $0x4  }
0xea: {  	v1 =	vld.idx.msk [tilespmem:v1+s8+$0x0], $0xffff;
	_ =	sdelay $0x4  }
0xeb: {  	v1 =	vmul.f32 $9.990000120e-01, v1  }
0xec: {  	s15 =	simm.s32 $0x1A500  }
0xed: {  	s16 =	simm.s32 $0x510;
	[tilespmem:s15+$0x0] =	vst v1  }
0xee: {  	s18 =	simm.s32 $0x220;
	s17 =	simm.s32 $0x210;
	v1 =	vld [tilespmem:s16+$0x0]  }
.LBB2_12:
0xef: {  	p0 =	sne.s32 s18, $0x2F0;
	_ =	sdelay $0x1  }
0xf0: {  	v2 =	vmov s17;
	s17 =	smov.u32 s18  }
0xf1: {  	v2 =	vshll.u32 v2, $0x7  }
0xf2: {  	v2 =	vor.u32 v0, v2;
	v3 =	vand.u32 $0xFFFFFF80, v1  }
0xf3: {  	v1 =	vand.u32 $0x7F, v1;
	v2 =	vadd.s32 v2, v3  }
0xf4: {  	v1 =	vor.u32 v1, v2;
	_ =	sdelay $0x4  }
0xf5: {  	v1 =	vld.idx.msk [tilespmem:v1+s8+$0x0], $0xffff;
	_ =	sdelay $0x4  }
.Ltmp5:
0xf6: {  	(pc) =	sbr.rel @p0 .LBB2_12-.Ltmp5, $4  }
0xf7: {  	v1 =	vmul.f32 $9.990000120e-01, v1  }
0xf8: {  	s15 =	sadd.s32 $0x10, s15  }
0xf9: {  	s16 =	sadd.s32 $0x10, s16;
	[tilespmem:s15+$0x0] =	vst v1  }
0xfa: {  	s18 =	sadd.s32 $0x10, s18;
	v1 =	vld [tilespmem:s16+$0x0]  }
0xfb: {  	_ =	sdelay $0x1  }
0xfc: {  	v2 =	vmov s17  }
0xfd: {  	v2 =	vshll.u32 v2, $0x7  }
0xfe: {  	v2 =	vor.u32 v0, v2;
	v3 =	vand.u32 $0xFFFFFF80, v1  }
0xff: {  	v1 =	vand.u32 $0x7F, v1;
	v2 =	vadd.s32 v2, v3  }
0x100: {  	v1 =	vor.u32 v1, v2;
	_ =	sdelay $0x4  }
0x101: {  	v1 =	vld.idx.msk [tilespmem:v1+s8+$0x0], $0xffff;
	_ =	sdelay $0x4  }
0x102: {  	v1 =	vmul.f32 $9.990000120e-01, v1  }
0x103: {  	s15 =	sadd.s32 $0x10, s15  }
0x104: {  	[tilespmem:s15+$0x0] =	vst v1  }
0x105: {  	_ =	swait.ge [sflag:s11], $0x8000  }
0x106: {  	s17 =	simm.s32 $0x0;
	[sflag:s11] =	ssyncset.done $0x0  }
0x107: {  	s18 =	simm.s32 $0x600;
	s16 =	rddreg [dreg:$0xc];
	[sflag:s11] =	ssyncadd.s32 $0xFFFF8000  }
0x108: {  	[tilespmem:s12], [sflag:$0x2] =	stream.linear.gather [hbm4b:s16+s17], $0x8000, $0x38;
	[tilespmem:$0x1C000] =	vst v63  }
0x109: {  	v1 =	vld [tilespmem:s18+$0x0];
	_ =	sdelay $0x2  }
0x10a: {  	v2 =	vmov s17  }
0x10b: {  	v2 =	vshll.u32 v2, $0x7  }
0x10c: {  	v2 =	vor.u32 v0, v2;
	v3 =	vand.u32 $0xFFFFFF80, v1  }
0x10d: {  	v1 =	vand.u32 $0x7F, v1;
	v2 =	vadd.s32 v2, v3  }
0x10e: {  	v1 =	vor.u32 v1, v2;
	_ =	sdelay $0x4  }
0x10f: {  	v1 =	vld.idx.msk [tilespmem:v1+s8+$0x0], $0xffff;
	_ =	sdelay $0x4  }
0x110: {  	v1 =	vmul.f32 $9.990000120e-01, v1  }
0x111: {  	s15 =	simm.s32 $0x1A600  }
0x112: {  	s16 =	simm.s32 $0x610;
	[tilespmem:s15+$0x0] =	vst v1  }
0x113: {  	s17 =	simm.s32 $0x10;
	s18 =	simm.s32 $0x20;
	v1 =	vld [tilespmem:s16+$0x0]  }
.LBB2_14:
0x114: {  	p0 =	sne.s32 s18, $0xF0;
	_ =	sdelay $0x1  }
0x115: {  	v2 =	vmov s17;
	s17 =	smov.u32 s18  }
0x116: {  	v2 =	vshll.u32 v2, $0x7  }
0x117: {  	v2 =	vor.u32 v0, v2;
	v3 =	vand.u32 $0xFFFFFF80, v1  }
0x118: {  	v1 =	vand.u32 $0x7F, v1;
	v2 =	vadd.s32 v2, v3  }
0x119: {  	v1 =	vor.u32 v1, v2;
	_ =	sdelay $0x4  }
0x11a: {  	v1 =	vld.idx.msk [tilespmem:v1+s8+$0x0], $0xffff;
	_ =	sdelay $0x4  }
.Ltmp6:
0x11b: {  	(pc) =	sbr.rel @p0 .LBB2_14-.Ltmp6, $4  }
0x11c: {  	v1 =	vmul.f32 $9.990000120e-01, v1  }
0x11d: {  	s15 =	sadd.s32 $0x10, s15  }
0x11e: {  	s16 =	sadd.s32 $0x10, s16;
	[tilespmem:s15+$0x0] =	vst v1  }
0x11f: {  	s18 =	sadd.s32 $0x10, s18;
	v1 =	vld [tilespmem:s16+$0x0]  }
0x120: {  	_ =	sdelay $0x1  }
0x121: {  	v2 =	vmov s17  }
0x122: {  	v2 =	vshll.u32 v2, $0x7  }
0x123: {  	v2 =	vor.u32 v0, v2;
	v3 =	vand.u32 $0xFFFFFF80, v1  }
0x124: {  	v1 =	vand.u32 $0x7F, v1;
	v2 =	vadd.s32 v2, v3  }
0x125: {  	v1 =	vor.u32 v1, v2;
	_ =	sdelay $0x4  }
0x126: {  	v1 =	vld.idx.msk [tilespmem:v1+s8+$0x0], $0xffff;
	_ =	sdelay $0x4  }
0x127: {  	v1 =	vmul.f32 $9.990000120e-01, v1  }
0x128: {  	s15 =	sadd.s32 $0x10, s15  }
0x129: {  	[tilespmem:s15+$0x0] =	vst v1  }
0x12a: {  	_ =	swait.ge [sflag:s11], $0x8000  }
0x12b: {  	[sflag:s11] =	ssyncset.done $0x0  }
0x12c: {  	s17 =	simm.s32 $0x700;
	s16 =	rddreg [dreg:$0xd];
	[sflag:s11] =	ssyncadd.s32 $0xFFFF8000  }
0x12d: {  	[tilespmem:s8], [sflag:$0x2] =	stream.linear.gather [hbm4b:s16+s2], $0x8000, $0x38;
	[tilespmem:$0x1C000] =	vst v63  }
0x12e: {  	v1 =	vld [tilespmem:s17+$0x0];
	_ =	sdelay $0x1  }
0x12f: {  	s18 =	simm.s32 $0x100  }
0x130: {  	v2 =	vmov s18  }
0x131: {  	v2 =	vshll.u32 v2, $0x7  }
0x132: {  	v2 =	vor.u32 v0, v2;
	v3 =	vand.u32 $0xFFFFFF80, v1  }
0x133: {  	v1 =	vand.u32 $0x7F, v1;
	v2 =	vadd.s32 v2, v3  }
0x134: {  	v1 =	vor.u32 v1, v2;
	_ =	sdelay $0x4  }
0x135: {  	v1 =	vld.idx.msk [tilespmem:v1+s8+$0x0], $0xffff;
	_ =	sdelay $0x4  }
0x136: {  	v1 =	vmul.f32 $9.990000120e-01, v1  }
0x137: {  	s15 =	simm.s32 $0x1A700  }
0x138: {  	s16 =	simm.s32 $0x710;
	[tilespmem:s15+$0x0] =	vst v1  }
0x139: {  	s18 =	simm.s32 $0x120;
	s17 =	simm.s32 $0x110;
	v1 =	vld [tilespmem:s16+$0x0]  }
.LBB2_16:
0x13a: {  	p0 =	sne.s32 s18, $0x1F0;
	_ =	sdelay $0x1  }
0x13b: {  	v2 =	vmov s17;
	s17 =	smov.u32 s18  }
0x13c: {  	v2 =	vshll.u32 v2, $0x7  }
0x13d: {  	v2 =	vor.u32 v0, v2;
	v3 =	vand.u32 $0xFFFFFF80, v1  }
0x13e: {  	v1 =	vand.u32 $0x7F, v1;
	v2 =	vadd.s32 v2, v3  }
0x13f: {  	v1 =	vor.u32 v1, v2;
	_ =	sdelay $0x4  }
0x140: {  	v1 =	vld.idx.msk [tilespmem:v1+s8+$0x0], $0xffff;
	_ =	sdelay $0x4  }
.Ltmp7:
0x141: {  	(pc) =	sbr.rel @p0 .LBB2_16-.Ltmp7, $4  }
0x142: {  	v1 =	vmul.f32 $9.990000120e-01, v1  }
0x143: {  	s15 =	sadd.s32 $0x10, s15  }
0x144: {  	s16 =	sadd.s32 $0x10, s16;
	[tilespmem:s15+$0x0] =	vst v1  }
0x145: {  	s18 =	sadd.s32 $0x10, s18;
	v1 =	vld [tilespmem:s16+$0x0]  }
0x146: {  	_ =	sdelay $0x1  }
0x147: {  	v2 =	vmov s17  }
0x148: {  	v2 =	vshll.u32 v2, $0x7  }
0x149: {  	v2 =	vor.u32 v0, v2;
	v3 =	vand.u32 $0xFFFFFF80, v1  }
0x14a: {  	v1 =	vand.u32 $0x7F, v1;
	v2 =	vadd.s32 v2, v3  }
0x14b: {  	v1 =	vor.u32 v1, v2;
	_ =	sdelay $0x4  }
0x14c: {  	v1 =	vld.idx.msk [tilespmem:v1+s8+$0x0], $0xffff;
	_ =	sdelay $0x4  }
0x14d: {  	v1 =	vmul.f32 $9.990000120e-01, v1  }
0x14e: {  	s15 =	sadd.s32 $0x10, s15  }
0x14f: {  	[tilespmem:s15+$0x0] =	vst v1  }
0x150: {  	_ =	swait.ge [sflag:s11], $0x8000  }
0x151: {  	[sflag:s11] =	ssyncset.done $0x0  }
0x152: {  	s17 =	simm.s32 $0x800;
	s16 =	rddreg [dreg:$0xe];
	[sflag:s11] =	ssyncadd.s32 $0xFFFF8000  }
0x153: {  	[tilespmem:s9], [sflag:$0x2] =	stream.linear.gather [hbm4b:s16+s2], $0x8000, $0x38;
	[tilespmem:$0x1C000] =	vst v63  }
0x154: {  	v1 =	vld [tilespmem:s17+$0x0];
	_ =	sdelay $0x1  }
0x155: {  	s18 =	simm.s32 $0x200  }
0x156: {  	v2 =	vmov s18  }
0x157: {  	v2 =	vshll.u32 v2, $0x7  }
0x158: {  	v2 =	vor.u32 v0, v2;
	v3 =	vand.u32 $0xFFFFFF80, v1  }
0x159: {  	v1 =	vand.u32 $0x7F, v1;
	v2 =	vadd.s32 v2, v3  }
0x15a: {  	v1 =	vor.u32 v1, v2;
	_ =	sdelay $0x4  }
0x15b: {  	v1 =	vld.idx.msk [tilespmem:v1+s8+$0x0], $0xffff;
	_ =	sdelay $0x4  }
0x15c: {  	v1 =	vmul.f32 $9.990000120e-01, v1  }
0x15d: {  	s15 =	simm.s32 $0x1A800  }
0x15e: {  	s16 =	simm.s32 $0x810;
	[tilespmem:s15+$0x0] =	vst v1  }
0x15f: {  	s18 =	simm.s32 $0x220;
	s17 =	simm.s32 $0x210;
	v1 =	vld [tilespmem:s16+$0x0]  }
.LBB2_18:
0x160: {  	p0 =	sne.s32 s18, $0x2F0;
	_ =	sdelay $0x1  }
0x161: {  	v2 =	vmov s17;
	s17 =	smov.u32 s18  }
0x162: {  	v2 =	vshll.u32 v2, $0x7  }
0x163: {  	v2 =	vor.u32 v0, v2;
	v3 =	vand.u32 $0xFFFFFF80, v1  }
0x164: {  	v1 =	vand.u32 $0x7F, v1;
	v2 =	vadd.s32 v2, v3  }
0x165: {  	v1 =	vor.u32 v1, v2;
	_ =	sdelay $0x4  }
0x166: {  	v1 =	vld.idx.msk [tilespmem:v1+s8+$0x0], $0xffff;
	_ =	sdelay $0x4  }
.Ltmp8:
0x167: {  	(pc) =	sbr.rel @p0 .LBB2_18-.Ltmp8, $4  }
0x168: {  	v1 =	vmul.f32 $9.990000120e-01, v1  }
0x169: {  	s15 =	sadd.s32 $0x10, s15  }
0x16a: {  	s16 =	sadd.s32 $0x10, s16;
	[tilespmem:s15+$0x0] =	vst v1  }
0x16b: {  	s18 =	sadd.s32 $0x10, s18;
	v1 =	vld [tilespmem:s16+$0x0]  }
0x16c: {  	_ =	sdelay $0x1  }
0x16d: {  	v2 =	vmov s17  }
0x16e: {  	v2 =	vshll.u32 v2, $0x7  }
0x16f: {  	v2 =	vor.u32 v0, v2;
	v3 =	vand.u32 $0xFFFFFF80, v1  }
0x170: {  	v1 =	vand.u32 $0x7F, v1;
	v2 =	vadd.s32 v2, v3  }
0x171: {  	v1 =	vor.u32 v1, v2;
	_ =	sdelay $0x4  }
0x172: {  	v1 =	vld.idx.msk [tilespmem:v1+s8+$0x0], $0xffff;
	_ =	sdelay $0x4  }
0x173: {  	v1 =	vmul.f32 $9.990000120e-01, v1  }
0x174: {  	s15 =	sadd.s32 $0x10, s15  }
0x175: {  	[tilespmem:s15+$0x0] =	vst v1  }
0x176: {  	_ =	swait.ge [sflag:s11], $0x8000  }
0x177: {  	s17 =	simm.s32 $0x0;
	[sflag:s11] =	ssyncset.done $0x0  }
0x178: {  	s18 =	simm.s32 $0x900;
	s16 =	rddreg [dreg:$0xf];
	[sflag:s11] =	ssyncadd.s32 $0xFFFF8000  }
0x179: {  	[tilespmem:s12], [sflag:$0x2] =	stream.linear.gather [hbm4b:s16+s17], $0x8000, $0x38;
	[tilespmem:$0x1C000] =	vst v63  }
0x17a: {  	v1 =	vld [tilespmem:s18+$0x0];
	_ =	sdelay $0x2  }
0x17b: {  	v2 =	vmov s17  }
0x17c: {  	v2 =	vshll.u32 v2, $0x7  }
0x17d: {  	v2 =	vor.u32 v0, v2;
	v3 =	vand.u32 $0xFFFFFF80, v1  }
0x17e: {  	v1 =	vand.u32 $0x7F, v1;
	v2 =	vadd.s32 v2, v3  }
0x17f: {  	v1 =	vor.u32 v1, v2;
	_ =	sdelay $0x4  }
0x180: {  	v1 =	vld.idx.msk [tilespmem:v1+s8+$0x0], $0xffff;
	_ =	sdelay $0x4  }
0x181: {  	v1 =	vmul.f32 $9.990000120e-01, v1  }
0x182: {  	s15 =	simm.s32 $0x1A900  }
0x183: {  	s16 =	simm.s32 $0x910;
	[tilespmem:s15+$0x0] =	vst v1  }
0x184: {  	s17 =	simm.s32 $0x10;
	s18 =	simm.s32 $0x20;
	v1 =	vld [tilespmem:s16+$0x0]  }
.LBB2_20:
0x185: {  	p0 =	sne.s32 s18, $0xF0;
	_ =	sdelay $0x1  }
0x186: {  	v2 =	vmov s17;
	s17 =	smov.u32 s18  }
0x187: {  	v2 =	vshll.u32 v2, $0x7  }
0x188: {  	v2 =	vor.u32 v0, v2;
	v3 =	vand.u32 $0xFFFFFF80, v1  }
0x189: {  	v1 =	vand.u32 $0x7F, v1;
	v2 =	vadd.s32 v2, v3  }
0x18a: {  	v1 =	vor.u32 v1, v2;
	_ =	sdelay $0x4  }
0x18b: {  	v1 =	vld.idx.msk [tilespmem:v1+s8+$0x0], $0xffff;
	_ =	sdelay $0x4  }
.Ltmp9:
0x18c: {  	(pc) =	sbr.rel @p0 .LBB2_20-.Ltmp9, $4  }
0x18d: {  	v1 =	vmul.f32 $9.990000120e-01, v1  }
0x18e: {  	s15 =	sadd.s32 $0x10, s15  }
0x18f: {  	s16 =	sadd.s32 $0x10, s16;
	[tilespmem:s15+$0x0] =	vst v1  }
0x190: {  	s18 =	sadd.s32 $0x10, s18;
	v1 =	vld [tilespmem:s16+$0x0]  }
0x191: {  	_ =	sdelay $0x1  }
0x192: {  	v2 =	vmov s17  }
0x193: {  	v2 =	vshll.u32 v2, $0x7  }
0x194: {  	v2 =	vor.u32 v0, v2;
	v3 =	vand.u32 $0xFFFFFF80, v1  }
0x195: {  	v1 =	vand.u32 $0x7F, v1;
	v2 =	vadd.s32 v2, v3  }
0x196: {  	v1 =	vor.u32 v1, v2;
	_ =	sdelay $0x4  }
0x197: {  	v1 =	vld.idx.msk [tilespmem:v1+s8+$0x0], $0xffff;
	_ =	sdelay $0x4  }
0x198: {  	v1 =	vmul.f32 $9.990000120e-01, v1  }
0x199: {  	s15 =	sadd.s32 $0x10, s15  }
0x19a: {  	[tilespmem:s15+$0x0] =	vst v1  }
0x19b: {  	_ =	swait.ge [sflag:s11], $0x8000  }
0x19c: {  	[sflag:s11] =	ssyncset.done $0x0  }
0x19d: {  	s17 =	simm.s32 $0xA00;
	s16 =	rddreg [dreg:$0x10];
	[sflag:s11] =	ssyncadd.s32 $0xFFFF8000  }
0x19e: {  	[tilespmem:s8], [sflag:$0x2] =	stream.linear.gather [hbm4b:s16+s2], $0x8000, $0x38;
	[tilespmem:$0x1C000] =	vst v63  }
0x19f: {  	v1 =	vld [tilespmem:s17+$0x0];
	_ =	sdelay $0x1  }
0x1a0: {  	s18 =	simm.s32 $0x100  }
0x1a1: {  	v2 =	vmov s18  }
0x1a2: {  	v2 =	vshll.u32 v2, $0x7  }
0x1a3: {  	v2 =	vor.u32 v0, v2;
	v3 =	vand.u32 $0xFFFFFF80, v1  }
0x1a4: {  	v1 =	vand.u32 $0x7F, v1;
	v2 =	vadd.s32 v2, v3  }
0x1a5: {  	v1 =	vor.u32 v1, v2;
	_ =	sdelay $0x4  }
0x1a6: {  	v1 =	vld.idx.msk [tilespmem:v1+s8+$0x0], $0xffff;
	_ =	sdelay $0x4  }
0x1a7: {  	v1 =	vmul.f32 $9.990000120e-01, v1  }
0x1a8: {  	s15 =	simm.s32 $0x1AA00  }
0x1a9: {  	s16 =	simm.s32 $0xA10;
	[tilespmem:s15+$0x0] =	vst v1  }
0x1aa: {  	s18 =	simm.s32 $0x120;
	s17 =	simm.s32 $0x110;
	v1 =	vld [tilespmem:s16+$0x0]  }
.LBB2_22:
0x1ab: {  	p0 =	sne.s32 s18, $0x1F0;
	_ =	sdelay $0x1  }
0x1ac: {  	v2 =	vmov s17;
	s17 =	smov.u32 s18  }
0x1ad: {  	v2 =	vshll.u32 v2, $0x7  }
0x1ae: {  	v2 =	vor.u32 v0, v2;
	v3 =	vand.u32 $0xFFFFFF80, v1  }
0x1af: {  	v1 =	vand.u32 $0x7F, v1;
	v2 =	vadd.s32 v2, v3  }
0x1b0: {  	v1 =	vor.u32 v1, v2;
	_ =	sdelay $0x4  }
0x1b1: {  	v1 =	vld.idx.msk [tilespmem:v1+s8+$0x0], $0xffff;
	_ =	sdelay $0x4  }
.Ltmp10:
0x1b2: {  	(pc) =	sbr.rel @p0 .LBB2_22-.Ltmp10, $4  }
0x1b3: {  	v1 =	vmul.f32 $9.990000120e-01, v1  }
0x1b4: {  	s15 =	sadd.s32 $0x10, s15  }
0x1b5: {  	s16 =	sadd.s32 $0x10, s16;
	[tilespmem:s15+$0x0] =	vst v1  }
0x1b6: {  	s18 =	sadd.s32 $0x10, s18;
	v1 =	vld [tilespmem:s16+$0x0]  }
0x1b7: {  	_ =	sdelay $0x1  }
0x1b8: {  	v2 =	vmov s17  }
0x1b9: {  	v2 =	vshll.u32 v2, $0x7  }
0x1ba: {  	v2 =	vor.u32 v0, v2;
	v3 =	vand.u32 $0xFFFFFF80, v1  }
0x1bb: {  	v1 =	vand.u32 $0x7F, v1;
	v2 =	vadd.s32 v2, v3  }
0x1bc: {  	v1 =	vor.u32 v1, v2;
	_ =	sdelay $0x4  }
0x1bd: {  	v1 =	vld.idx.msk [tilespmem:v1+s8+$0x0], $0xffff;
	_ =	sdelay $0x4  }
0x1be: {  	v1 =	vmul.f32 $9.990000120e-01, v1  }
0x1bf: {  	s15 =	sadd.s32 $0x10, s15  }
0x1c0: {  	[tilespmem:s15+$0x0] =	vst v1  }
0x1c1: {  	_ =	swait.ge [sflag:s11], $0x8000  }
0x1c2: {  	[sflag:s11] =	ssyncset.done $0x0  }
0x1c3: {  	s17 =	simm.s32 $0xB00;
	s16 =	rddreg [dreg:$0x11];
	[sflag:s11] =	ssyncadd.s32 $0xFFFF8000  }
0x1c4: {  	[tilespmem:s9], [sflag:$0x2] =	stream.linear.gather [hbm4b:s16+s2], $0x8000, $0x38;
	[tilespmem:$0x1C000] =	vst v63  }
0x1c5: {  	v1 =	vld [tilespmem:s17+$0x0];
	_ =	sdelay $0x1  }
0x1c6: {  	s18 =	simm.s32 $0x200  }
0x1c7: {  	v2 =	vmov s18  }
0x1c8: {  	v2 =	vshll.u32 v2, $0x7  }
0x1c9: {  	v2 =	vor.u32 v0, v2;
	v3 =	vand.u32 $0xFFFFFF80, v1  }
0x1ca: {  	v1 =	vand.u32 $0x7F, v1;
	v2 =	vadd.s32 v2, v3  }
0x1cb: {  	v1 =	vor.u32 v1, v2;
	_ =	sdelay $0x4  }
0x1cc: {  	v1 =	vld.idx.msk [tilespmem:v1+s8+$0x0], $0xffff;
	_ =	sdelay $0x4  }
0x1cd: {  	v1 =	vmul.f32 $9.990000120e-01, v1  }
0x1ce: {  	s15 =	simm.s32 $0x1AB00  }
0x1cf: {  	s16 =	simm.s32 $0xB10;
	[tilespmem:s15+$0x0] =	vst v1  }
0x1d0: {  	s18 =	simm.s32 $0x220;
	s17 =	simm.s32 $0x210;
	v1 =	vld [tilespmem:s16+$0x0]  }
.LBB2_24:
0x1d1: {  	p0 =	sne.s32 s18, $0x2F0;
	_ =	sdelay $0x1  }
0x1d2: {  	v2 =	vmov s17;
	s17 =	smov.u32 s18  }
0x1d3: {  	v2 =	vshll.u32 v2, $0x7  }
0x1d4: {  	v2 =	vor.u32 v0, v2;
	v3 =	vand.u32 $0xFFFFFF80, v1  }
0x1d5: {  	v1 =	vand.u32 $0x7F, v1;
	v2 =	vadd.s32 v2, v3  }
0x1d6: {  	v1 =	vor.u32 v1, v2;
	_ =	sdelay $0x4  }
0x1d7: {  	v1 =	vld.idx.msk [tilespmem:v1+s8+$0x0], $0xffff;
	_ =	sdelay $0x4  }
.Ltmp11:
0x1d8: {  	(pc) =	sbr.rel @p0 .LBB2_24-.Ltmp11, $4  }
0x1d9: {  	v1 =	vmul.f32 $9.990000120e-01, v1  }
0x1da: {  	s15 =	sadd.s32 $0x10, s15  }
0x1db: {  	s16 =	sadd.s32 $0x10, s16;
	[tilespmem:s15+$0x0] =	vst v1  }
0x1dc: {  	s18 =	sadd.s32 $0x10, s18;
	v1 =	vld [tilespmem:s16+$0x0]  }
0x1dd: {  	_ =	sdelay $0x1  }
0x1de: {  	v2 =	vmov s17  }
0x1df: {  	v2 =	vshll.u32 v2, $0x7  }
0x1e0: {  	v2 =	vor.u32 v0, v2;
	v3 =	vand.u32 $0xFFFFFF80, v1  }
0x1e1: {  	v1 =	vand.u32 $0x7F, v1;
	v2 =	vadd.s32 v2, v3  }
0x1e2: {  	v1 =	vor.u32 v1, v2;
	_ =	sdelay $0x4  }
0x1e3: {  	v1 =	vld.idx.msk [tilespmem:v1+s8+$0x0], $0xffff;
	_ =	sdelay $0x4  }
0x1e4: {  	v1 =	vmul.f32 $9.990000120e-01, v1  }
0x1e5: {  	s15 =	sadd.s32 $0x10, s15  }
0x1e6: {  	[tilespmem:s15+$0x0] =	vst v1  }
0x1e7: {  	_ =	swait.ge [sflag:s11], $0x8000  }
0x1e8: {  	s17 =	simm.s32 $0x0;
	[sflag:s11] =	ssyncset.done $0x0  }
0x1e9: {  	s18 =	simm.s32 $0xC00;
	s16 =	rddreg [dreg:$0x12];
	[sflag:s11] =	ssyncadd.s32 $0xFFFF8000  }
0x1ea: {  	[tilespmem:s12], [sflag:$0x2] =	stream.linear.gather [hbm4b:s16+s17], $0x8000, $0x38;
	[tilespmem:$0x1C000] =	vst v63  }
0x1eb: {  	v1 =	vld [tilespmem:s18+$0x0];
	_ =	sdelay $0x2  }
0x1ec: {  	v2 =	vmov s17  }
0x1ed: {  	v2 =	vshll.u32 v2, $0x7  }
0x1ee: {  	v2 =	vor.u32 v0, v2;
	v3 =	vand.u32 $0xFFFFFF80, v1  }
0x1ef: {  	v1 =	vand.u32 $0x7F, v1;
	v2 =	vadd.s32 v2, v3  }
0x1f0: {  	v1 =	vor.u32 v1, v2;
	_ =	sdelay $0x4  }
0x1f1: {  	v1 =	vld.idx.msk [tilespmem:v1+s8+$0x0], $0xffff;
	_ =	sdelay $0x4  }
0x1f2: {  	v1 =	vmul.f32 $9.990000120e-01, v1  }
0x1f3: {  	s15 =	simm.s32 $0x1AC00  }
0x1f4: {  	s16 =	simm.s32 $0xC10;
	[tilespmem:s15+$0x0] =	vst v1  }
0x1f5: {  	s17 =	simm.s32 $0x10;
	s18 =	simm.s32 $0x20;
	v1 =	vld [tilespmem:s16+$0x0]  }
.LBB2_26:
0x1f6: {  	p0 =	sne.s32 s18, $0xF0;
	_ =	sdelay $0x1  }
0x1f7: {  	v2 =	vmov s17;
	s17 =	smov.u32 s18  }
0x1f8: {  	v2 =	vshll.u32 v2, $0x7  }
0x1f9: {  	v2 =	vor.u32 v0, v2;
	v3 =	vand.u32 $0xFFFFFF80, v1  }
0x1fa: {  	v1 =	vand.u32 $0x7F, v1;
	v2 =	vadd.s32 v2, v3  }
0x1fb: {  	v1 =	vor.u32 v1, v2;
	_ =	sdelay $0x4  }
0x1fc: {  	v1 =	vld.idx.msk [tilespmem:v1+s8+$0x0], $0xffff;
	_ =	sdelay $0x4  }
.Ltmp12:
0x1fd: {  	(pc) =	sbr.rel @p0 .LBB2_26-.Ltmp12, $4  }
0x1fe: {  	v1 =	vmul.f32 $9.990000120e-01, v1  }
0x1ff: {  	s15 =	sadd.s32 $0x10, s15  }
0x200: {  	s16 =	sadd.s32 $0x10, s16;
	[tilespmem:s15+$0x0] =	vst v1  }
0x201: {  	s18 =	sadd.s32 $0x10, s18;
	v1 =	vld [tilespmem:s16+$0x0]  }
0x202: {  	_ =	sdelay $0x1  }
0x203: {  	v2 =	vmov s17  }
0x204: {  	v2 =	vshll.u32 v2, $0x7  }
0x205: {  	v2 =	vor.u32 v0, v2;
	v3 =	vand.u32 $0xFFFFFF80, v1  }
0x206: {  	v1 =	vand.u32 $0x7F, v1;
	v2 =	vadd.s32 v2, v3  }
0x207: {  	v1 =	vor.u32 v1, v2;
	_ =	sdelay $0x4  }
0x208: {  	v1 =	vld.idx.msk [tilespmem:v1+s8+$0x0], $0xffff;
	_ =	sdelay $0x4  }
0x209: {  	v1 =	vmul.f32 $9.990000120e-01, v1  }
0x20a: {  	s15 =	sadd.s32 $0x10, s15  }
0x20b: {  	[tilespmem:s15+$0x0] =	vst v1  }
0x20c: {  	_ =	swait.ge [sflag:s11], $0x8000  }
0x20d: {  	[sflag:s11] =	ssyncset.done $0x0  }
0x20e: {  	s17 =	simm.s32 $0xD00;
	[sflag:s11] =	ssyncadd.s32 $0xFFFF8000  }
0x20f: {  	[tilespmem:s8], [sflag:$0x2] =	stream.linear.gather [hbm4b:s19+s2], $0x8000, $0x38;
	[tilespmem:$0x1C000] =	vst v63  }
0x210: {  	v1 =	vld [tilespmem:s17+$0x0];
	_ =	sdelay $0x1  }
0x211: {  	s18 =	simm.s32 $0x100  }
0x212: {  	v2 =	vmov s18  }
0x213: {  	v2 =	vshll.u32 v2, $0x7  }
0x214: {  	v2 =	vor.u32 v0, v2;
	v3 =	vand.u32 $0xFFFFFF80, v1  }
0x215: {  	v1 =	vand.u32 $0x7F, v1;
	v2 =	vadd.s32 v2, v3  }
0x216: {  	v1 =	vor.u32 v1, v2;
	_ =	sdelay $0x4  }
0x217: {  	v1 =	vld.idx.msk [tilespmem:v1+s8+$0x0], $0xffff;
	_ =	sdelay $0x4  }
0x218: {  	v1 =	vmul.f32 $9.990000120e-01, v1  }
0x219: {  	s15 =	simm.s32 $0x1AD00  }
0x21a: {  	s16 =	simm.s32 $0xD10;
	[tilespmem:s15+$0x0] =	vst v1  }
0x21b: {  	s18 =	simm.s32 $0x120;
	s17 =	simm.s32 $0x110;
	v1 =	vld [tilespmem:s16+$0x0]  }
.LBB2_28:
0x21c: {  	p0 =	sne.s32 s18, $0x1F0;
	_ =	sdelay $0x1  }
0x21d: {  	v2 =	vmov s17;
	s17 =	smov.u32 s18  }
0x21e: {  	v2 =	vshll.u32 v2, $0x7  }
0x21f: {  	v2 =	vor.u32 v0, v2;
	v3 =	vand.u32 $0xFFFFFF80, v1  }
0x220: {  	v1 =	vand.u32 $0x7F, v1;
	v2 =	vadd.s32 v2, v3  }
0x221: {  	v1 =	vor.u32 v1, v2;
	_ =	sdelay $0x4  }
0x222: {  	v1 =	vld.idx.msk [tilespmem:v1+s8+$0x0], $0xffff;
	_ =	sdelay $0x4  }
.Ltmp13:
0x223: {  	(pc) =	sbr.rel @p0 .LBB2_28-.Ltmp13, $4  }
0x224: {  	v1 =	vmul.f32 $9.990000120e-01, v1  }
0x225: {  	s15 =	sadd.s32 $0x10, s15  }
0x226: {  	s16 =	sadd.s32 $0x10, s16;
	[tilespmem:s15+$0x0] =	vst v1  }
0x227: {  	s18 =	sadd.s32 $0x10, s18;
	v1 =	vld [tilespmem:s16+$0x0]  }
0x228: {  	_ =	sdelay $0x1  }
0x229: {  	v2 =	vmov s17  }
0x22a: {  	v2 =	vshll.u32 v2, $0x7  }
0x22b: {  	v2 =	vor.u32 v0, v2;
	v3 =	vand.u32 $0xFFFFFF80, v1  }
0x22c: {  	v1 =	vand.u32 $0x7F, v1;
	v2 =	vadd.s32 v2, v3  }
0x22d: {  	v1 =	vor.u32 v1, v2;
	_ =	sdelay $0x4  }
0x22e: {  	v1 =	vld.idx.msk [tilespmem:v1+s8+$0x0], $0xffff;
	_ =	sdelay $0x4  }
0x22f: {  	v1 =	vmul.f32 $9.990000120e-01, v1  }
0x230: {  	s15 =	sadd.s32 $0x10, s15  }
0x231: {  	[tilespmem:s15+$0x0] =	vst v1  }
0x232: {  	_ =	swait.ge [sflag:s11], $0x8000  }
0x233: {  	[sflag:s11] =	ssyncset.done $0x0  }
0x234: {  	s17 =	simm.s32 $0xE00;
	[sflag:s11] =	ssyncadd.s32 $0xFFFF8000  }
0x235: {  	[tilespmem:s9], [sflag:$0x2] =	stream.linear.gather [hbm4b:s20+s2], $0x8000, $0x38;
	[tilespmem:$0x1C000] =	vst v63  }
0x236: {  	v1 =	vld [tilespmem:s17+$0x0];
	_ =	sdelay $0x1  }
0x237: {  	s18 =	simm.s32 $0x200  }
0x238: {  	v2 =	vmov s18  }
0x239: {  	v2 =	vshll.u32 v2, $0x7  }
0x23a: {  	v2 =	vor.u32 v0, v2;
	v3 =	vand.u32 $0xFFFFFF80, v1  }
0x23b: {  	v1 =	vand.u32 $0x7F, v1;
	v2 =	vadd.s32 v2, v3  }
0x23c: {  	v1 =	vor.u32 v1, v2;
	_ =	sdelay $0x4  }
0x23d: {  	v1 =	vld.idx.msk [tilespmem:v1+s8+$0x0], $0xffff;
	_ =	sdelay $0x4  }
0x23e: {  	v1 =	vmul.f32 $9.990000120e-01, v1  }
0x23f: {  	s15 =	simm.s32 $0x1AE00  }
0x240: {  	s16 =	simm.s32 $0xE10;
	[tilespmem:s15+$0x0] =	vst v1  }
0x241: {  	s18 =	simm.s32 $0x220;
	s17 =	simm.s32 $0x210;
	v1 =	vld [tilespmem:s16+$0x0]  }
.LBB2_30:
0x242: {  	p0 =	sne.s32 s18, $0x2F0;
	_ =	sdelay $0x1  }
0x243: {  	v2 =	vmov s17;
	s17 =	smov.u32 s18  }
0x244: {  	v2 =	vshll.u32 v2, $0x7  }
0x245: {  	v2 =	vor.u32 v0, v2;
	v3 =	vand.u32 $0xFFFFFF80, v1  }
0x246: {  	v1 =	vand.u32 $0x7F, v1;
	v2 =	vadd.s32 v2, v3  }
0x247: {  	v1 =	vor.u32 v1, v2;
	_ =	sdelay $0x4  }
0x248: {  	v1 =	vld.idx.msk [tilespmem:v1+s8+$0x0], $0xffff;
	_ =	sdelay $0x4  }
.Ltmp14:
0x249: {  	(pc) =	sbr.rel @p0 .LBB2_30-.Ltmp14, $4  }
0x24a: {  	v1 =	vmul.f32 $9.990000120e-01, v1  }
0x24b: {  	s15 =	sadd.s32 $0x10, s15  }
0x24c: {  	s16 =	sadd.s32 $0x10, s16;
	[tilespmem:s15+$0x0] =	vst v1  }
0x24d: {  	s18 =	sadd.s32 $0x10, s18;
	v1 =	vld [tilespmem:s16+$0x0]  }
0x24e: {  	_ =	sdelay $0x1  }
0x24f: {  	v2 =	vmov s17  }
0x250: {  	v2 =	vshll.u32 v2, $0x7  }
0x251: {  	v2 =	vor.u32 v0, v2;
	v3 =	vand.u32 $0xFFFFFF80, v1  }
0x252: {  	v1 =	vand.u32 $0x7F, v1;
	v2 =	vadd.s32 v2, v3  }
0x253: {  	v1 =	vor.u32 v1, v2;
	_ =	sdelay $0x4  }
0x254: {  	v1 =	vld.idx.msk [tilespmem:v1+s8+$0x0], $0xffff;
	_ =	sdelay $0x4  }
0x255: {  	v1 =	vmul.f32 $9.990000120e-01, v1  }
0x256: {  	s15 =	sadd.s32 $0x10, s15  }
0x257: {  	[tilespmem:s15+$0x0] =	vst v1  }
0x258: {  	_ =	swait.ge [sflag:s11], $0x8000  }
0x259: {  	[sflag:s11] =	ssyncset.done $0x0  }
0x25a: {  	s18 =	simm.s32 $0x0;
	s16 =	simm.s32 $0xF00;
	[sflag:s11] =	ssyncadd.s32 $0xFFFF8000  }
0x25b: {  	[tilespmem:s12], [sflag:$0x2] =	stream.linear.gather [hbm4b:s21+s18], $0x8000, $0x38;
	[tilespmem:$0x1C000] =	vst v63  }
0x25c: {  	v1 =	vld [tilespmem:s16+$0x0];
	_ =	sdelay $0x2  }
0x25d: {  	v2 =	vmov s18  }
0x25e: {  	v2 =	vshll.u32 v2, $0x7  }
0x25f: {  	v2 =	vor.u32 v0, v2;
	v3 =	vand.u32 $0xFFFFFF80, v1  }
0x260: {  	v1 =	vand.u32 $0x7F, v1;
	v2 =	vadd.s32 v2, v3  }
0x261: {  	v1 =	vor.u32 v1, v2;
	_ =	sdelay $0x4  }
0x262: {  	v1 =	vld.idx.msk [tilespmem:v1+s8+$0x0], $0xffff;
	_ =	sdelay $0x4  }
0x263: {  	v1 =	vmul.f32 $9.990000120e-01, v1  }
0x264: {  	s15 =	simm.s32 $0x1AF00  }
0x265: {  	s16 =	simm.s32 $0xF10;
	[tilespmem:s15+$0x0] =	vst v1  }
0x266: {  	s17 =	simm.s32 $0x10;
	s18 =	simm.s32 $0x20;
	v1 =	vld [tilespmem:s16+$0x0]  }
.LBB2_32:
0x267: {  	p0 =	sne.s32 s18, $0xF0;
	_ =	sdelay $0x1  }
0x268: {  	v2 =	vmov s17;
	s17 =	smov.u32 s18  }
0x269: {  	v2 =	vshll.u32 v2, $0x7  }
0x26a: {  	v2 =	vor.u32 v0, v2;
	v3 =	vand.u32 $0xFFFFFF80, v1  }
0x26b: {  	v1 =	vand.u32 $0x7F, v1;
	v2 =	vadd.s32 v2, v3  }
0x26c: {  	v1 =	vor.u32 v1, v2;
	_ =	sdelay $0x4  }
0x26d: {  	v1 =	vld.idx.msk [tilespmem:v1+s8+$0x0], $0xffff;
	_ =	sdelay $0x4  }
.Ltmp15:
0x26e: {  	(pc) =	sbr.rel @p0 .LBB2_32-.Ltmp15, $4  }
0x26f: {  	v1 =	vmul.f32 $9.990000120e-01, v1  }
0x270: {  	s15 =	sadd.s32 $0x10, s15  }
0x271: {  	s16 =	sadd.s32 $0x10, s16;
	[tilespmem:s15+$0x0] =	vst v1  }
0x272: {  	s18 =	sadd.s32 $0x10, s18;
	v1 =	vld [tilespmem:s16+$0x0]  }
0x273: {  	_ =	sdelay $0x1  }
0x274: {  	v2 =	vmov s17  }
0x275: {  	v2 =	vshll.u32 v2, $0x7  }
0x276: {  	v2 =	vor.u32 v0, v2;
	v3 =	vand.u32 $0xFFFFFF80, v1  }
0x277: {  	v1 =	vand.u32 $0x7F, v1;
	v2 =	vadd.s32 v2, v3  }
0x278: {  	v1 =	vor.u32 v1, v2;
	_ =	sdelay $0x4  }
0x279: {  	v1 =	vld.idx.msk [tilespmem:v1+s8+$0x0], $0xffff;
	_ =	sdelay $0x4  }
0x27a: {  	v1 =	vmul.f32 $9.990000120e-01, v1  }
0x27b: {  	s15 =	sadd.s32 $0x10, s15  }
0x27c: {  	[tilespmem:s15+$0x0] =	vst v1  }
0x27d: {  	_ =	swait.ge [sflag:s11], $0x8000  }
0x27e: {  	[sflag:s11] =	ssyncset.done $0x0  }
0x27f: {  	s17 =	simm.s32 $0x1000;
	[sflag:s11] =	ssyncadd.s32 $0xFFFF8000  }
0x280: {  	[tilespmem:s8], [sflag:$0x2] =	stream.linear.gather [hbm4b:s23+s2], $0x8000, $0x38;
	[tilespmem:$0x1C000] =	vst v63  }
0x281: {  	v1 =	vld [tilespmem:s17+$0x0];
	_ =	sdelay $0x1  }
0x282: {  	s18 =	simm.s32 $0x100  }
0x283: {  	v2 =	vmov s18  }
0x284: {  	v2 =	vshll.u32 v2, $0x7  }
0x285: {  	v2 =	vor.u32 v0, v2;
	v3 =	vand.u32 $0xFFFFFF80, v1  }
0x286: {  	v1 =	vand.u32 $0x7F, v1;
	v2 =	vadd.s32 v2, v3  }
0x287: {  	v1 =	vor.u32 v1, v2;
	_ =	sdelay $0x4  }
0x288: {  	v1 =	vld.idx.msk [tilespmem:v1+s8+$0x0], $0xffff;
	_ =	sdelay $0x4  }
0x289: {  	v1 =	vmul.f32 $9.990000120e-01, v1  }
0x28a: {  	s15 =	simm.s32 $0x1B000  }
0x28b: {  	s16 =	simm.s32 $0x1010;
	[tilespmem:s15+$0x0] =	vst v1  }
0x28c: {  	s18 =	simm.s32 $0x120;
	s17 =	simm.s32 $0x110;
	v1 =	vld [tilespmem:s16+$0x0]  }
.LBB2_34:
0x28d: {  	p0 =	sne.s32 s18, $0x1F0;
	_ =	sdelay $0x1  }
0x28e: {  	v2 =	vmov s17;
	s17 =	smov.u32 s18  }
0x28f: {  	v2 =	vshll.u32 v2, $0x7  }
0x290: {  	v2 =	vor.u32 v0, v2;
	v3 =	vand.u32 $0xFFFFFF80, v1  }
0x291: {  	v1 =	vand.u32 $0x7F, v1;
	v2 =	vadd.s32 v2, v3  }
0x292: {  	v1 =	vor.u32 v1, v2;
	_ =	sdelay $0x4  }
0x293: {  	v1 =	vld.idx.msk [tilespmem:v1+s8+$0x0], $0xffff;
	_ =	sdelay $0x4  }
.Ltmp16:
0x294: {  	(pc) =	sbr.rel @p0 .LBB2_34-.Ltmp16, $4  }
0x295: {  	v1 =	vmul.f32 $9.990000120e-01, v1  }
0x296: {  	s15 =	sadd.s32 $0x10, s15  }
0x297: {  	s16 =	sadd.s32 $0x10, s16;
	[tilespmem:s15+$0x0] =	vst v1  }
0x298: {  	s18 =	sadd.s32 $0x10, s18;
	v1 =	vld [tilespmem:s16+$0x0]  }
0x299: {  	_ =	sdelay $0x1  }
0x29a: {  	v2 =	vmov s17  }
0x29b: {  	v2 =	vshll.u32 v2, $0x7  }
0x29c: {  	v2 =	vor.u32 v0, v2;
	v3 =	vand.u32 $0xFFFFFF80, v1  }
0x29d: {  	v1 =	vand.u32 $0x7F, v1;
	v2 =	vadd.s32 v2, v3  }
0x29e: {  	v1 =	vor.u32 v1, v2;
	_ =	sdelay $0x4  }
0x29f: {  	v1 =	vld.idx.msk [tilespmem:v1+s8+$0x0], $0xffff;
	_ =	sdelay $0x4  }
0x2a0: {  	v1 =	vmul.f32 $9.990000120e-01, v1  }
0x2a1: {  	s15 =	sadd.s32 $0x10, s15  }
0x2a2: {  	[tilespmem:s15+$0x0] =	vst v1  }
0x2a3: {  	_ =	swait.ge [sflag:s11], $0x8000  }
0x2a4: {  	[sflag:s11] =	ssyncset.done $0x0  }
0x2a5: {  	s17 =	simm.s32 $0x1100;
	[sflag:s11] =	ssyncadd.s32 $0xFFFF8000  }
0x2a6: {  	[tilespmem:s9], [sflag:$0x2] =	stream.linear.gather [hbm4b:s24+s2], $0x8000, $0x38;
	[tilespmem:$0x1C000] =	vst v63  }
0x2a7: {  	v1 =	vld [tilespmem:s17+$0x0];
	_ =	sdelay $0x1  }
0x2a8: {  	s18 =	simm.s32 $0x200  }
0x2a9: {  	v2 =	vmov s18  }
0x2aa: {  	v2 =	vshll.u32 v2, $0x7  }
0x2ab: {  	v2 =	vor.u32 v0, v2;
	v3 =	vand.u32 $0xFFFFFF80, v1  }
0x2ac: {  	v1 =	vand.u32 $0x7F, v1;
	v2 =	vadd.s32 v2, v3  }
0x2ad: {  	v1 =	vor.u32 v1, v2;
	_ =	sdelay $0x4  }
0x2ae: {  	v1 =	vld.idx.msk [tilespmem:v1+s8+$0x0], $0xffff;
	_ =	sdelay $0x4  }
0x2af: {  	v1 =	vmul.f32 $9.990000120e-01, v1  }
0x2b0: {  	s15 =	simm.s32 $0x1B100  }
0x2b1: {  	s16 =	simm.s32 $0x1110;
	[tilespmem:s15+$0x0] =	vst v1  }
0x2b2: {  	s18 =	simm.s32 $0x220;
	s17 =	simm.s32 $0x210;
	v1 =	vld [tilespmem:s16+$0x0]  }
.LBB2_36:
0x2b3: {  	p0 =	sne.s32 s18, $0x2F0;
	_ =	sdelay $0x1  }
0x2b4: {  	v2 =	vmov s17;
	s17 =	smov.u32 s18  }
0x2b5: {  	v2 =	vshll.u32 v2, $0x7  }
0x2b6: {  	v2 =	vor.u32 v0, v2;
	v3 =	vand.u32 $0xFFFFFF80, v1  }
0x2b7: {  	v1 =	vand.u32 $0x7F, v1;
	v2 =	vadd.s32 v2, v3  }
0x2b8: {  	v1 =	vor.u32 v1, v2;
	_ =	sdelay $0x4  }
0x2b9: {  	v1 =	vld.idx.msk [tilespmem:v1+s8+$0x0], $0xffff;
	_ =	sdelay $0x4  }
.Ltmp17:
0x2ba: {  	(pc) =	sbr.rel @p0 .LBB2_36-.Ltmp17, $4  }
0x2bb: {  	v1 =	vmul.f32 $9.990000120e-01, v1  }
0x2bc: {  	s15 =	sadd.s32 $0x10, s15  }
0x2bd: {  	s16 =	sadd.s32 $0x10, s16;
	[tilespmem:s15+$0x0] =	vst v1  }
0x2be: {  	s18 =	sadd.s32 $0x10, s18;
	v1 =	vld [tilespmem:s16+$0x0]  }
0x2bf: {  	_ =	sdelay $0x1  }
0x2c0: {  	v2 =	vmov s17  }
0x2c1: {  	v2 =	vshll.u32 v2, $0x7  }
0x2c2: {  	v2 =	vor.u32 v0, v2;
	v3 =	vand.u32 $0xFFFFFF80, v1  }
0x2c3: {  	v1 =	vand.u32 $0x7F, v1;
	v2 =	vadd.s32 v2, v3  }
0x2c4: {  	v1 =	vor.u32 v1, v2;
	_ =	sdelay $0x4  }
0x2c5: {  	v1 =	vld.idx.msk [tilespmem:v1+s8+$0x0], $0xffff;
	_ =	sdelay $0x4  }
0x2c6: {  	v1 =	vmul.f32 $9.990000120e-01, v1  }
0x2c7: {  	s15 =	sadd.s32 $0x10, s15  }
0x2c8: {  	[tilespmem:s15+$0x0] =	vst v1  }
0x2c9: {  	_ =	swait.ge [sflag:s11], $0x8000  }
0x2ca: {  	[sflag:s11] =	ssyncset.done $0x0  }
0x2cb: {  	s18 =	simm.s32 $0x0;
	s16 =	simm.s32 $0x1200;
	[sflag:s11] =	ssyncadd.s32 $0xFFFF8000  }
0x2cc: {  	[tilespmem:s12], [sflag:$0x2] =	stream.linear.gather [hbm4b:s25+s18], $0x8000, $0x38;
	[tilespmem:$0x1C000] =	vst v63  }
0x2cd: {  	v1 =	vld [tilespmem:s16+$0x0];
	_ =	sdelay $0x2  }
0x2ce: {  	v2 =	vmov s18  }
0x2cf: {  	v2 =	vshll.u32 v2, $0x7  }
0x2d0: {  	v2 =	vor.u32 v0, v2;
	v3 =	vand.u32 $0xFFFFFF80, v1  }
0x2d1: {  	v1 =	vand.u32 $0x7F, v1;
	v2 =	vadd.s32 v2, v3  }
0x2d2: {  	v1 =	vor.u32 v1, v2;
	_ =	sdelay $0x4  }
0x2d3: {  	v1 =	vld.idx.msk [tilespmem:v1+s8+$0x0], $0xffff;
	_ =	sdelay $0x4  }
0x2d4: {  	v1 =	vmul.f32 $9.990000120e-01, v1  }
0x2d5: {  	s15 =	simm.s32 $0x1B200  }
0x2d6: {  	s16 =	simm.s32 $0x1210;
	[tilespmem:s15+$0x0] =	vst v1  }
0x2d7: {  	s17 =	simm.s32 $0x10;
	s18 =	simm.s32 $0x20;
	v1 =	vld [tilespmem:s16+$0x0]  }
.LBB2_38:
0x2d8: {  	p0 =	sne.s32 s18, $0xF0;
	_ =	sdelay $0x1  }
0x2d9: {  	v2 =	vmov s17;
	s17 =	smov.u32 s18  }
0x2da: {  	v2 =	vshll.u32 v2, $0x7  }
0x2db: {  	v2 =	vor.u32 v0, v2;
	v3 =	vand.u32 $0xFFFFFF80, v1  }
0x2dc: {  	v1 =	vand.u32 $0x7F, v1;
	v2 =	vadd.s32 v2, v3  }
0x2dd: {  	v1 =	vor.u32 v1, v2;
	_ =	sdelay $0x4  }
0x2de: {  	v1 =	vld.idx.msk [tilespmem:v1+s8+$0x0], $0xffff;
	_ =	sdelay $0x4  }
.Ltmp18:
0x2df: {  	(pc) =	sbr.rel @p0 .LBB2_38-.Ltmp18, $4  }
0x2e0: {  	v1 =	vmul.f32 $9.990000120e-01, v1  }
0x2e1: {  	s15 =	sadd.s32 $0x10, s15  }
0x2e2: {  	s16 =	sadd.s32 $0x10, s16;
	[tilespmem:s15+$0x0] =	vst v1  }
0x2e3: {  	s18 =	sadd.s32 $0x10, s18;
	v1 =	vld [tilespmem:s16+$0x0]  }
0x2e4: {  	_ =	sdelay $0x1  }
0x2e5: {  	v2 =	vmov s17  }
0x2e6: {  	v2 =	vshll.u32 v2, $0x7  }
0x2e7: {  	v2 =	vor.u32 v0, v2;
	v3 =	vand.u32 $0xFFFFFF80, v1  }
0x2e8: {  	v1 =	vand.u32 $0x7F, v1;
	v2 =	vadd.s32 v2, v3  }
0x2e9: {  	v1 =	vor.u32 v1, v2;
	_ =	sdelay $0x4  }
0x2ea: {  	v1 =	vld.idx.msk [tilespmem:v1+s8+$0x0], $0xffff;
	_ =	sdelay $0x4  }
0x2eb: {  	v1 =	vmul.f32 $9.990000120e-01, v1  }
0x2ec: {  	s15 =	sadd.s32 $0x10, s15  }
0x2ed: {  	[tilespmem:s15+$0x0] =	vst v1  }
0x2ee: {  	_ =	swait.ge [sflag:s11], $0x8000  }
0x2ef: {  	[sflag:s11] =	ssyncset.done $0x0  }
0x2f0: {  	s17 =	simm.s32 $0x1300;
	[sflag:s11] =	ssyncadd.s32 $0xFFFF8000  }
0x2f1: {  	[tilespmem:s8], [sflag:$0x2] =	stream.linear.gather [hbm4b:s26+s2], $0x8000, $0x38;
	[tilespmem:$0x1C000] =	vst v63  }
0x2f2: {  	v1 =	vld [tilespmem:s17+$0x0];
	_ =	sdelay $0x1  }
0x2f3: {  	s18 =	simm.s32 $0x100  }
0x2f4: {  	v2 =	vmov s18  }
0x2f5: {  	v2 =	vshll.u32 v2, $0x7  }
0x2f6: {  	v2 =	vor.u32 v0, v2;
	v3 =	vand.u32 $0xFFFFFF80, v1  }
0x2f7: {  	v1 =	vand.u32 $0x7F, v1;
	v2 =	vadd.s32 v2, v3  }
0x2f8: {  	v1 =	vor.u32 v1, v2;
	_ =	sdelay $0x4  }
0x2f9: {  	v1 =	vld.idx.msk [tilespmem:v1+s8+$0x0], $0xffff;
	_ =	sdelay $0x4  }
0x2fa: {  	v1 =	vmul.f32 $9.990000120e-01, v1  }
0x2fb: {  	s15 =	simm.s32 $0x1B300  }
0x2fc: {  	s16 =	simm.s32 $0x1310;
	[tilespmem:s15+$0x0] =	vst v1  }
0x2fd: {  	s18 =	simm.s32 $0x120;
	s17 =	simm.s32 $0x110;
	v1 =	vld [tilespmem:s16+$0x0]  }
.LBB2_40:
0x2fe: {  	p0 =	sne.s32 s18, $0x1F0;
	_ =	sdelay $0x1  }
0x2ff: {  	v2 =	vmov s17;
	s17 =	smov.u32 s18  }
0x300: {  	v2 =	vshll.u32 v2, $0x7  }
0x301: {  	v2 =	vor.u32 v0, v2;
	v3 =	vand.u32 $0xFFFFFF80, v1  }
0x302: {  	v1 =	vand.u32 $0x7F, v1;
	v2 =	vadd.s32 v2, v3  }
0x303: {  	v1 =	vor.u32 v1, v2;
	_ =	sdelay $0x4  }
0x304: {  	v1 =	vld.idx.msk [tilespmem:v1+s8+$0x0], $0xffff;
	_ =	sdelay $0x4  }
.Ltmp19:
0x305: {  	(pc) =	sbr.rel @p0 .LBB2_40-.Ltmp19, $4  }
0x306: {  	v1 =	vmul.f32 $9.990000120e-01, v1  }
0x307: {  	s15 =	sadd.s32 $0x10, s15  }
0x308: {  	s16 =	sadd.s32 $0x10, s16;
	[tilespmem:s15+$0x0] =	vst v1  }
0x309: {  	s18 =	sadd.s32 $0x10, s18;
	v1 =	vld [tilespmem:s16+$0x0]  }
0x30a: {  	_ =	sdelay $0x1  }
0x30b: {  	v2 =	vmov s17  }
0x30c: {  	v2 =	vshll.u32 v2, $0x7  }
0x30d: {  	v2 =	vor.u32 v0, v2;
	v3 =	vand.u32 $0xFFFFFF80, v1  }
0x30e: {  	v1 =	vand.u32 $0x7F, v1;
	v2 =	vadd.s32 v2, v3  }
0x30f: {  	v1 =	vor.u32 v1, v2;
	_ =	sdelay $0x4  }
0x310: {  	v1 =	vld.idx.msk [tilespmem:v1+s8+$0x0], $0xffff;
	_ =	sdelay $0x4  }
0x311: {  	v1 =	vmul.f32 $9.990000120e-01, v1  }
0x312: {  	s15 =	sadd.s32 $0x10, s15  }
0x313: {  	[tilespmem:s15+$0x0] =	vst v1  }
0x314: {  	_ =	swait.ge [sflag:s11], $0x8000  }
0x315: {  	[sflag:s11] =	ssyncset.done $0x0  }
0x316: {  	s17 =	simm.s32 $0x1400;
	[sflag:s11] =	ssyncadd.s32 $0xFFFF8000  }
0x317: {  	[tilespmem:s9], [sflag:$0x2] =	stream.linear.gather [hbm4b:s28+s2], $0x8000, $0x38;
	[tilespmem:$0x1C000] =	vst v63  }
0x318: {  	v1 =	vld [tilespmem:s17+$0x0];
	_ =	sdelay $0x1  }
0x319: {  	s18 =	simm.s32 $0x200  }
0x31a: {  	v2 =	vmov s18  }
0x31b: {  	v2 =	vshll.u32 v2, $0x7  }
0x31c: {  	v2 =	vor.u32 v0, v2;
	v3 =	vand.u32 $0xFFFFFF80, v1  }
0x31d: {  	v1 =	vand.u32 $0x7F, v1;
	v2 =	vadd.s32 v2, v3  }
0x31e: {  	v1 =	vor.u32 v1, v2;
	_ =	sdelay $0x4  }
0x31f: {  	v1 =	vld.idx.msk [tilespmem:v1+s8+$0x0], $0xffff;
	_ =	sdelay $0x4  }
0x320: {  	v1 =	vmul.f32 $9.990000120e-01, v1  }
0x321: {  	s15 =	simm.s32 $0x1B400  }
0x322: {  	s16 =	simm.s32 $0x1410;
	[tilespmem:s15+$0x0] =	vst v1  }
0x323: {  	s18 =	simm.s32 $0x220;
	s17 =	simm.s32 $0x210;
	v1 =	vld [tilespmem:s16+$0x0]  }
.LBB2_42:
0x324: {  	p0 =	sne.s32 s18, $0x2F0;
	_ =	sdelay $0x1  }
0x325: {  	v2 =	vmov s17;
	s17 =	smov.u32 s18  }
0x326: {  	v2 =	vshll.u32 v2, $0x7  }
0x327: {  	v2 =	vor.u32 v0, v2;
	v3 =	vand.u32 $0xFFFFFF80, v1  }
0x328: {  	v1 =	vand.u32 $0x7F, v1;
	v2 =	vadd.s32 v2, v3  }
0x329: {  	v1 =	vor.u32 v1, v2;
	_ =	sdelay $0x4  }
0x32a: {  	v1 =	vld.idx.msk [tilespmem:v1+s8+$0x0], $0xffff;
	_ =	sdelay $0x4  }
.Ltmp20:
0x32b: {  	(pc) =	sbr.rel @p0 .LBB2_42-.Ltmp20, $4  }
0x32c: {  	v1 =	vmul.f32 $9.990000120e-01, v1  }
0x32d: {  	s15 =	sadd.s32 $0x10, s15  }
0x32e: {  	s16 =	sadd.s32 $0x10, s16;
	[tilespmem:s15+$0x0] =	vst v1  }
0x32f: {  	s18 =	sadd.s32 $0x10, s18;
	v1 =	vld [tilespmem:s16+$0x0]  }
0x330: {  	_ =	sdelay $0x1  }
0x331: {  	v2 =	vmov s17  }
0x332: {  	v2 =	vshll.u32 v2, $0x7  }
0x333: {  	v2 =	vor.u32 v0, v2;
	v3 =	vand.u32 $0xFFFFFF80, v1  }
0x334: {  	v1 =	vand.u32 $0x7F, v1;
	v2 =	vadd.s32 v2, v3  }
0x335: {  	v1 =	vor.u32 v1, v2;
	_ =	sdelay $0x4  }
0x336: {  	v1 =	vld.idx.msk [tilespmem:v1+s8+$0x0], $0xffff;
	_ =	sdelay $0x4  }
0x337: {  	v1 =	vmul.f32 $9.990000120e-01, v1  }
0x338: {  	s15 =	sadd.s32 $0x10, s15  }
0x339: {  	[tilespmem:s15+$0x0] =	vst v1  }
0x33a: {  	_ =	swait.ge [sflag:s11], $0x8000  }
0x33b: {  	[sflag:s11] =	ssyncset.done $0x0  }
0x33c: {  	s18 =	simm.s32 $0x0;
	s16 =	simm.s32 $0x1500;
	[sflag:s11] =	ssyncadd.s32 $0xFFFF8000  }
0x33d: {  	[tilespmem:s12], [sflag:$0x2] =	stream.linear.gather [hbm4b:s29+s18], $0x8000, $0x38;
	[tilespmem:$0x1C000] =	vst v63  }
0x33e: {  	v1 =	vld [tilespmem:s16+$0x0];
	_ =	sdelay $0x2  }
0x33f: {  	v2 =	vmov s18  }
0x340: {  	v2 =	vshll.u32 v2, $0x7  }
0x341: {  	v2 =	vor.u32 v0, v2;
	v3 =	vand.u32 $0xFFFFFF80, v1  }
0x342: {  	v1 =	vand.u32 $0x7F, v1;
	v2 =	vadd.s32 v2, v3  }
0x343: {  	v1 =	vor.u32 v1, v2;
	_ =	sdelay $0x4  }
0x344: {  	v1 =	vld.idx.msk [tilespmem:v1+s8+$0x0], $0xffff;
	_ =	sdelay $0x4  }
0x345: {  	v1 =	vmul.f32 $9.990000120e-01, v1  }
0x346: {  	s15 =	simm.s32 $0x1B500  }
0x347: {  	s16 =	simm.s32 $0x1510;
	[tilespmem:s15+$0x0] =	vst v1  }
0x348: {  	s17 =	simm.s32 $0x10;
	s18 =	simm.s32 $0x20;
	v1 =	vld [tilespmem:s16+$0x0]  }
.LBB2_44:
0x349: {  	p0 =	sne.s32 s18, $0xF0;
	_ =	sdelay $0x1  }
0x34a: {  	v2 =	vmov s17;
	s17 =	smov.u32 s18  }
0x34b: {  	v2 =	vshll.u32 v2, $0x7  }
0x34c: {  	v2 =	vor.u32 v0, v2;
	v3 =	vand.u32 $0xFFFFFF80, v1  }
0x34d: {  	v1 =	vand.u32 $0x7F, v1;
	v2 =	vadd.s32 v2, v3  }
0x34e: {  	v1 =	vor.u32 v1, v2;
	_ =	sdelay $0x4  }
0x34f: {  	v1 =	vld.idx.msk [tilespmem:v1+s8+$0x0], $0xffff;
	_ =	sdelay $0x4  }
.Ltmp21:
0x350: {  	(pc) =	sbr.rel @p0 .LBB2_44-.Ltmp21, $4  }
0x351: {  	v1 =	vmul.f32 $9.990000120e-01, v1  }
0x352: {  	s15 =	sadd.s32 $0x10, s15  }
0x353: {  	s16 =	sadd.s32 $0x10, s16;
	[tilespmem:s15+$0x0] =	vst v1  }
0x354: {  	s18 =	sadd.s32 $0x10, s18;
	v1 =	vld [tilespmem:s16+$0x0]  }
0x355: {  	_ =	sdelay $0x1  }
0x356: {  	v2 =	vmov s17  }
0x357: {  	v2 =	vshll.u32 v2, $0x7  }
0x358: {  	v2 =	vor.u32 v0, v2;
	v3 =	vand.u32 $0xFFFFFF80, v1  }
0x359: {  	v1 =	vand.u32 $0x7F, v1;
	v2 =	vadd.s32 v2, v3  }
0x35a: {  	v1 =	vor.u32 v1, v2;
	_ =	sdelay $0x4  }
0x35b: {  	v1 =	vld.idx.msk [tilespmem:v1+s8+$0x0], $0xffff;
	_ =	sdelay $0x4  }
0x35c: {  	v1 =	vmul.f32 $9.990000120e-01, v1  }
0x35d: {  	s15 =	sadd.s32 $0x10, s15  }
0x35e: {  	[tilespmem:s15+$0x0] =	vst v1  }
0x35f: {  	_ =	swait.ge [sflag:s11], $0x8000  }
0x360: {  	[sflag:s11] =	ssyncset.done $0x0  }
0x361: {  	s17 =	simm.s32 $0x1600;
	[sflag:s11] =	ssyncadd.s32 $0xFFFF8000  }
0x362: {  	[tilespmem:s8], [sflag:$0x2] =	stream.linear.gather [hbm4b:s30+s2], $0x8000, $0x38;
	[tilespmem:$0x1C000] =	vst v63  }
0x363: {  	v1 =	vld [tilespmem:s17+$0x0];
	_ =	sdelay $0x1  }
0x364: {  	s18 =	simm.s32 $0x100  }
0x365: {  	v2 =	vmov s18  }
0x366: {  	v2 =	vshll.u32 v2, $0x7  }
0x367: {  	v2 =	vor.u32 v0, v2;
	v3 =	vand.u32 $0xFFFFFF80, v1  }
0x368: {  	v1 =	vand.u32 $0x7F, v1;
	v2 =	vadd.s32 v2, v3  }
0x369: {  	v1 =	vor.u32 v1, v2;
	_ =	sdelay $0x4  }
0x36a: {  	v1 =	vld.idx.msk [tilespmem:v1+s8+$0x0], $0xffff;
	_ =	sdelay $0x4  }
0x36b: {  	v1 =	vmul.f32 $9.990000120e-01, v1  }
0x36c: {  	s15 =	simm.s32 $0x1B600  }
0x36d: {  	s16 =	simm.s32 $0x1610;
	[tilespmem:s15+$0x0] =	vst v1  }
0x36e: {  	s18 =	simm.s32 $0x120;
	s17 =	simm.s32 $0x110;
	v1 =	vld [tilespmem:s16+$0x0]  }
.LBB2_46:
0x36f: {  	p0 =	sne.s32 s18, $0x1F0;
	_ =	sdelay $0x1  }
0x370: {  	v2 =	vmov s17;
	s17 =	smov.u32 s18  }
0x371: {  	v2 =	vshll.u32 v2, $0x7  }
0x372: {  	v2 =	vor.u32 v0, v2;
	v3 =	vand.u32 $0xFFFFFF80, v1  }
0x373: {  	v1 =	vand.u32 $0x7F, v1;
	v2 =	vadd.s32 v2, v3  }
0x374: {  	v1 =	vor.u32 v1, v2;
	_ =	sdelay $0x4  }
0x375: {  	v1 =	vld.idx.msk [tilespmem:v1+s8+$0x0], $0xffff;
	_ =	sdelay $0x4  }
.Ltmp22:
0x376: {  	(pc) =	sbr.rel @p0 .LBB2_46-.Ltmp22, $4  }
0x377: {  	v1 =	vmul.f32 $9.990000120e-01, v1  }
0x378: {  	s15 =	sadd.s32 $0x10, s15  }
0x379: {  	s16 =	sadd.s32 $0x10, s16;
	[tilespmem:s15+$0x0] =	vst v1  }
0x37a: {  	s18 =	sadd.s32 $0x10, s18;
	v1 =	vld [tilespmem:s16+$0x0]  }
0x37b: {  	_ =	sdelay $0x1  }
0x37c: {  	v2 =	vmov s17  }
0x37d: {  	v2 =	vshll.u32 v2, $0x7  }
0x37e: {  	v2 =	vor.u32 v0, v2;
	v3 =	vand.u32 $0xFFFFFF80, v1  }
0x37f: {  	v1 =	vand.u32 $0x7F, v1;
	v2 =	vadd.s32 v2, v3  }
0x380: {  	v1 =	vor.u32 v1, v2;
	_ =	sdelay $0x4  }
0x381: {  	v1 =	vld.idx.msk [tilespmem:v1+s8+$0x0], $0xffff;
	_ =	sdelay $0x4  }
0x382: {  	v1 =	vmul.f32 $9.990000120e-01, v1  }
0x383: {  	s15 =	sadd.s32 $0x10, s15  }
0x384: {  	[tilespmem:s15+$0x0] =	vst v1  }
0x385: {  	_ =	swait.ge [sflag:s11], $0x8000  }
0x386: {  	[sflag:s11] =	ssyncset.done $0x0  }
0x387: {  	s17 =	simm.s32 $0x1700;
	[sflag:s11] =	ssyncadd.s32 $0xFFFF8000  }
0x388: {  	[tilespmem:s9], [sflag:$0x2] =	stream.linear.gather [hbm4b:s31+s2], $0x8000, $0x38;
	[tilespmem:$0x1C000] =	vst v63  }
0x389: {  	v1 =	vld [tilespmem:s17+$0x0];
	_ =	sdelay $0x1  }
0x38a: {  	s18 =	simm.s32 $0x200  }
0x38b: {  	v2 =	vmov s18  }
0x38c: {  	v2 =	vshll.u32 v2, $0x7  }
0x38d: {  	v2 =	vor.u32 v0, v2;
	v3 =	vand.u32 $0xFFFFFF80, v1  }
0x38e: {  	v1 =	vand.u32 $0x7F, v1;
	v2 =	vadd.s32 v2, v3  }
0x38f: {  	v1 =	vor.u32 v1, v2;
	_ =	sdelay $0x4  }
0x390: {  	v1 =	vld.idx.msk [tilespmem:v1+s8+$0x0], $0xffff;
	_ =	sdelay $0x4  }
0x391: {  	v1 =	vmul.f32 $9.990000120e-01, v1  }
0x392: {  	s15 =	simm.s32 $0x1B700  }
0x393: {  	s16 =	simm.s32 $0x1710;
	[tilespmem:s15+$0x0] =	vst v1  }
0x394: {  	s18 =	simm.s32 $0x220;
	s17 =	simm.s32 $0x210;
	v1 =	vld [tilespmem:s16+$0x0]  }
.LBB2_48:
0x395: {  	p0 =	sne.s32 s18, $0x2F0;
	_ =	sdelay $0x1  }
0x396: {  	v2 =	vmov s17;
	s17 =	smov.u32 s18  }
0x397: {  	v2 =	vshll.u32 v2, $0x7  }
0x398: {  	v2 =	vor.u32 v0, v2;
	v3 =	vand.u32 $0xFFFFFF80, v1  }
0x399: {  	v1 =	vand.u32 $0x7F, v1;
	v2 =	vadd.s32 v2, v3  }
0x39a: {  	v1 =	vor.u32 v1, v2;
	_ =	sdelay $0x4  }
0x39b: {  	v1 =	vld.idx.msk [tilespmem:v1+s8+$0x0], $0xffff;
	_ =	sdelay $0x4  }
.Ltmp23:
0x39c: {  	(pc) =	sbr.rel @p0 .LBB2_48-.Ltmp23, $4  }
0x39d: {  	v1 =	vmul.f32 $9.990000120e-01, v1  }
0x39e: {  	s15 =	sadd.s32 $0x10, s15  }
0x39f: {  	s16 =	sadd.s32 $0x10, s16;
	[tilespmem:s15+$0x0] =	vst v1  }
0x3a0: {  	s18 =	sadd.s32 $0x10, s18;
	v1 =	vld [tilespmem:s16+$0x0]  }
0x3a1: {  	_ =	sdelay $0x1  }
0x3a2: {  	v2 =	vmov s17  }
0x3a3: {  	v2 =	vshll.u32 v2, $0x7  }
0x3a4: {  	v2 =	vor.u32 v0, v2;
	v3 =	vand.u32 $0xFFFFFF80, v1  }
0x3a5: {  	v1 =	vand.u32 $0x7F, v1;
	v2 =	vadd.s32 v2, v3  }
0x3a6: {  	v1 =	vor.u32 v1, v2;
	_ =	sdelay $0x4  }
0x3a7: {  	v1 =	vld.idx.msk [tilespmem:v1+s8+$0x0], $0xffff;
	_ =	sdelay $0x4  }
0x3a8: {  	v1 =	vmul.f32 $9.990000120e-01, v1  }
0x3a9: {  	s15 =	sadd.s32 $0x10, s15  }
0x3aa: {  	[tilespmem:s15+$0x0] =	vst v1  }
0x3ab: {  	_ =	swait.ge [sflag:s11], $0x8000  }
0x3ac: {  	[sflag:s11] =	ssyncset.done $0x0  }
0x3ad: {  	s18 =	simm.s32 $0x0;
	s16 =	simm.s32 $0x1800;
	[sflag:s11] =	ssyncadd.s32 $0xFFFF8000  }
0x3ae: {  	[tilespmem:s12], [sflag:$0x2] =	stream.linear.gather [hbm4b:s0+s18], $0x8000, $0x38;
	[tilespmem:$0x1C000] =	vst v63  }
0x3af: {  	v1 =	vld [tilespmem:s16+$0x0];
	_ =	sdelay $0x2  }
0x3b0: {  	v2 =	vmov s18  }
0x3b1: {  	v2 =	vshll.u32 v2, $0x7  }
0x3b2: {  	v2 =	vor.u32 v0, v2;
	v3 =	vand.u32 $0xFFFFFF80, v1  }
0x3b3: {  	v1 =	vand.u32 $0x7F, v1;
	v2 =	vadd.s32 v2, v3  }
0x3b4: {  	v1 =	vor.u32 v1, v2;
	_ =	sdelay $0x4  }
0x3b5: {  	v1 =	vld.idx.msk [tilespmem:v1+s8+$0x0], $0xffff;
	_ =	sdelay $0x4  }
0x3b6: {  	v1 =	vmul.f32 $9.990000120e-01, v1  }
0x3b7: {  	s15 =	simm.s32 $0x1B800  }
0x3b8: {  	s16 =	simm.s32 $0x1810;
	[tilespmem:s15+$0x0] =	vst v1  }
0x3b9: {  	s17 =	simm.s32 $0x10;
	s18 =	simm.s32 $0x20;
	v1 =	vld [tilespmem:s16+$0x0]  }
.LBB2_50:
0x3ba: {  	p0 =	sne.s32 s18, $0xF0;
	_ =	sdelay $0x1  }
0x3bb: {  	v2 =	vmov s17;
	s17 =	smov.u32 s18  }
0x3bc: {  	v2 =	vshll.u32 v2, $0x7  }
0x3bd: {  	v2 =	vor.u32 v0, v2;
	v3 =	vand.u32 $0xFFFFFF80, v1  }
0x3be: {  	v1 =	vand.u32 $0x7F, v1;
	v2 =	vadd.s32 v2, v3  }
0x3bf: {  	v1 =	vor.u32 v1, v2;
	_ =	sdelay $0x4  }
0x3c0: {  	v1 =	vld.idx.msk [tilespmem:v1+s8+$0x0], $0xffff;
	_ =	sdelay $0x4  }
.Ltmp24:
0x3c1: {  	(pc) =	sbr.rel @p0 .LBB2_50-.Ltmp24, $4  }
0x3c2: {  	v1 =	vmul.f32 $9.990000120e-01, v1  }
0x3c3: {  	s15 =	sadd.s32 $0x10, s15  }
0x3c4: {  	s16 =	sadd.s32 $0x10, s16;
	[tilespmem:s15+$0x0] =	vst v1  }
0x3c5: {  	s18 =	sadd.s32 $0x10, s18;
	v1 =	vld [tilespmem:s16+$0x0]  }
0x3c6: {  	_ =	sdelay $0x1  }
0x3c7: {  	v2 =	vmov s17  }
0x3c8: {  	v2 =	vshll.u32 v2, $0x7  }
0x3c9: {  	v2 =	vor.u32 v0, v2;
	v3 =	vand.u32 $0xFFFFFF80, v1  }
0x3ca: {  	v1 =	vand.u32 $0x7F, v1;
	v2 =	vadd.s32 v2, v3  }
0x3cb: {  	v1 =	vor.u32 v1, v2;
	_ =	sdelay $0x4  }
0x3cc: {  	v1 =	vld.idx.msk [tilespmem:v1+s8+$0x0], $0xffff;
	_ =	sdelay $0x4  }
0x3cd: {  	v1 =	vmul.f32 $9.990000120e-01, v1  }
0x3ce: {  	s15 =	sadd.s32 $0x10, s15  }
0x3cf: {  	[tilespmem:s15+$0x0] =	vst v1  }
0x3d0: {  	_ =	swait.ge [sflag:s11], $0x8000  }
0x3d1: {  	[sflag:s11] =	ssyncset.done $0x0  }
0x3d2: {  	s17 =	simm.s32 $0x1900;
	[sflag:s11] =	ssyncadd.s32 $0xFFFF8000  }
0x3d3: {  	[tilespmem:s8], [sflag:$0x2] =	stream.linear.gather [hbm4b:s1+s2], $0x8000, $0x38;
	[tilespmem:$0x1C000] =	vst v63  }
0x3d4: {  	v1 =	vld [tilespmem:s17+$0x0];
	_ =	sdelay $0x1  }
0x3d5: {  	s18 =	simm.s32 $0x100  }
0x3d6: {  	v2 =	vmov s18  }
0x3d7: {  	v2 =	vshll.u32 v2, $0x7  }
0x3d8: {  	v2 =	vor.u32 v0, v2;
	v3 =	vand.u32 $0xFFFFFF80, v1  }
0x3d9: {  	v1 =	vand.u32 $0x7F, v1;
	v2 =	vadd.s32 v2, v3  }
0x3da: {  	v1 =	vor.u32 v1, v2;
	_ =	sdelay $0x4  }
0x3db: {  	v1 =	vld.idx.msk [tilespmem:v1+s8+$0x0], $0xffff;
	_ =	sdelay $0x4  }
0x3dc: {  	v1 =	vmul.f32 $9.990000120e-01, v1  }
0x3dd: {  	s15 =	simm.s32 $0x1B900  }
0x3de: {  	s16 =	simm.s32 $0x1910;
	[tilespmem:s15+$0x0] =	vst v1  }
0x3df: {  	s18 =	simm.s32 $0x120;
	s17 =	simm.s32 $0x110;
	v1 =	vld [tilespmem:s16+$0x0]  }
.LBB2_52:
0x3e0: {  	p0 =	sne.s32 s18, $0x1F0;
	_ =	sdelay $0x1  }
0x3e1: {  	v2 =	vmov s17;
	s17 =	smov.u32 s18  }
0x3e2: {  	v2 =	vshll.u32 v2, $0x7  }
0x3e3: {  	v2 =	vor.u32 v0, v2;
	v3 =	vand.u32 $0xFFFFFF80, v1  }
0x3e4: {  	v1 =	vand.u32 $0x7F, v1;
	v2 =	vadd.s32 v2, v3  }
0x3e5: {  	v1 =	vor.u32 v1, v2;
	_ =	sdelay $0x4  }
0x3e6: {  	v1 =	vld.idx.msk [tilespmem:v1+s8+$0x0], $0xffff;
	_ =	sdelay $0x4  }
.Ltmp25:
0x3e7: {  	(pc) =	sbr.rel @p0 .LBB2_52-.Ltmp25, $4  }
0x3e8: {  	v1 =	vmul.f32 $9.990000120e-01, v1  }
0x3e9: {  	s15 =	sadd.s32 $0x10, s15  }
0x3ea: {  	s16 =	sadd.s32 $0x10, s16;
	[tilespmem:s15+$0x0] =	vst v1  }
0x3eb: {  	s18 =	sadd.s32 $0x10, s18;
	v1 =	vld [tilespmem:s16+$0x0]  }
0x3ec: {  	_ =	sdelay $0x1  }
0x3ed: {  	v2 =	vmov s17  }
0x3ee: {  	v2 =	vshll.u32 v2, $0x7  }
0x3ef: {  	v2 =	vor.u32 v0, v2;
	v3 =	vand.u32 $0xFFFFFF80, v1  }
0x3f0: {  	v1 =	vand.u32 $0x7F, v1;
	v2 =	vadd.s32 v2, v3  }
0x3f1: {  	v1 =	vor.u32 v1, v2;
	_ =	sdelay $0x4  }
0x3f2: {  	v1 =	vld.idx.msk [tilespmem:v1+s8+$0x0], $0xffff;
	_ =	sdelay $0x4  }
0x3f3: {  	v1 =	vmul.f32 $9.990000120e-01, v1  }
0x3f4: {  	s15 =	sadd.s32 $0x10, s15  }
0x3f5: {  	[tilespmem:s15+$0x0] =	vst v1  }
0x3f6: {  	_ =	swait.ge [sflag:s11], $0x8000  }
0x3f7: {  	[sflag:s11] =	ssyncset.done $0x0  }
0x3f8: {  	s17 =	simm.s32 $0x1A00;
	[sflag:s11] =	ssyncadd.s32 $0xFFFF8000  }
0x3f9: {  	[tilespmem:s9], [sflag:$0x2] =	stream.linear.gather [hbm4b:s3+s2], $0x8000, $0x38;
	[tilespmem:$0x1C000] =	vst v63  }
0x3fa: {  	v1 =	vld [tilespmem:s17+$0x0];
	_ =	sdelay $0x1  }
0x3fb: {  	s18 =	simm.s32 $0x200  }
0x3fc: {  	v2 =	vmov s18  }
0x3fd: {  	v2 =	vshll.u32 v2, $0x7  }
0x3fe: {  	v2 =	vor.u32 v0, v2;
	v3 =	vand.u32 $0xFFFFFF80, v1  }
0x3ff: {  	v1 =	vand.u32 $0x7F, v1;
	v2 =	vadd.s32 v2, v3  }
0x400: {  	v1 =	vor.u32 v1, v2;
	_ =	sdelay $0x4  }
0x401: {  	v1 =	vld.idx.msk [tilespmem:v1+s8+$0x0], $0xffff;
	_ =	sdelay $0x4  }
0x402: {  	v1 =	vmul.f32 $9.990000120e-01, v1  }
0x403: {  	s15 =	simm.s32 $0x1BA00  }
0x404: {  	s16 =	simm.s32 $0x1A10;
	[tilespmem:s15+$0x0] =	vst v1  }
0x405: {  	s18 =	simm.s32 $0x220;
	s17 =	simm.s32 $0x210;
	v1 =	vld [tilespmem:s16+$0x0]  }
.LBB2_54:
0x406: {  	p0 =	sne.s32 s18, $0x2F0;
	_ =	sdelay $0x1  }
0x407: {  	v2 =	vmov s17;
	s17 =	smov.u32 s18  }
0x408: {  	v2 =	vshll.u32 v2, $0x7  }
0x409: {  	v2 =	vor.u32 v0, v2;
	v3 =	vand.u32 $0xFFFFFF80, v1  }
0x40a: {  	v1 =	vand.u32 $0x7F, v1;
	v2 =	vadd.s32 v2, v3  }
0x40b: {  	v1 =	vor.u32 v1, v2;
	_ =	sdelay $0x4  }
0x40c: {  	v1 =	vld.idx.msk [tilespmem:v1+s8+$0x0], $0xffff;
	_ =	sdelay $0x4  }
.Ltmp26:
0x40d: {  	(pc) =	sbr.rel @p0 .LBB2_54-.Ltmp26, $4  }
0x40e: {  	v1 =	vmul.f32 $9.990000120e-01, v1  }
0x40f: {  	s15 =	sadd.s32 $0x10, s15  }
0x410: {  	s16 =	sadd.s32 $0x10, s16;
	[tilespmem:s15+$0x0] =	vst v1  }
0x411: {  	s18 =	sadd.s32 $0x10, s18;
	v1 =	vld [tilespmem:s16+$0x0]  }
0x412: {  	_ =	sdelay $0x1  }
0x413: {  	v2 =	vmov s17  }
0x414: {  	v2 =	vshll.u32 v2, $0x7  }
0x415: {  	v2 =	vor.u32 v0, v2;
	v3 =	vand.u32 $0xFFFFFF80, v1  }
0x416: {  	v1 =	vand.u32 $0x7F, v1;
	v2 =	vadd.s32 v2, v3  }
0x417: {  	v1 =	vor.u32 v1, v2;
	_ =	sdelay $0x4  }
0x418: {  	v1 =	vld.idx.msk [tilespmem:v1+s8+$0x0], $0xffff;
	_ =	sdelay $0x4  }
0x419: {  	v1 =	vmul.f32 $9.990000120e-01, v1  }
0x41a: {  	s15 =	sadd.s32 $0x10, s15  }
0x41b: {  	[tilespmem:s15+$0x0] =	vst v1  }
0x41c: {  	_ =	swait.ge [sflag:s11], $0x8000  }
0x41d: {  	[sflag:s11] =	ssyncset.done $0x0  }
0x41e: {  	s18 =	simm.s32 $0x0;
	s16 =	simm.s32 $0x1B00;
	[sflag:s11] =	ssyncadd.s32 $0xFFFF8000  }
0x41f: {  	[tilespmem:s12], [sflag:$0x2] =	stream.linear.gather [hbm4b:s4+s18], $0x8000, $0x38;
	[tilespmem:$0x1C000] =	vst v63  }
0x420: {  	v1 =	vld [tilespmem:s16+$0x0];
	_ =	sdelay $0x2  }
0x421: {  	v2 =	vmov s18  }
0x422: {  	v2 =	vshll.u32 v2, $0x7  }
0x423: {  	v2 =	vor.u32 v0, v2;
	v3 =	vand.u32 $0xFFFFFF80, v1  }
0x424: {  	v1 =	vand.u32 $0x7F, v1;
	v2 =	vadd.s32 v2, v3  }
0x425: {  	v1 =	vor.u32 v1, v2;
	_ =	sdelay $0x4  }
0x426: {  	v1 =	vld.idx.msk [tilespmem:v1+s8+$0x0], $0xffff;
	_ =	sdelay $0x4  }
0x427: {  	v1 =	vmul.f32 $9.990000120e-01, v1  }
0x428: {  	s15 =	simm.s32 $0x1BB00  }
0x429: {  	s16 =	simm.s32 $0x1B10;
	[tilespmem:s15+$0x0] =	vst v1  }
0x42a: {  	s17 =	simm.s32 $0x10;
	s18 =	simm.s32 $0x20;
	v1 =	vld [tilespmem:s16+$0x0]  }
.LBB2_56:
0x42b: {  	p0 =	sne.s32 s18, $0xF0;
	_ =	sdelay $0x1  }
0x42c: {  	v2 =	vmov s17;
	s17 =	smov.u32 s18  }
0x42d: {  	v2 =	vshll.u32 v2, $0x7  }
0x42e: {  	v2 =	vor.u32 v0, v2;
	v3 =	vand.u32 $0xFFFFFF80, v1  }
0x42f: {  	v1 =	vand.u32 $0x7F, v1;
	v2 =	vadd.s32 v2, v3  }
0x430: {  	v1 =	vor.u32 v1, v2;
	_ =	sdelay $0x4  }
0x431: {  	v1 =	vld.idx.msk [tilespmem:v1+s8+$0x0], $0xffff;
	_ =	sdelay $0x4  }
.Ltmp27:
0x432: {  	(pc) =	sbr.rel @p0 .LBB2_56-.Ltmp27, $4  }
0x433: {  	v1 =	vmul.f32 $9.990000120e-01, v1  }
0x434: {  	s15 =	sadd.s32 $0x10, s15  }
0x435: {  	s16 =	sadd.s32 $0x10, s16;
	[tilespmem:s15+$0x0] =	vst v1  }
0x436: {  	s18 =	sadd.s32 $0x10, s18;
	v1 =	vld [tilespmem:s16+$0x0]  }
0x437: {  	_ =	sdelay $0x1  }
0x438: {  	v2 =	vmov s17  }
0x439: {  	v2 =	vshll.u32 v2, $0x7  }
0x43a: {  	v2 =	vor.u32 v0, v2;
	v3 =	vand.u32 $0xFFFFFF80, v1  }
0x43b: {  	v1 =	vand.u32 $0x7F, v1;
	v2 =	vadd.s32 v2, v3  }
0x43c: {  	v1 =	vor.u32 v1, v2;
	_ =	sdelay $0x4  }
0x43d: {  	v1 =	vld.idx.msk [tilespmem:v1+s8+$0x0], $0xffff;
	_ =	sdelay $0x4  }
0x43e: {  	v1 =	vmul.f32 $9.990000120e-01, v1  }
0x43f: {  	s15 =	sadd.s32 $0x10, s15  }
0x440: {  	[tilespmem:s15+$0x0] =	vst v1  }
0x441: {  	_ =	swait.ge [sflag:s11], $0x8000  }
0x442: {  	[sflag:s11] =	ssyncset.done $0x0  }
0x443: {  	s17 =	simm.s32 $0x1C00;
	[sflag:s11] =	ssyncadd.s32 $0xFFFF8000  }
0x444: {  	[tilespmem:s8], [sflag:$0x2] =	stream.linear.gather [hbm4b:s5+s2], $0x8000, $0x38;
	[tilespmem:$0x1C000] =	vst v63  }
0x445: {  	v1 =	vld [tilespmem:s17+$0x0];
	_ =	sdelay $0x1  }
0x446: {  	s18 =	simm.s32 $0x100  }
0x447: {  	v2 =	vmov s18  }
0x448: {  	v2 =	vshll.u32 v2, $0x7  }
0x449: {  	v2 =	vor.u32 v0, v2;
	v3 =	vand.u32 $0xFFFFFF80, v1  }
0x44a: {  	v1 =	vand.u32 $0x7F, v1;
	v2 =	vadd.s32 v2, v3  }
0x44b: {  	v1 =	vor.u32 v1, v2;
	_ =	sdelay $0x4  }
0x44c: {  	v1 =	vld.idx.msk [tilespmem:v1+s8+$0x0], $0xffff;
	_ =	sdelay $0x4  }
0x44d: {  	v1 =	vmul.f32 $9.990000120e-01, v1  }
0x44e: {  	s15 =	simm.s32 $0x1BC00  }
0x44f: {  	s16 =	simm.s32 $0x1C10;
	[tilespmem:s15+$0x0] =	vst v1  }
0x450: {  	s18 =	simm.s32 $0x120;
	s17 =	simm.s32 $0x110;
	v1 =	vld [tilespmem:s16+$0x0]  }
.LBB2_58:
0x451: {  	p0 =	sne.s32 s18, $0x1F0;
	_ =	sdelay $0x1  }
0x452: {  	v2 =	vmov s17;
	s17 =	smov.u32 s18  }
0x453: {  	v2 =	vshll.u32 v2, $0x7  }
0x454: {  	v2 =	vor.u32 v0, v2;
	v3 =	vand.u32 $0xFFFFFF80, v1  }
0x455: {  	v1 =	vand.u32 $0x7F, v1;
	v2 =	vadd.s32 v2, v3  }
0x456: {  	v1 =	vor.u32 v1, v2;
	_ =	sdelay $0x4  }
0x457: {  	v1 =	vld.idx.msk [tilespmem:v1+s8+$0x0], $0xffff;
	_ =	sdelay $0x4  }
.Ltmp28:
0x458: {  	(pc) =	sbr.rel @p0 .LBB2_58-.Ltmp28, $4  }
0x459: {  	v1 =	vmul.f32 $9.990000120e-01, v1  }
0x45a: {  	s15 =	sadd.s32 $0x10, s15  }
0x45b: {  	s16 =	sadd.s32 $0x10, s16;
	[tilespmem:s15+$0x0] =	vst v1  }
0x45c: {  	s18 =	sadd.s32 $0x10, s18;
	v1 =	vld [tilespmem:s16+$0x0]  }
0x45d: {  	_ =	sdelay $0x1  }
0x45e: {  	v2 =	vmov s17  }
0x45f: {  	v2 =	vshll.u32 v2, $0x7  }
0x460: {  	v2 =	vor.u32 v0, v2;
	v3 =	vand.u32 $0xFFFFFF80, v1  }
0x461: {  	v1 =	vand.u32 $0x7F, v1;
	v2 =	vadd.s32 v2, v3  }
0x462: {  	v1 =	vor.u32 v1, v2;
	_ =	sdelay $0x4  }
0x463: {  	v1 =	vld.idx.msk [tilespmem:v1+s8+$0x0], $0xffff;
	_ =	sdelay $0x4  }
0x464: {  	v1 =	vmul.f32 $9.990000120e-01, v1  }
0x465: {  	s15 =	sadd.s32 $0x10, s15  }
0x466: {  	[tilespmem:s15+$0x0] =	vst v1  }
0x467: {  	_ =	swait.ge [sflag:s11], $0x8000  }
0x468: {  	[sflag:s11] =	ssyncset.done $0x0  }
0x469: {  	s17 =	simm.s32 $0x1D00;
	[sflag:s11] =	ssyncadd.s32 $0xFFFF8000  }
0x46a: {  	[tilespmem:s9], [sflag:$0x2] =	stream.linear.gather [hbm4b:s6+s2], $0x8000, $0x38;
	[tilespmem:$0x1C000] =	vst v63  }
0x46b: {  	v1 =	vld [tilespmem:s17+$0x0];
	_ =	sdelay $0x1  }
0x46c: {  	s18 =	simm.s32 $0x200  }
0x46d: {  	v2 =	vmov s18  }
0x46e: {  	v2 =	vshll.u32 v2, $0x7  }
0x46f: {  	v2 =	vor.u32 v0, v2;
	v3 =	vand.u32 $0xFFFFFF80, v1  }
0x470: {  	v1 =	vand.u32 $0x7F, v1;
	v2 =	vadd.s32 v2, v3  }
0x471: {  	v1 =	vor.u32 v1, v2;
	_ =	sdelay $0x4  }
0x472: {  	v1 =	vld.idx.msk [tilespmem:v1+s8+$0x0], $0xffff;
	_ =	sdelay $0x4  }
0x473: {  	v1 =	vmul.f32 $9.990000120e-01, v1  }
0x474: {  	s15 =	simm.s32 $0x1BD00  }
0x475: {  	s16 =	simm.s32 $0x1D10;
	[tilespmem:s15+$0x0] =	vst v1  }
0x476: {  	s18 =	simm.s32 $0x220;
	s17 =	simm.s32 $0x210;
	v1 =	vld [tilespmem:s16+$0x0]  }
.LBB2_60:
0x477: {  	p0 =	sne.s32 s18, $0x2F0;
	_ =	sdelay $0x1  }
0x478: {  	v2 =	vmov s17;
	s17 =	smov.u32 s18  }
0x479: {  	v2 =	vshll.u32 v2, $0x7  }
0x47a: {  	v2 =	vor.u32 v0, v2;
	v3 =	vand.u32 $0xFFFFFF80, v1  }
0x47b: {  	v1 =	vand.u32 $0x7F, v1;
	v2 =	vadd.s32 v2, v3  }
0x47c: {  	v1 =	vor.u32 v1, v2;
	_ =	sdelay $0x4  }
0x47d: {  	v1 =	vld.idx.msk [tilespmem:v1+s8+$0x0], $0xffff;
	_ =	sdelay $0x4  }
.Ltmp29:
0x47e: {  	(pc) =	sbr.rel @p0 .LBB2_60-.Ltmp29, $4  }
0x47f: {  	v1 =	vmul.f32 $9.990000120e-01, v1  }
0x480: {  	s15 =	sadd.s32 $0x10, s15  }
0x481: {  	s16 =	sadd.s32 $0x10, s16;
	[tilespmem:s15+$0x0] =	vst v1  }
0x482: {  	s18 =	sadd.s32 $0x10, s18;
	v1 =	vld [tilespmem:s16+$0x0]  }
0x483: {  	_ =	sdelay $0x1  }
0x484: {  	v2 =	vmov s17  }
0x485: {  	v2 =	vshll.u32 v2, $0x7  }
0x486: {  	v2 =	vor.u32 v0, v2;
	v3 =	vand.u32 $0xFFFFFF80, v1  }
0x487: {  	v1 =	vand.u32 $0x7F, v1;
	v2 =	vadd.s32 v2, v3  }
0x488: {  	v1 =	vor.u32 v1, v2;
	_ =	sdelay $0x4  }
0x489: {  	v1 =	vld.idx.msk [tilespmem:v1+s8+$0x0], $0xffff;
	_ =	sdelay $0x4  }
0x48a: {  	v1 =	vmul.f32 $9.990000120e-01, v1  }
0x48b: {  	s15 =	sadd.s32 $0x10, s15  }
0x48c: {  	[tilespmem:s15+$0x0] =	vst v1  }
0x48d: {  	_ =	swait.ge [sflag:s11], $0x8000  }
0x48e: {  	[sflag:s11] =	ssyncset.done $0x0  }
0x48f: {  	s17 =	simm.s32 $0x1E00;
	[sflag:s11] =	ssyncadd.s32 $0xFFFF8000  }
0x490: {  	v1 =	vld [tilespmem:s17+$0x0];
	_ =	sdelay $0x1  }
0x491: {  	s18 =	simm.s32 $0x0  }
0x492: {  	v2 =	vmov s18  }
0x493: {  	v2 =	vshll.u32 v2, $0x7  }
0x494: {  	v2 =	vor.u32 v0, v2;
	v3 =	vand.u32 $0xFFFFFF80, v1  }
0x495: {  	v1 =	vand.u32 $0x7F, v1;
	v2 =	vadd.s32 v2, v3  }
0x496: {  	v1 =	vor.u32 v1, v2;
	_ =	sdelay $0x4  }
0x497: {  	v1 =	vld.idx.msk [tilespmem:v1+s8+$0x0], $0xffff;
	_ =	sdelay $0x4  }
0x498: {  	v1 =	vmul.f32 $9.990000120e-01, v1  }
0x499: {  	s15 =	simm.s32 $0x1BE00  }
0x49a: {  	s16 =	simm.s32 $0x1E10;
	[tilespmem:s15+$0x0] =	vst v1  }
0x49b: {  	s18 =	simm.s32 $0x20;
	s17 =	simm.s32 $0x10;
	v1 =	vld [tilespmem:s16+$0x0]  }
.LBB2_62:
0x49c: {  	p0 =	sne.s32 s18, $0xF0;
	_ =	sdelay $0x1  }
0x49d: {  	v2 =	vmov s17;
	s17 =	smov.u32 s18  }
0x49e: {  	v2 =	vshll.u32 v2, $0x7  }
0x49f: {  	v2 =	vor.u32 v0, v2;
	v3 =	vand.u32 $0xFFFFFF80, v1  }
0x4a0: {  	v1 =	vand.u32 $0x7F, v1;
	v2 =	vadd.s32 v2, v3  }
0x4a1: {  	v1 =	vor.u32 v1, v2;
	_ =	sdelay $0x4  }
0x4a2: {  	v1 =	vld.idx.msk [tilespmem:v1+s8+$0x0], $0xffff;
	_ =	sdelay $0x4  }
.Ltmp30:
0x4a3: {  	(pc) =	sbr.rel @p0 .LBB2_62-.Ltmp30, $4  }
0x4a4: {  	v1 =	vmul.f32 $9.990000120e-01, v1  }
0x4a5: {  	s15 =	sadd.s32 $0x10, s15  }
0x4a6: {  	s16 =	sadd.s32 $0x10, s16;
	[tilespmem:s15+$0x0] =	vst v1  }
0x4a7: {  	s18 =	sadd.s32 $0x10, s18;
	v1 =	vld [tilespmem:s16+$0x0]  }
0x4a8: {  	_ =	sdelay $0x1  }
0x4a9: {  	v2 =	vmov s17  }
0x4aa: {  	v2 =	vshll.u32 v2, $0x7  }
0x4ab: {  	v2 =	vor.u32 v0, v2;
	v3 =	vand.u32 $0xFFFFFF80, v1  }
0x4ac: {  	v1 =	vand.u32 $0x7F, v1;
	v2 =	vadd.s32 v2, v3  }
0x4ad: {  	v1 =	vor.u32 v1, v2;
	_ =	sdelay $0x4  }
0x4ae: {  	v1 =	vld.idx.msk [tilespmem:v1+s8+$0x0], $0xffff;
	_ =	sdelay $0x4  }
0x4af: {  	v1 =	vmul.f32 $9.990000120e-01, v1  }
0x4b0: {  	s15 =	sadd.s32 $0x10, s15  }
0x4b1: {  	[tilespmem:s15+$0x0] =	vst v1  }
0x4b2: {  	_ =	swait.ge [sflag:s11], $0x8000  }
0x4b3: {  	[sflag:s11] =	ssyncset.done $0x0  }
0x4b4: {  	s17 =	simm.s32 $0x1F00;
	[sflag:s11] =	ssyncadd.s32 $0xFFFF8000  }
0x4b5: {  	v1 =	vld [tilespmem:s17+$0x0];
	_ =	sdelay $0x1  }
0x4b6: {  	s18 =	simm.s32 $0x100  }
0x4b7: {  	v2 =	vmov s18  }
0x4b8: {  	v2 =	vshll.u32 v2, $0x7  }
0x4b9: {  	v2 =	vor.u32 v0, v2;
	v3 =	vand.u32 $0xFFFFFF80, v1  }
0x4ba: {  	v1 =	vand.u32 $0x7F, v1;
	v2 =	vadd.s32 v2, v3  }
0x4bb: {  	v1 =	vor.u32 v1, v2;
	_ =	sdelay $0x4  }
0x4bc: {  	v1 =	vld.idx.msk [tilespmem:v1+s8+$0x0], $0xffff;
	_ =	sdelay $0x4  }
0x4bd: {  	v1 =	vmul.f32 $9.990000120e-01, v1  }
0x4be: {  	s15 =	simm.s32 $0x1BF00  }
0x4bf: {  	s16 =	simm.s32 $0x1F10;
	[tilespmem:s15+$0x0] =	vst v1  }
0x4c0: {  	s18 =	simm.s32 $0x120;
	s17 =	simm.s32 $0x110;
	v1 =	vld [tilespmem:s16+$0x0]  }
.LBB2_64:
0x4c1: {  	p0 =	sne.s32 s18, $0x1F0;
	_ =	sdelay $0x1  }
0x4c2: {  	v2 =	vmov s17;
	s17 =	smov.u32 s18  }
0x4c3: {  	v2 =	vshll.u32 v2, $0x7  }
0x4c4: {  	v2 =	vor.u32 v0, v2;
	v3 =	vand.u32 $0xFFFFFF80, v1  }
0x4c5: {  	v1 =	vand.u32 $0x7F, v1;
	v2 =	vadd.s32 v2, v3  }
0x4c6: {  	v1 =	vor.u32 v1, v2;
	_ =	sdelay $0x4  }
0x4c7: {  	v1 =	vld.idx.msk [tilespmem:v1+s8+$0x0], $0xffff;
	_ =	sdelay $0x4  }
.Ltmp31:
0x4c8: {  	(pc) =	sbr.rel @p0 .LBB2_64-.Ltmp31, $4  }
0x4c9: {  	v1 =	vmul.f32 $9.990000120e-01, v1  }
0x4ca: {  	s15 =	sadd.s32 $0x10, s15  }
0x4cb: {  	s16 =	sadd.s32 $0x10, s16;
	[tilespmem:s15+$0x0] =	vst v1  }
0x4cc: {  	s18 =	sadd.s32 $0x10, s18;
	v1 =	vld [tilespmem:s16+$0x0]  }
0x4cd: {  	_ =	sdelay $0x1  }
0x4ce: {  	v2 =	vmov s17  }
0x4cf: {  	v2 =	vshll.u32 v2, $0x7  }
0x4d0: {  	v2 =	vor.u32 v0, v2;
	v3 =	vand.u32 $0xFFFFFF80, v1  }
0x4d1: {  	v1 =	vand.u32 $0x7F, v1;
	v2 =	vadd.s32 v2, v3  }
0x4d2: {  	v1 =	vor.u32 v1, v2;
	_ =	sdelay $0x4  }
0x4d3: {  	v1 =	vld.idx.msk [tilespmem:v1+s8+$0x0], $0xffff;
	_ =	sdelay $0x4  }
0x4d4: {  	s14 =	sadd.s32 $0x1, s14;
	v1 =	vmul.f32 $9.990000120e-01, v1  }
0x4d5: {  	s15 =	sadd.s32 $0x10, s15;
	p0 =	sne.s32 s14, s7  }
.Ltmp32:
0x4d6: {  	s17 =	simm.s32 $0x1A000;
	[tilespmem:s15+$0x0] =	vst v1;
	(pc) =	sbr.rel @p0 .LBB2_1-.Ltmp32, $4  }
0x4d7: {  	[hbm4b:s22+s2] =	stream.linear.scatter [tilespmem:s17], [sflag:$0x3], $0x2000, $0x38;
	[tilespmem:$0x1C000] =	vst v63  }
0x4d8: {  	_ =	swait.ge [sflag:s13], $0x2000  }
0x4d9: {  	[sflag:s13] =	ssyncset.done $0x0  }
0x4da: {  	[sflag:s13] =	ssyncadd.s32 $0xFFFFE000  }
0x4db: {  	_ =	sfence.sel $0x180000  }
0x4dc: {  	[bflag:$0x0] =	sbarrier.arrive $0xFFFF  }
0x4dd: {  	_ =	strace $0x90000047  }
0x4de: {  	s0 =	stileid.u32;
	[bflag:$0x2] =	sbarrier.arrive $0xFFFF  }
0x4df: {  	p0 =	sne.s32 s0, $0x0;
	s0 =	rddreg [dreg:$0x2]  }
0x4e0: {  	s0 =	sadd.s32 @!p0 $0x100000, s0  }
0x4e1: {  	[sflag:s0] =	ssyncadd.tile.s32 @!p0 $0x1;
	_ =	shalt  }
.Lfunc_end2:
_tile_overlayer_lowered:
.L_overlay_start_2:
0x4e2: {  	(tag) =	ssettag $0x2  }
0x4e3: {  	s0 =	rddreg [dreg:$0x0];
	s2 =	stileid.u32  }
0x4e4: {  	s1 =	rddreg [dreg:$0x1];
	p0 =	sne.s32 s2, $0x0  }
0x4e5: {  	s3 =	rddreg [dreg:$0x2];
	[bflag:$0x3] =	sbarrier.arrive $0xFFFF;
	s2 =	simm.s32 @!p0 $0x1C03  }
0x4e6: {  	[timem:s3], [sflag:s2] =	dma.local @!p0 [hbm:s0], s1  }
0x4e7: {  	s0 =	simm.s32 @!p0 $0x3  }
0x4e8: {  	_ =	swait.ge @!p0 [sflag:s0], s1  }
0x4e9: {  	s1 =	ssub.s32 @!p0 $0x0, s1;
	[sflag:s0] =	ssyncset.done @!p0 $0x0  }
0x4ea: {  	[sflag:s0] =	ssyncadd.s32 @!p0 s1  }
0x4eb: {  	[bflag:$0x3] =	sbarrier.arrive $0xFFFF  }
0x4ec: {  	_ =	shalt  }

</sc_bundles>
